<compile_context>
chip_gen: v7x
topology: tpu7x:2x2x1
jax: 0.10.2.dev20260603
libtpu: 0.0.44.dev20260713+nightly
codegen_flags: <defaults>
</compile_context>

<pallas_src>
import jax
import jax.numpy as jnp
from jax import lax
from jax.experimental import pallas as pl
from jax.experimental.pallas import tpu as pltpu
from jax.experimental.pallas import tpu_sc as plsc

N = 10000
C = 128
B = 2048
RB = 2000

E = 320000
NW = 32
CHUNK = 128
NCH = 80
EP = NW * NCH * CHUNK
NP_SRC = N + 16
NP_DST = 10240
ZROWS = NP_DST // 16
QN = 2
QCH = NCH // QN
QS = 3


def _seg_body(x_hbm, si_hbm, di_hbm, z2_hbm, z1_hbm, ones_hbm,
              sums_hbm, cnts_hbm,
              si_v, di_v, ones_v, rows0_v, rows1_v, acc_s, cnt_s,
              gsem0, gsem1):
    c = lax.axis_index("c")
    s = lax.axis_index("s")
    pltpu.sync_copy(z2_hbm, acc_s.at[pl.ds(s * ZROWS, ZROWS)])
    pltpu.sync_copy(z1_hbm, cnt_s.at[pl.ds(s * ZROWS, ZROWS)])
    pltpu.sync_copy(ones_hbm, ones_v)
    plsc.subcore_barrier()

    nq = jnp.where(c == 0, QS, 2 * QN - QS)
    base = jnp.where(c == 0, s * (QS * QCH),
                     16 * QS * QCH + s * ((2 * QN - QS) * QCH))

    def quarter(q, carry):
        pltpu.sync_copy(si_hbm.at[pl.ds(base + q * QCH, QCH)], si_v)
        pltpu.sync_copy(di_hbm.at[pl.ds(base + q * QCH, QCH)], di_v)
        pltpu.async_copy(x_hbm.at[si_v.at[0]], rows0_v, gsem0)

        def body(i, carry2):
            j0 = 2 * i
            pltpu.async_copy(x_hbm.at[si_v.at[j0 + 1]], rows1_v, gsem1)
            pltpu.make_async_copy(x_hbm.at[si_v.at[0]], rows0_v, gsem0).wait()
            pltpu.sync_copy(rows0_v, acc_s.at[di_v.at[j0]], add=True)
            pltpu.sync_copy(ones_v, cnt_s.at[di_v.at[j0]], add=True)

            @pl.when(i + 1 < QCH // 2)
            def _():
                pltpu.async_copy(x_hbm.at[si_v.at[j0 + 2]], rows0_v, gsem0)

            pltpu.make_async_copy(x_hbm.at[si_v.at[0]], rows1_v, gsem1).wait()
            pltpu.sync_copy(rows1_v, acc_s.at[di_v.at[j0 + 1]], add=True)
            pltpu.sync_copy(ones_v, cnt_s.at[di_v.at[j0 + 1]], add=True)
            return carry2

        lax.fori_loop(0, QCH // 2, body, 0)
        return carry

    lax.fori_loop(0, nq, quarter, 0)
    plsc.subcore_barrier()
    pltpu.sync_copy(acc_s.at[pl.ds(s * ZROWS, ZROWS)],
                    sums_hbm.at[c].at[pl.ds(s * ZROWS, ZROWS)])
    pltpu.sync_copy(cnt_s.at[pl.ds(s * ZROWS, ZROWS)],
                    cnts_hbm.at[c].at[pl.ds(s * ZROWS, ZROWS)])


def _seg_sum_sc(xp, si2, di2, z2, z1, ones1):
    mesh = plsc.VectorSubcoreMesh(core_axis_name="c", subcore_axis_name="s")
    kfn = pl.kernel(
        _seg_body,
        out_type=[jax.ShapeDtypeStruct((2, NP_DST, C), jnp.float32),
                  jax.ShapeDtypeStruct((2, NP_DST), jnp.float32)],
        mesh=mesh,
        scratch_types=[
            pltpu.VMEM((QCH, CHUNK), jnp.int32),
            pltpu.VMEM((QCH, CHUNK), jnp.int32),
            pltpu.VMEM((CHUNK,), jnp.float32),
            pltpu.VMEM((CHUNK, C), jnp.float32),
            pltpu.VMEM((CHUNK, C), jnp.float32),
            pltpu.VMEM_SHARED((NP_DST, C), jnp.float32),
            pltpu.VMEM_SHARED((NP_DST,), jnp.float32),
            pltpu.SemaphoreType.DMA,
            pltpu.SemaphoreType.DMA,
        ],
    )
    return kfn(xp, si2, di2, z2, z1, ones1)


def _prep_edges(ei):
    src = jnp.pad(ei[0].astype(jnp.int32), (0, EP - E), constant_values=N + 8)
    dst = jnp.pad(ei[1].astype(jnp.int32), (0, EP - E), constant_values=NP_DST - 8)
    return src, dst


def _enc_body(tf_ref, W_ref, b_ref, rel_ref, wt_ref, bt_ref, o_ref):
    acc = jnp.dot(tf_ref[...], W_ref[...], preferred_element_type=jnp.float32)
    o_ref[...] = acc + b_ref[...] + bt_ref[...] + rel_ref[...] * wt_ref[...]


def _encode(tf, W, b, rel, wt, bt):
    n = tf.shape[0]
    grid = n // RB
    return pl.pallas_call(
        _enc_body,
        grid=(grid,),
        in_specs=[
            pl.BlockSpec((RB, C), lambda i: (i, 0)),
            pl.BlockSpec((C, C), lambda i: (0, 0)),
            pl.BlockSpec((1, C), lambda i: (0, 0)),
            pl.BlockSpec((RB, 1), lambda i: (i, 0)),
            pl.BlockSpec((1, C), lambda i: (0, 0)),
            pl.BlockSpec((1, C), lambda i: (0, 0)),
        ],
        out_specs=pl.BlockSpec((RB, C), lambda i: (i, 0)),
        out_shape=jax.ShapeDtypeStruct((n, C), jnp.float32),
    )(tf, W, b.reshape(1, C), rel, wt, bt.reshape(1, C))


def _sage_body(x_ref, s0_ref, s1_ref, cnt_ref, Ws_ref, Wn_ref, b_ref, o_ref):
    cnt = jnp.maximum(cnt_ref[...][:, 0:1] + cnt_ref[...][:, 1:2], 1.0)
    agg = (s0_ref[...] + s1_ref[...]) / cnt
    acc = jnp.dot(x_ref[...], Ws_ref[...], preferred_element_type=jnp.float32)
    acc = acc + jnp.dot(agg, Wn_ref[...], preferred_element_type=jnp.float32)
    o_ref[...] = jnp.maximum(acc + b_ref[...], 0.0)


def _sage(x, s0, s1, cntT, Ws, Wn, b, rb=RB):
    n = x.shape[0]
    grid = n // rb
    return pl.pallas_call(
        _sage_body,
        grid=(grid,),
        in_specs=[
            pl.BlockSpec((rb, C), lambda i: (i, 0)),
            pl.BlockSpec((rb, C), lambda i: (i, 0)),
            pl.BlockSpec((rb, C), lambda i: (i, 0)),
            pl.BlockSpec((rb, 2), lambda i: (i, 0)),
            pl.BlockSpec((C, C), lambda i: (0, 0)),
            pl.BlockSpec((C, C), lambda i: (0, 0)),
            pl.BlockSpec((1, C), lambda i: (0, 0)),
        ],
        out_specs=pl.BlockSpec((rb, C), lambda i: (i, 0)),
        out_shape=jax.ShapeDtypeStruct((n, C), jnp.float32),
    )(x, s0, s1, cntT, Ws, Wn, b.reshape(1, C))


def _head_body(x_ref, s0_ref, s1_ref, cnt_ref, Ws_ref, Wn_ref, b_ref,
               whT_ref, bh_ref, o_ref):
    cnt = jnp.maximum(cnt_ref[...][:, 0:1] + cnt_ref[...][:, 1:2], 1.0)
    agg = (s0_ref[...] + s1_ref[...]) / cnt
    acc = jnp.dot(x_ref[...], Ws_ref[...], preferred_element_type=jnp.float32)
    acc = acc + jnp.dot(agg, Wn_ref[...], preferred_element_type=jnp.float32)
    h = jnp.maximum(acc + b_ref[...], 0.0)
    o_ref[...] = jnp.sum(h * whT_ref[...], axis=1, keepdims=True) + bh_ref[0, 0]


def _sage_head(x, s0, s1, cntT, Ws, Wn, b, W_head, b_head):
    return pl.pallas_call(
        _head_body,
        grid=(1,),
        in_specs=[
            pl.BlockSpec((B, C), lambda i: (0, 0)),
            pl.BlockSpec((B, C), lambda i: (0, 0)),
            pl.BlockSpec((B, C), lambda i: (0, 0)),
            pl.BlockSpec((B, 2), lambda i: (0, 0)),
            pl.BlockSpec((C, C), lambda i: (0, 0)),
            pl.BlockSpec((C, C), lambda i: (0, 0)),
            pl.BlockSpec((1, C), lambda i: (0, 0)),
            pl.BlockSpec((1, C), lambda i: (0, 0)),
            pl.BlockSpec((1, 1), lambda i: (0, 0)),
        ],
        out_specs=pl.BlockSpec((B, 1), lambda i: (0, 0)),
        out_shape=jax.ShapeDtypeStruct((B, 1), jnp.float32),
    )(x, s0, s1, cntT, Ws, Wn, b.reshape(1, C), W_head.reshape(1, C),
      b_head.reshape(1, 1))


def kernel(tf_user, tf_item, edge_index_u2i, edge_index_i2u, seed_time,
           time_user, time_item, batch_user, batch_item,
           W_enc_user, b_enc_user, W_enc_item, b_enc_item,
           W_time_user, b_time_user, W_time_item, b_time_item,
           W_self_user_0, W_nbr_i2u_0, b_user_0,
           W_self_item_0, W_nbr_u2i_0, b_item_0,
           W_self_user_1, W_nbr_i2u_1, b_user_1,
           W_self_item_1, W_nbr_u2i_1, b_item_1,
           W_head, b_head):
    rel_u = (seed_time[batch_user] - time_user).astype(jnp.float32)[:, None] / 86400.0
    rel_i = (seed_time[batch_item] - time_item).astype(jnp.float32)[:, None] / 86400.0
    x_u = _encode(tf_user, W_enc_user, b_enc_user, rel_u, W_time_user, b_time_user)
    x_i = _encode(tf_item, W_enc_item, b_enc_item, rel_i, W_time_item, b_time_item)

    z2 = jnp.zeros((ZROWS, C), jnp.float32)
    z1 = jnp.zeros((ZROWS,), jnp.float32)
    ones1 = jnp.ones((CHUNK,), jnp.float32)
    si_i2u, di_i2u = _prep_edges(edge_index_i2u)
    si_u2i, di_u2i = _prep_edges(edge_index_u2i)
    si2_i2u = si_i2u.reshape(-1, CHUNK)
    di2_i2u = di_i2u.reshape(-1, CHUNK)
    pad_rows = ((0, NP_SRC - N), (0, 0))

    xp_i = jnp.pad(x_i, pad_rows)
    su0, cu0 = _seg_sum_sc(xp_i, si2_i2u, di2_i2u, z2, z1, ones1)
    si0, ci0 = _seg_sum_sc(jnp.pad(x_u, pad_rows),
                           si_u2i.reshape(-1, CHUNK), di_u2i.reshape(-1, CHUNK),
                           z2, z1, ones1)
    x_u1 = _sage(x_u[:B], su0[0, :B], su0[1, :B], cu0.T[:B],
                 W_self_user_0, W_nbr_i2u_0, b_user_0, rb=B)
    x_i1 = _sage(x_i, si0[0, :N], si0[1, :N], ci0.T[:N],
                 W_self_item_0, W_nbr_u2i_0, b_item_0)

    su1, cu1 = _seg_sum_sc(jnp.pad(x_i1, pad_rows), si2_i2u, di2_i2u,
                            z2, z1, ones1)
    return _sage_head(x_u1, su1[0, :B], su1[1, :B], cu1.T[:B],
                      W_self_user_1, W_nbr_i2u_1, b_user_1, W_head, b_head)

# --- scband reference (transcript-rebuilt; emitter-appended) ---
"""Pipeline reference for scband-model-73203422593248 (READ-ONLY COPY).

The authoritative reference and input builder live on the scoring server;
editing this copy changes nothing except your own understanding.
"""

import jax, jax.numpy as jnp
import numpy as np

N_USER = 10000
N_ITEM = 10000
E = 320000
C = 128
B = 2048
OUT = 1
NUM_LAYERS = 2

PARAM_SHAPES = {
    "W_enc_user": (C, C), "b_enc_user": (C,),
    "W_enc_item": (C, C), "b_enc_item": (C,),
    "W_time_user": (1, C), "b_time_user": (C,),
    "W_time_item": (1, C), "b_time_item": (C,),
    "W_self_user_0": (C, C), "W_nbr_i2u_0": (C, C), "b_user_0": (C,),
    "W_self_item_0": (C, C), "W_nbr_u2i_0": (C, C), "b_item_0": (C,),
    "W_self_user_1": (C, C), "W_nbr_i2u_1": (C, C), "b_user_1": (C,),
    "W_self_item_1": (C, C), "W_nbr_u2i_1": (C, C), "b_item_1": (C,),
    "W_head": (C, OUT), "b_head": (OUT,),
}


def setup_inputs(seed: int = 0):
    key = jax.random.key(seed)
    inp = {}
    inp["tf_user"] = jax.random.normal(jax.random.fold_in(key, 1), (N_USER, C), jnp.float32)
    inp["tf_item"] = jax.random.normal(jax.random.fold_in(key, 2), (N_ITEM, C), jnp.float32)
    inp["edge_index_u2i"] = jax.random.randint(jax.random.fold_in(key, 3), (2, E), 0, N_USER)
    inp["edge_index_i2u"] = jax.random.randint(jax.random.fold_in(key, 4), (2, E), 0, N_ITEM)
    inp["seed_time"] = jax.random.randint(jax.random.fold_in(key, 5), (B,), 0, 100000)
    inp["time_user"] = jax.random.randint(jax.random.fold_in(key, 6), (N_USER,), 0, 100000)
    inp["time_item"] = jax.random.randint(jax.random.fold_in(key, 7), (N_ITEM,), 0, 100000)
    inp["batch_user"] = jax.random.randint(jax.random.fold_in(key, 8), (N_USER,), 0, B)
    inp["batch_item"] = jax.random.randint(jax.random.fold_in(key, 9), (N_ITEM,), 0, B)
    for i, (name, shp) in enumerate(PARAM_SHAPES.items()):
        inp[name] = jax.random.normal(jax.random.fold_in(key, 100 + i), shp, jnp.float32) * 0.05
    return inp


def _mean_aggr(x_src, ei, num_dst):
    s = jax.ops.segment_sum(x_src[ei[0]], ei[1], num_segments=num_dst)
    cnt = jax.ops.segment_sum(jnp.ones((ei.shape[1],), jnp.float32), ei[1], num_segments=num_dst)
    return s / jnp.clip(cnt, 1.0)[:, None]


def _forward(d):
    # HeteroEncoder: per-node-type feature projection
    x_user = d["tf_user"] @ d["W_enc_user"] + d["b_enc_user"]
    x_item = d["tf_item"] @ d["W_enc_item"] + d["b_enc_item"]
    # HeteroTemporalEncoder: rel_time = seed_time[batch] - time, encoded per node type
    rel_u = (d["seed_time"][d["batch_user"]] - d["time_user"]).astype(jnp.float32)[:, None] / 86400.0
    x_user = x_user + rel_u @ d["W_time_user"] + d["b_time_user"]
    rel_i = (d["seed_time"][d["batch_item"]] - d["time_item"]).astype(jnp.float32)[:, None] / 86400.0
    x_item = x_item + rel_i @ d["W_time_item"] + d["b_time_item"]
    # HeteroGraphSAGE: per-layer, per-edge-type mean aggregation + linear, ReLU
    for l in range(NUM_LAYERS):
        agg_u = _mean_aggr(x_item, d["edge_index_i2u"], N_USER)
        agg_i = _mean_aggr(x_user, d["edge_index_u2i"], N_ITEM)
        nu = x_user @ d["W_self_user_%d" % l] + agg_u @ d["W_nbr_i2u_%d" % l] + d["b_user_%d" % l]
        ni = x_item @ d["W_self_item_%d" % l] + agg_i @ d["W_nbr_u2i_%d" % l] + d["b_item_%d" % l]
        x_user = jax.nn.relu(nu)
        x_item = jax.nn.relu(ni)
    # MLP head on seed rows of entity_table ('user')
    out = x_user[:B] @ d["W_head"] + d["b_head"]
    return out


def reference(tf_user, tf_item, edge_index_u2i, edge_index_i2u, seed_time,
              time_user, time_item, batch_user, batch_item,
              W_enc_user, b_enc_user, W_enc_item, b_enc_item,
              W_time_user, b_time_user, W_time_item, b_time_item,
              W_self_user_0, W_nbr_i2u_0, b_user_0,
              W_self_item_0, W_nbr_u2i_0, b_item_0,
              W_self_user_1, W_nbr_i2u_1, b_user_1,
              W_self_item_1, W_nbr_u2i_1, b_item_1,
              W_head, b_head):
    inp = {
        "tf_user": tf_user, "tf_item": tf_item,
        "edge_index_u2i": edge_index_u2i, "edge_index_i2u": edge_index_i2u,
        "seed_time": seed_time, "time_user": time_user, "time_item": time_item,
        "batch_user": batch_user, "batch_item": batch_item,
        "W_enc_user": W_enc_user, "b_enc_user": b_enc_user,
        "W_enc_item": W_enc_item, "b_enc_item": b_enc_item,
        "W_time_user": W_time_user, "b_time_user": b_time_user,
        "W_time_item": W_time_item, "b_time_item": b_time_item,
        "W_self_user_0": W_self_user_0, "W_nbr_i2u_0": W_nbr_i2u_0, "b_user_0": b_user_0,
        "W_self_item_0": W_self_item_0, "W_nbr_u2i_0": W_nbr_u2i_0, "b_item_0": b_item_0,
        "W_self_user_1": W_self_user_1, "W_nbr_i2u_1": W_nbr_i2u_1, "b_user_1": b_user_1,
        "W_self_item_1": W_self_item_1, "W_nbr_u2i_1": W_nbr_u2i_1, "b_item_1": b_item_1,
        "W_head": W_head, "b_head": b_head,
    }
    return _forward(inp)

if __name__ == "__main__":
    import jax
    _d = setup_inputs()
    print(jax.jit(kernel)(*tuple(_d.values())))

</pallas_src>

<mosaic_0001>
#map = affine_map<(d0, d1) -> (0, 0)>
#map1 = affine_map<(d0, d1) -> (0)>
#map2 = affine_map<(d0, d1) -> (0, 0, 0)>
module attributes {stable_mosaic.version = 14 : i64} {
  func.func @_seg_body(%arg0: i32, %arg1: i32, %arg2: memref<10016x128xf32, #tpu.memory_space<hbm>>, %arg3: memref<2560x128xi32, #tpu.memory_space<hbm>>, %arg4: memref<2560x128xi32, #tpu.memory_space<hbm>>, %arg5: memref<640x128xf32, #tpu.memory_space<hbm>>, %arg6: memref<640xf32, #tpu.memory_space<hbm>>, %arg7: memref<128xf32, #tpu.memory_space<hbm>>, %arg8: memref<2x10240x128xf32, #tpu.memory_space<hbm>>, %arg9: memref<2x10240xf32, #tpu.memory_space<hbm>>, %arg10: memref<40x128xi32, #tpu.memory_space<vmem>>, %arg11: memref<40x128xi32, #tpu.memory_space<vmem>>, %arg12: memref<128xf32, #tpu.memory_space<vmem>>, %arg13: memref<128x128xf32, #tpu.memory_space<vmem>>, %arg14: memref<128x128xf32, #tpu.memory_space<vmem>>, %arg15: memref<10240x128xf32, #tpu.memory_space<vmem_shared>>, %arg16: memref<10240xf32, #tpu.memory_space<vmem_shared>>, %arg17: memref<!tpu.dma_semaphore, #tpu.memory_space<semaphore_mem>>, %arg18: memref<!tpu.dma_semaphore, #tpu.memory_space<semaphore_mem>>) attributes {dimension_semantics = [#tpu.dimension_semantics<core_parallel>, #tpu.dimension_semantics<subcore_parallel>], iteration_bounds = array<i64: 2, 16>, scalar_prefetch = 0 : i64, scratch_operands = 9 : i64, tpu.core_type = #tpu.core_type<sc_vector_subcore>, window_params = [{transform_indices = #map}, {transform_indices = #map}, {transform_indices = #map}, {transform_indices = #map}, {transform_indices = #map1}, {transform_indices = #map1}, {transform_indices = #map2}, {transform_indices = #map}]} {
    %mul3A = arith.constant 640 : i32
    %mul3A_0 = arith.muli %arg1, %mul3A : i32
    "tpu.region"() ({
      %run_scoped3A = tpu.sem_alloc : memref<!tpu.dma_semaphore, #tpu.memory_space<semaphore_mem>>
      %dma_start3A = arith.constant 0 : i32
      %dma_start3A_31 = tpu.memref_slice %arg15[%mul3A_0, %dma_start3A] : memref<10240x128xf32, #tpu.memory_space<vmem_shared>> -> memref<640x128xf32, #tpu.memory_space<vmem_shared>>
      tpu.enqueue_dma source(%arg5 : memref<640x128xf32, #tpu.memory_space<hbm>>) target(%dma_start3A_31 : memref<640x128xf32, #tpu.memory_space<vmem_shared>>) target_semaphore(%run_scoped3A : memref<!tpu.dma_semaphore, #tpu.memory_space<semaphore_mem>>)
      %dma_wait3A = arith.constant 0 : i32
      %dma_wait3A_32 = tpu.memref_slice %arg15[%mul3A_0, %dma_wait3A] : memref<10240x128xf32, #tpu.memory_space<vmem_shared>> -> memref<640x128xf32, #tpu.memory_space<vmem_shared>>
      tpu.wait_dma2 semaphore(%run_scoped3A : memref<!tpu.dma_semaphore, #tpu.memory_space<semaphore_mem>>) src(%arg5 : memref<640x128xf32, #tpu.memory_space<hbm>>) dst(%dma_wait3A_32 : memref<640x128xf32, #tpu.memory_space<vmem_shared>>)
      tpu.yield
    }) : () -> ()
    %mul3A_1 = arith.constant 640 : i32
    %mul3A_2 = arith.muli %arg1, %mul3A_1 : i32
    "tpu.region"() ({
      %run_scoped3A = tpu.sem_alloc : memref<!tpu.dma_semaphore, #tpu.memory_space<semaphore_mem>>
      %dma_start3A = tpu.memref_slice %arg16[%mul3A_2] : memref<10240xf32, #tpu.memory_space<vmem_shared>> -> memref<640xf32, #tpu.memory_space<vmem_shared>>
      tpu.enqueue_dma source(%arg6 : memref<640xf32, #tpu.memory_space<hbm>>) target(%dma_start3A : memref<640xf32, #tpu.memory_space<vmem_shared>>) target_semaphore(%run_scoped3A : memref<!tpu.dma_semaphore, #tpu.memory_space<semaphore_mem>>)
      %dma_wait3A = tpu.memref_slice %arg16[%mul3A_2] : memref<10240xf32, #tpu.memory_space<vmem_shared>> -> memref<640xf32, #tpu.memory_space<vmem_shared>>
      tpu.wait_dma2 semaphore(%run_scoped3A : memref<!tpu.dma_semaphore, #tpu.memory_space<semaphore_mem>>) src(%arg6 : memref<640xf32, #tpu.memory_space<hbm>>) dst(%dma_wait3A : memref<640xf32, #tpu.memory_space<vmem_shared>>)
      tpu.yield
    }) : () -> ()
    "tpu.region"() ({
      %run_scoped3A = tpu.sem_alloc : memref<!tpu.dma_semaphore, #tpu.memory_space<semaphore_mem>>
      tpu.enqueue_dma source(%arg7 : memref<128xf32, #tpu.memory_space<hbm>>) target(%arg12 : memref<128xf32, #tpu.memory_space<vmem>>) target_semaphore(%run_scoped3A : memref<!tpu.dma_semaphore, #tpu.memory_space<semaphore_mem>>)
      tpu.wait_dma2 semaphore(%run_scoped3A : memref<!tpu.dma_semaphore, #tpu.memory_space<semaphore_mem>>) src(%arg7 : memref<128xf32, #tpu.memory_space<hbm>>) dst(%arg12 : memref<128xf32, #tpu.memory_space<vmem>>)
      tpu.yield
    }) : () -> ()
    %barrier3A = arith.constant 0 : index
    tpu.barrier barrier_id(%barrier3A)
    %eq3A = arith.constant 0 : i32
    %eq3A_3 = arith.cmpi eq, %arg0, %eq3A : i32
    %jit3A = arith.constant 3 : i32
    %jit3A_4 = arith.constant 1 : i32
    %select_n3A = arith.select %eq3A_3, %jit3A, %jit3A_4 : i32
    %eq3A_5 = arith.constant 0 : i32
    %eq3A_6 = arith.cmpi eq, %arg0, %eq3A_5 : i32
    %mul3A_7 = arith.constant 120 : i32
    %mul3A_8 = arith.muli %arg1, %mul3A_7 : i32
    %mul3A_9 = arith.constant 40 : i32
    %mul3A_10 = arith.muli %arg1, %mul3A_9 : i32
    %add3A = arith.constant 1920 : i32
    %add3A_11 = arith.addi %add3A, %mul3A_10 : i32
    %select_n3A_12 = arith.select %eq3A_6, %mul3A_8, %add3A_11 : i32
    %while3A = arith.constant 0 : i32
    %while3A_13 = arith.constant 0 : i32
    %while3A_14 = arith.subi %select_n3A, %while3A_13 : i32
    %while3A_15 = arith.addi %while3A_13, %while3A_14 : i32
    %while3A_16 = arith.constant 1 : i32
    %while3A_17 = arith.divsi %while3A_14, %while3A_16 : i32
    %while3A_18 = arith.muli %while3A_17, %while3A_16 : i32
    %while3A_19 = arith.addi %while3A_13, %while3A_18 : i32
    %while3A_20 = arith.constant 1 : i32
    scf.for %while3A_31 = %while3A_13 to %while3A_19 step %while3A_20  : i32 {
      %mul3A_32 = arith.constant 40 : i32
      %mul3A_33 = arith.muli %while3A_31, %mul3A_32 : i32
      %add3A_34 = arith.addi %select_n3A_12, %mul3A_33 : i32
      "tpu.region"() ({
        %run_scoped3A = tpu.sem_alloc : memref<!tpu.dma_semaphore, #tpu.memory_space<semaphore_mem>>
        %dma_start3A_49 = arith.constant 0 : i32
        %dma_start3A_50 = tpu.memref_slice %arg3[%add3A_34, %dma_start3A_49] : memref<2560x128xi32, #tpu.memory_space<hbm>> -> memref<40x128xi32, #tpu.memory_space<hbm>>
        %dma_start3A_51 = arith.constant 0 : i32
        %dma_start3A_52 = tpu.memref_slice %arg3[%add3A_34, %dma_start3A_51] : memref<2560x128xi32, #tpu.memory_space<hbm>> -> memref<40x128xi32, #tpu.memory_space<hbm>>
        tpu.enqueue_dma source(%dma_start3A_52 : memref<40x128xi32, #tpu.memory_space<hbm>>) target(%arg10 : memref<40x128xi32, #tpu.memory_space<vmem>>) target_semaphore(%run_scoped3A : memref<!tpu.dma_semaphore, #tpu.memory_space<semaphore_mem>>)
        %dma_wait3A = arith.constant 0 : i32
        %dma_wait3A_53 = tpu.memref_slice %arg3[%add3A_34, %dma_wait3A] : memref<2560x128xi32, #tpu.memory_space<hbm>> -> memref<40x128xi32, #tpu.memory_space<hbm>>
        %dma_wait3A_54 = arith.constant 0 : i32
        %dma_wait3A_55 = tpu.memref_slice %arg3[%add3A_34, %dma_wait3A_54] : memref<2560x128xi32, #tpu.memory_space<hbm>> -> memref<40x128xi32, #tpu.memory_space<hbm>>
        tpu.wait_dma2 semaphore(%run_scoped3A : memref<!tpu.dma_semaphore, #tpu.memory_space<semaphore_mem>>) src(%dma_wait3A_55 : memref<40x128xi32, #tpu.memory_space<hbm>>) dst(%arg10 : memref<40x128xi32, #tpu.memory_space<vmem>>)
        tpu.yield
      }) : () -> ()
      %mul3A_35 = arith.constant 40 : i32
      %mul3A_36 = arith.muli %while3A_31, %mul3A_35 : i32
      %add3A_37 = arith.addi %select_n3A_12, %mul3A_36 : i32
      "tpu.region"() ({
        %run_scoped3A = tpu.sem_alloc : memref<!tpu.dma_semaphore, #tpu.memory_space<semaphore_mem>>
        %dma_start3A_49 = arith.constant 0 : i32
        %dma_start3A_50 = tpu.memref_slice %arg4[%add3A_37, %dma_start3A_49] : memref<2560x128xi32, #tpu.memory_space<hbm>> -> memref<40x128xi32, #tpu.memory_space<hbm>>
        %dma_start3A_51 = arith.constant 0 : i32
        %dma_start3A_52 = tpu.memref_slice %arg4[%add3A_37, %dma_start3A_51] : memref<2560x128xi32, #tpu.memory_space<hbm>> -> memref<40x128xi32, #tpu.memory_space<hbm>>
        tpu.enqueue_dma source(%dma_start3A_52 : memref<40x128xi32, #tpu.memory_space<hbm>>) target(%arg11 : memref<40x128xi32, #tpu.memory_space<vmem>>) target_semaphore(%run_scoped3A : memref<!tpu.dma_semaphore, #tpu.memory_space<semaphore_mem>>)
        %dma_wait3A = arith.constant 0 : i32
        %dma_wait3A_53 = tpu.memref_slice %arg4[%add3A_37, %dma_wait3A] : memref<2560x128xi32, #tpu.memory_space<hbm>> -> memref<40x128xi32, #tpu.memory_space<hbm>>
        %dma_wait3A_54 = arith.constant 0 : i32
        %dma_wait3A_55 = tpu.memref_slice %arg4[%add3A_37, %dma_wait3A_54] : memref<2560x128xi32, #tpu.memory_space<hbm>> -> memref<40x128xi32, #tpu.memory_space<hbm>>
        tpu.wait_dma2 semaphore(%run_scoped3A : memref<!tpu.dma_semaphore, #tpu.memory_space<semaphore_mem>>) src(%dma_wait3A_55 : memref<40x128xi32, #tpu.memory_space<hbm>>) dst(%arg11 : memref<40x128xi32, #tpu.memory_space<vmem>>)
        tpu.yield
      }) : () -> ()
      %dma_start3A = arith.constant 0 : i32
      %dma_start3A_38 = arith.constant 0 : i32
      %dma_start3A_39 = tpu.memref_slice %arg10[%dma_start3A, %dma_start3A_38] : memref<40x128xi32, #tpu.memory_space<vmem>> -> memref<1x128xi32, #tpu.memory_space<vmem>>
      %dma_start3A_40 = tpu.memref_squeeze %dma_start3A_39 : memref<1x128xi32, #tpu.memory_space<vmem>> -> memref<128xi32, #tpu.memory_space<vmem>>
      %dma_start3A_41 = arith.constant 0 : i32
      %dma_start3A_42 = arith.constant 0 : i32
      %dma_start3A_43 = tpu.memref_slice %arg2[%dma_start3A_41, %dma_start3A_42] : memref<10016x128xf32, #tpu.memory_space<hbm>> -> memref<10016x128xf32, #tpu.memory_space<hbm>>
      tpu.enqueue_indirect_dma source(%dma_start3A_43 : memref<10016x128xf32, #tpu.memory_space<hbm>>) target(%arg13 : memref<128x128xf32, #tpu.memory_space<vmem>>) offsets(%dma_start3A_40 : memref<128xi32, #tpu.memory_space<vmem>>) semaphore(%arg17 : memref<!tpu.dma_semaphore, #tpu.memory_space<semaphore_mem>>)
      %scan3A = arith.constant 0 : i32
      %scan3A_44 = arith.constant 0 : i32
      %scan3A_45 = arith.constant 20 : i32
      %scan3A_46 = arith.addi %scan3A_44, %scan3A_45 : i32
      %scan3A_47 = arith.constant 1 : i32
      scf.for %scan3A_49 = %scan3A_44 to %scan3A_46 step %scan3A_47  : i32 {
        %mul3A_50 = arith.constant 2 : i32
        %mul3A_51 = arith.muli %mul3A_50, %scan3A_49 : i32
        %add3A_52 = arith.constant 1 : i32
        %add3A_53 = arith.addi %mul3A_51, %add3A_52 : i32
        %dma_start3A_54 = arith.constant 0 : i32
        %dma_start3A_55 = tpu.memref_slice %arg10[%add3A_53, %dma_start3A_54] : memref<40x128xi32, #tpu.memory_space<vmem>> -> memref<1x128xi32, #tpu.memory_space<vmem>>
        %dma_start3A_56 = tpu.memref_squeeze %dma_start3A_55 : memref<1x128xi32, #tpu.memory_space<vmem>> -> memref<128xi32, #tpu.memory_space<vmem>>
        %dma_start3A_57 = arith.constant 0 : i32
        %dma_start3A_58 = arith.constant 0 : i32
        %dma_start3A_59 = tpu.memref_slice %arg2[%dma_start3A_57, %dma_start3A_58] : memref<10016x128xf32, #tpu.memory_space<hbm>> -> memref<10016x128xf32, #tpu.memory_space<hbm>>
        tpu.enqueue_indirect_dma source(%dma_start3A_59 : memref<10016x128xf32, #tpu.memory_space<hbm>>) target(%arg14 : memref<128x128xf32, #tpu.memory_space<vmem>>) offsets(%dma_start3A_56 : memref<128xi32, #tpu.memory_space<vmem>>) semaphore(%arg18 : memref<!tpu.dma_semaphore, #tpu.memory_space<semaphore_mem>>)
        %dma_wait3A = arith.constant 0 : i32
        %dma_wait3A_60 = arith.constant 0 : i32
        %dma_wait3A_61 = tpu.memref_slice %arg10[%dma_wait3A, %dma_wait3A_60] : memref<40x128xi32, #tpu.memory_space<vmem>> -> memref<1x128xi32, #tpu.memory_space<vmem>>
        %dma_wait3A_62 = tpu.memref_squeeze %dma_wait3A_61 : memref<1x128xi32, #tpu.memory_space<vmem>> -> memref<128xi32, #tpu.memory_space<vmem>>
        %dma_wait3A_63 = arith.constant 0 : i32
        %dma_wait3A_64 = arith.constant 0 : i32
        %dma_wait3A_65 = tpu.memref_slice %arg2[%dma_wait3A_63, %dma_wait3A_64] : memref<10016x128xf32, #tpu.memory_space<hbm>> -> memref<10016x128xf32, #tpu.memory_space<hbm>>
        tpu.wait_indirect_dma semaphore(%arg17 : memref<!tpu.dma_semaphore, #tpu.memory_space<semaphore_mem>>) src(%dma_wait3A_65 : memref<10016x128xf32, #tpu.memory_space<hbm>>) dst(%arg13 : memref<128x128xf32, #tpu.memory_space<vmem>>)
        "tpu.region"() ({
          %run_scoped3A = tpu.sem_alloc : memref<!tpu.dma_semaphore, #tpu.memory_space<semaphore_mem>>
          %dma_start3A_81 = arith.constant 0 : i32
          %dma_start3A_82 = tpu.memref_slice %arg11[%mul3A_51, %dma_start3A_81] : memref<40x128xi32, #tpu.memory_space<vmem>> -> memref<1x128xi32, #tpu.memory_space<vmem>>
          %dma_start3A_83 = tpu.memref_squeeze %dma_start3A_82 : memref<1x128xi32, #tpu.memory_space<vmem>> -> memref<128xi32, #tpu.memory_space<vmem>>
          %dma_start3A_84 = arith.constant 0 : i32
          %dma_start3A_85 = arith.constant 0 : i32
          %dma_start3A_86 = tpu.memref_slice %arg15[%dma_start3A_84, %dma_start3A_85] : memref<10240x128xf32, #tpu.memory_space<vmem_shared>> -> memref<10240x128xf32, #tpu.memory_space<vmem_shared>>
          tpu.enqueue_indirect_dma source(%arg13 : memref<128x128xf32, #tpu.memory_space<vmem>>) target(%dma_start3A_86 : memref<10240x128xf32, #tpu.memory_space<vmem_shared>>) offsets(%dma_start3A_83 : memref<128xi32, #tpu.memory_space<vmem>>) semaphore(%run_scoped3A : memref<!tpu.dma_semaphore, #tpu.memory_space<semaphore_mem>>) {add = true}
          %dma_wait3A_87 = arith.constant 0 : i32
          %dma_wait3A_88 = tpu.memref_slice %arg11[%mul3A_51, %dma_wait3A_87] : memref<40x128xi32, #tpu.memory_space<vmem>> -> memref<1x128xi32, #tpu.memory_space<vmem>>
          %dma_wait3A_89 = tpu.memref_squeeze %dma_wait3A_88 : memref<1x128xi32, #tpu.memory_space<vmem>> -> memref<128xi32, #tpu.memory_space<vmem>>
          %dma_wait3A_90 = arith.constant 0 : i32
          %dma_wait3A_91 = arith.constant 0 : i32
          %dma_wait3A_92 = tpu.memref_slice %arg15[%dma_wait3A_90, %dma_wait3A_91] : memref<10240x128xf32, #tpu.memory_space<vmem_shared>> -> memref<10240x128xf32, #tpu.memory_space<vmem_shared>>
          tpu.wait_indirect_dma semaphore(%run_scoped3A : memref<!tpu.dma_semaphore, #tpu.memory_space<semaphore_mem>>) src(%arg13 : memref<128x128xf32, #tpu.memory_space<vmem>>) dst(%dma_wait3A_92 : memref<10240x128xf32, #tpu.memory_space<vmem_shared>>)
          tpu.yield
        }) : () -> ()
        "tpu.region"() ({
          %run_scoped3A = tpu.sem_alloc : memref<!tpu.dma_semaphore, #tpu.memory_space<semaphore_mem>>
          %dma_start3A_81 = arith.constant 0 : i32
          %dma_start3A_82 = tpu.memref_slice %arg11[%mul3A_51, %dma_start3A_81] : memref<40x128xi32, #tpu.memory_space<vmem>> -> memref<1x128xi32, #tpu.memory_space<vmem>>
          %dma_start3A_83 = tpu.memref_squeeze %dma_start3A_82 : memref<1x128xi32, #tpu.memory_space<vmem>> -> memref<128xi32, #tpu.memory_space<vmem>>
          %dma_start3A_84 = arith.constant 0 : i32
          %dma_start3A_85 = tpu.memref_slice %arg16[%dma_start3A_84] : memref<10240xf32, #tpu.memory_space<vmem_shared>> -> memref<10240xf32, #tpu.memory_space<vmem_shared>>
          tpu.enqueue_indirect_dma source(%arg12 : memref<128xf32, #tpu.memory_space<vmem>>) target(%dma_start3A_85 : memref<10240xf32, #tpu.memory_space<vmem_shared>>) offsets(%dma_start3A_83 : memref<128xi32, #tpu.memory_space<vmem>>) semaphore(%run_scoped3A : memref<!tpu.dma_semaphore, #tpu.memory_space<semaphore_mem>>) {add = true}
          %dma_wait3A_86 = arith.constant 0 : i32
          %dma_wait3A_87 = tpu.memref_slice %arg11[%mul3A_51, %dma_wait3A_86] : memref<40x128xi32, #tpu.memory_space<vmem>> -> memref<1x128xi32, #tpu.memory_space<vmem>>
          %dma_wait3A_88 = tpu.memref_squeeze %dma_wait3A_87 : memref<1x128xi32, #tpu.memory_space<vmem>> -> memref<128xi32, #tpu.memory_space<vmem>>
          %dma_wait3A_89 = arith.constant 0 : i32
          %dma_wait3A_90 = tpu.memref_slice %arg16[%dma_wait3A_89] : memref<10240xf32, #tpu.memory_space<vmem_shared>> -> memref<10240xf32, #tpu.memory_space<vmem_shared>>
          tpu.wait_indirect_dma semaphore(%run_scoped3A : memref<!tpu.dma_semaphore, #tpu.memory_space<semaphore_mem>>) src(%arg12 : memref<128xf32, #tpu.memory_space<vmem>>) dst(%dma_wait3A_90 : memref<10240xf32, #tpu.memory_space<vmem_shared>>)
          tpu.yield
        }) : () -> ()
        %add3A_66 = arith.constant 1 : i32
        %add3A_67 = arith.addi %scan3A_49, %add3A_66 : i32
        %lt3A = arith.constant 20 : i32
        %lt3A_68 = arith.cmpi slt, %add3A_67, %lt3A : i32
        %convert_element_type3A = arith.extui %lt3A_68 : i1 to i32
        %cond3A = arith.constant 0 : i32
        %cond3A_69 = arith.cmpi ne, %convert_element_type3A, %cond3A : i32
        scf.if %cond3A_69 {
          %add3A_81 = arith.constant 2 : i32
          %add3A_82 = arith.addi %mul3A_51, %add3A_81 : i32
          %dma_start3A_83 = arith.constant 0 : i32
          %dma_start3A_84 = tpu.memref_slice %arg10[%add3A_82, %dma_start3A_83] : memref<40x128xi32, #tpu.memory_space<vmem>> -> memref<1x128xi32, #tpu.memory_space<vmem>>
          %dma_start3A_85 = tpu.memref_squeeze %dma_start3A_84 : memref<1x128xi32, #tpu.memory_space<vmem>> -> memref<128xi32, #tpu.memory_space<vmem>>
          %dma_start3A_86 = arith.constant 0 : i32
          %dma_start3A_87 = arith.constant 0 : i32
          %dma_start3A_88 = tpu.memref_slice %arg2[%dma_start3A_86, %dma_start3A_87] : memref<10016x128xf32, #tpu.memory_space<hbm>> -> memref<10016x128xf32, #tpu.memory_space<hbm>>
          tpu.enqueue_indirect_dma source(%dma_start3A_88 : memref<10016x128xf32, #tpu.memory_space<hbm>>) target(%arg13 : memref<128x128xf32, #tpu.memory_space<vmem>>) offsets(%dma_start3A_85 : memref<128xi32, #tpu.memory_space<vmem>>) semaphore(%arg17 : memref<!tpu.dma_semaphore, #tpu.memory_space<semaphore_mem>>)
        } else {
        }
        %dma_wait3A_70 = arith.constant 0 : i32
        %dma_wait3A_71 = arith.constant 0 : i32
        %dma_wait3A_72 = tpu.memref_slice %arg10[%dma_wait3A_70, %dma_wait3A_71] : memref<40x128xi32, #tpu.memory_space<vmem>> -> memref<1x128xi32, #tpu.memory_space<vmem>>
        %dma_wait3A_73 = tpu.memref_squeeze %dma_wait3A_72 : memref<1x128xi32, #tpu.memory_space<vmem>> -> memref<128xi32, #tpu.memory_space<vmem>>
        %dma_wait3A_74 = arith.constant 0 : i32
        %dma_wait3A_75 = arith.constant 0 : i32
        %dma_wait3A_76 = tpu.memref_slice %arg2[%dma_wait3A_74, %dma_wait3A_75] : memref<10016x128xf32, #tpu.memory_space<hbm>> -> memref<10016x128xf32, #tpu.memory_space<hbm>>
        tpu.wait_indirect_dma semaphore(%arg18 : memref<!tpu.dma_semaphore, #tpu.memory_space<semaphore_mem>>) src(%dma_wait3A_76 : memref<10016x128xf32, #tpu.memory_space<hbm>>) dst(%arg14 : memref<128x128xf32, #tpu.memory_space<vmem>>)
        %add3A_77 = arith.constant 1 : i32
        %add3A_78 = arith.addi %mul3A_51, %add3A_77 : i32
        "tpu.region"() ({
          %run_scoped3A = tpu.sem_alloc : memref<!tpu.dma_semaphore, #tpu.memory_space<semaphore_mem>>
          %dma_start3A_81 = arith.constant 0 : i32
          %dma_start3A_82 = tpu.memref_slice %arg11[%add3A_78, %dma_start3A_81] : memref<40x128xi32, #tpu.memory_space<vmem>> -> memref<1x128xi32, #tpu.memory_space<vmem>>
          %dma_start3A_83 = tpu.memref_squeeze %dma_start3A_82 : memref<1x128xi32, #tpu.memory_space<vmem>> -> memref<128xi32, #tpu.memory_space<vmem>>
          %dma_start3A_84 = arith.constant 0 : i32
          %dma_start3A_85 = arith.constant 0 : i32
          %dma_start3A_86 = tpu.memref_slice %arg15[%dma_start3A_84, %dma_start3A_85] : memref<10240x128xf32, #tpu.memory_space<vmem_shared>> -> memref<10240x128xf32, #tpu.memory_space<vmem_shared>>
          tpu.enqueue_indirect_dma source(%arg14 : memref<128x128xf32, #tpu.memory_space<vmem>>) target(%dma_start3A_86 : memref<10240x128xf32, #tpu.memory_space<vmem_shared>>) offsets(%dma_start3A_83 : memref<128xi32, #tpu.memory_space<vmem>>) semaphore(%run_scoped3A : memref<!tpu.dma_semaphore, #tpu.memory_space<semaphore_mem>>) {add = true}
          %dma_wait3A_87 = arith.constant 0 : i32
          %dma_wait3A_88 = tpu.memref_slice %arg11[%add3A_78, %dma_wait3A_87] : memref<40x128xi32, #tpu.memory_space<vmem>> -> memref<1x128xi32, #tpu.memory_space<vmem>>
          %dma_wait3A_89 = tpu.memref_squeeze %dma_wait3A_88 : memref<1x128xi32, #tpu.memory_space<vmem>> -> memref<128xi32, #tpu.memory_space<vmem>>
          %dma_wait3A_90 = arith.constant 0 : i32
          %dma_wait3A_91 = arith.constant 0 : i32
          %dma_wait3A_92 = tpu.memref_slice %arg15[%dma_wait3A_90, %dma_wait3A_91] : memref<10240x128xf32, #tpu.memory_space<vmem_shared>> -> memref<10240x128xf32, #tpu.memory_space<vmem_shared>>
          tpu.wait_indirect_dma semaphore(%run_scoped3A : memref<!tpu.dma_semaphore, #tpu.memory_space<semaphore_mem>>) src(%arg14 : memref<128x128xf32, #tpu.memory_space<vmem>>) dst(%dma_wait3A_92 : memref<10240x128xf32, #tpu.memory_space<vmem_shared>>)
          tpu.yield
        }) : () -> ()
        %add3A_79 = arith.constant 1 : i32
        %add3A_80 = arith.addi %mul3A_51, %add3A_79 : i32
        "tpu.region"() ({
          %run_scoped3A = tpu.sem_alloc : memref<!tpu.dma_semaphore, #tpu.memory_space<semaphore_mem>>
          %dma_start3A_81 = arith.constant 0 : i32
          %dma_start3A_82 = tpu.memref_slice %arg11[%add3A_80, %dma_start3A_81] : memref<40x128xi32, #tpu.memory_space<vmem>> -> memref<1x128xi32, #tpu.memory_space<vmem>>
          %dma_start3A_83 = tpu.memref_squeeze %dma_start3A_82 : memref<1x128xi32, #tpu.memory_space<vmem>> -> memref<128xi32, #tpu.memory_space<vmem>>
          %dma_start3A_84 = arith.constant 0 : i32
          %dma_start3A_85 = tpu.memref_slice %arg16[%dma_start3A_84] : memref<10240xf32, #tpu.memory_space<vmem_shared>> -> memref<10240xf32, #tpu.memory_space<vmem_shared>>
          tpu.enqueue_indirect_dma source(%arg12 : memref<128xf32, #tpu.memory_space<vmem>>) target(%dma_start3A_85 : memref<10240xf32, #tpu.memory_space<vmem_shared>>) offsets(%dma_start3A_83 : memref<128xi32, #tpu.memory_space<vmem>>) semaphore(%run_scoped3A : memref<!tpu.dma_semaphore, #tpu.memory_space<semaphore_mem>>) {add = true}
          %dma_wait3A_86 = arith.constant 0 : i32
          %dma_wait3A_87 = tpu.memref_slice %arg11[%add3A_80, %dma_wait3A_86] : memref<40x128xi32, #tpu.memory_space<vmem>> -> memref<1x128xi32, #tpu.memory_space<vmem>>
          %dma_wait3A_88 = tpu.memref_squeeze %dma_wait3A_87 : memref<1x128xi32, #tpu.memory_space<vmem>> -> memref<128xi32, #tpu.memory_space<vmem>>
          %dma_wait3A_89 = arith.constant 0 : i32
          %dma_wait3A_90 = tpu.memref_slice %arg16[%dma_wait3A_89] : memref<10240xf32, #tpu.memory_space<vmem_shared>> -> memref<10240xf32, #tpu.memory_space<vmem_shared>>
          tpu.wait_indirect_dma semaphore(%run_scoped3A : memref<!tpu.dma_semaphore, #tpu.memory_space<semaphore_mem>>) src(%arg12 : memref<128xf32, #tpu.memory_space<vmem>>) dst(%dma_wait3A_90 : memref<10240xf32, #tpu.memory_space<vmem_shared>>)
          tpu.yield
        }) : () -> ()
      }
      %scan3A_48 = arith.constant 20 : i32
    }
    %while3A_21 = arith.constant 1 : i32
    scf.for %while3A_31 = %while3A_19 to %while3A_15 step %while3A_21  : i32 {
      %mul3A_32 = arith.constant 40 : i32
      %mul3A_33 = arith.muli %while3A_31, %mul3A_32 : i32
      %add3A_34 = arith.addi %select_n3A_12, %mul3A_33 : i32
      "tpu.region"() ({
        %run_scoped3A = tpu.sem_alloc : memref<!tpu.dma_semaphore, #tpu.memory_space<semaphore_mem>>
        %dma_start3A_49 = arith.constant 0 : i32
        %dma_start3A_50 = tpu.memref_slice %arg3[%add3A_34, %dma_start3A_49] : memref<2560x128xi32, #tpu.memory_space<hbm>> -> memref<40x128xi32, #tpu.memory_space<hbm>>
        %dma_start3A_51 = arith.constant 0 : i32
        %dma_start3A_52 = tpu.memref_slice %arg3[%add3A_34, %dma_start3A_51] : memref<2560x128xi32, #tpu.memory_space<hbm>> -> memref<40x128xi32, #tpu.memory_space<hbm>>
        tpu.enqueue_dma source(%dma_start3A_52 : memref<40x128xi32, #tpu.memory_space<hbm>>) target(%arg10 : memref<40x128xi32, #tpu.memory_space<vmem>>) target_semaphore(%run_scoped3A : memref<!tpu.dma_semaphore, #tpu.memory_space<semaphore_mem>>)
        %dma_wait3A = arith.constant 0 : i32
        %dma_wait3A_53 = tpu.memref_slice %arg3[%add3A_34, %dma_wait3A] : memref<2560x128xi32, #tpu.memory_space<hbm>> -> memref<40x128xi32, #tpu.memory_space<hbm>>
        %dma_wait3A_54 = arith.constant 0 : i32
        %dma_wait3A_55 = tpu.memref_slice %arg3[%add3A_34, %dma_wait3A_54] : memref<2560x128xi32, #tpu.memory_space<hbm>> -> memref<40x128xi32, #tpu.memory_space<hbm>>
        tpu.wait_dma2 semaphore(%run_scoped3A : memref<!tpu.dma_semaphore, #tpu.memory_space<semaphore_mem>>) src(%dma_wait3A_55 : memref<40x128xi32, #tpu.memory_space<hbm>>) dst(%arg10 : memref<40x128xi32, #tpu.memory_space<vmem>>)
        tpu.yield
      }) : () -> ()
      %mul3A_35 = arith.constant 40 : i32
      %mul3A_36 = arith.muli %while3A_31, %mul3A_35 : i32
      %add3A_37 = arith.addi %select_n3A_12, %mul3A_36 : i32
      "tpu.region"() ({
        %run_scoped3A = tpu.sem_alloc : memref<!tpu.dma_semaphore, #tpu.memory_space<semaphore_mem>>
        %dma_start3A_49 = arith.constant 0 : i32
        %dma_start3A_50 = tpu.memref_slice %arg4[%add3A_37, %dma_start3A_49] : memref<2560x128xi32, #tpu.memory_space<hbm>> -> memref<40x128xi32, #tpu.memory_space<hbm>>
        %dma_start3A_51 = arith.constant 0 : i32
        %dma_start3A_52 = tpu.memref_slice %arg4[%add3A_37, %dma_start3A_51] : memref<2560x128xi32, #tpu.memory_space<hbm>> -> memref<40x128xi32, #tpu.memory_space<hbm>>
        tpu.enqueue_dma source(%dma_start3A_52 : memref<40x128xi32, #tpu.memory_space<hbm>>) target(%arg11 : memref<40x128xi32, #tpu.memory_space<vmem>>) target_semaphore(%run_scoped3A : memref<!tpu.dma_semaphore, #tpu.memory_space<semaphore_mem>>)
        %dma_wait3A = arith.constant 0 : i32
        %dma_wait3A_53 = tpu.memref_slice %arg4[%add3A_37, %dma_wait3A] : memref<2560x128xi32, #tpu.memory_space<hbm>> -> memref<40x128xi32, #tpu.memory_space<hbm>>
        %dma_wait3A_54 = arith.constant 0 : i32
        %dma_wait3A_55 = tpu.memref_slice %arg4[%add3A_37, %dma_wait3A_54] : memref<2560x128xi32, #tpu.memory_space<hbm>> -> memref<40x128xi32, #tpu.memory_space<hbm>>
        tpu.wait_dma2 semaphore(%run_scoped3A : memref<!tpu.dma_semaphore, #tpu.memory_space<semaphore_mem>>) src(%dma_wait3A_55 : memref<40x128xi32, #tpu.memory_space<hbm>>) dst(%arg11 : memref<40x128xi32, #tpu.memory_space<vmem>>)
        tpu.yield
      }) : () -> ()
      %dma_start3A = arith.constant 0 : i32
      %dma_start3A_38 = arith.constant 0 : i32
      %dma_start3A_39 = tpu.memref_slice %arg10[%dma_start3A, %dma_start3A_38] : memref<40x128xi32, #tpu.memory_space<vmem>> -> memref<1x128xi32, #tpu.memory_space<vmem>>
      %dma_start3A_40 = tpu.memref_squeeze %dma_start3A_39 : memref<1x128xi32, #tpu.memory_space<vmem>> -> memref<128xi32, #tpu.memory_space<vmem>>
      %dma_start3A_41 = arith.constant 0 : i32
      %dma_start3A_42 = arith.constant 0 : i32
      %dma_start3A_43 = tpu.memref_slice %arg2[%dma_start3A_41, %dma_start3A_42] : memref<10016x128xf32, #tpu.memory_space<hbm>> -> memref<10016x128xf32, #tpu.memory_space<hbm>>
      tpu.enqueue_indirect_dma source(%dma_start3A_43 : memref<10016x128xf32, #tpu.memory_space<hbm>>) target(%arg13 : memref<128x128xf32, #tpu.memory_space<vmem>>) offsets(%dma_start3A_40 : memref<128xi32, #tpu.memory_space<vmem>>) semaphore(%arg17 : memref<!tpu.dma_semaphore, #tpu.memory_space<semaphore_mem>>)
      %scan3A = arith.constant 0 : i32
      %scan3A_44 = arith.constant 0 : i32
      %scan3A_45 = arith.constant 20 : i32
      %scan3A_46 = arith.addi %scan3A_44, %scan3A_45 : i32
      %scan3A_47 = arith.constant 1 : i32
      scf.for %scan3A_49 = %scan3A_44 to %scan3A_46 step %scan3A_47  : i32 {
        %mul3A_50 = arith.constant 2 : i32
        %mul3A_51 = arith.muli %mul3A_50, %scan3A_49 : i32
        %add3A_52 = arith.constant 1 : i32
        %add3A_53 = arith.addi %mul3A_51, %add3A_52 : i32
        %dma_start3A_54 = arith.constant 0 : i32
        %dma_start3A_55 = tpu.memref_slice %arg10[%add3A_53, %dma_start3A_54] : memref<40x128xi32, #tpu.memory_space<vmem>> -> memref<1x128xi32, #tpu.memory_space<vmem>>
        %dma_start3A_56 = tpu.memref_squeeze %dma_start3A_55 : memref<1x128xi32, #tpu.memory_space<vmem>> -> memref<128xi32, #tpu.memory_space<vmem>>
        %dma_start3A_57 = arith.constant 0 : i32
        %dma_start3A_58 = arith.constant 0 : i32
        %dma_start3A_59 = tpu.memref_slice %arg2[%dma_start3A_57, %dma_start3A_58] : memref<10016x128xf32, #tpu.memory_space<hbm>> -> memref<10016x128xf32, #tpu.memory_space<hbm>>
        tpu.enqueue_indirect_dma source(%dma_start3A_59 : memref<10016x128xf32, #tpu.memory_space<hbm>>) target(%arg14 : memref<128x128xf32, #tpu.memory_space<vmem>>) offsets(%dma_start3A_56 : memref<128xi32, #tpu.memory_space<vmem>>) semaphore(%arg18 : memref<!tpu.dma_semaphore, #tpu.memory_space<semaphore_mem>>)
        %dma_wait3A = arith.constant 0 : i32
        %dma_wait3A_60 = arith.constant 0 : i32
        %dma_wait3A_61 = tpu.memref_slice %arg10[%dma_wait3A, %dma_wait3A_60] : memref<40x128xi32, #tpu.memory_space<vmem>> -> memref<1x128xi32, #tpu.memory_space<vmem>>
        %dma_wait3A_62 = tpu.memref_squeeze %dma_wait3A_61 : memref<1x128xi32, #tpu.memory_space<vmem>> -> memref<128xi32, #tpu.memory_space<vmem>>
        %dma_wait3A_63 = arith.constant 0 : i32
        %dma_wait3A_64 = arith.constant 0 : i32
        %dma_wait3A_65 = tpu.memref_slice %arg2[%dma_wait3A_63, %dma_wait3A_64] : memref<10016x128xf32, #tpu.memory_space<hbm>> -> memref<10016x128xf32, #tpu.memory_space<hbm>>
        tpu.wait_indirect_dma semaphore(%arg17 : memref<!tpu.dma_semaphore, #tpu.memory_space<semaphore_mem>>) src(%dma_wait3A_65 : memref<10016x128xf32, #tpu.memory_space<hbm>>) dst(%arg13 : memref<128x128xf32, #tpu.memory_space<vmem>>)
        "tpu.region"() ({
          %run_scoped3A = tpu.sem_alloc : memref<!tpu.dma_semaphore, #tpu.memory_space<semaphore_mem>>
          %dma_start3A_81 = arith.constant 0 : i32
          %dma_start3A_82 = tpu.memref_slice %arg11[%mul3A_51, %dma_start3A_81] : memref<40x128xi32, #tpu.memory_space<vmem>> -> memref<1x128xi32, #tpu.memory_space<vmem>>
          %dma_start3A_83 = tpu.memref_squeeze %dma_start3A_82 : memref<1x128xi32, #tpu.memory_space<vmem>> -> memref<128xi32, #tpu.memory_space<vmem>>
          %dma_start3A_84 = arith.constant 0 : i32
          %dma_start3A_85 = arith.constant 0 : i32
          %dma_start3A_86 = tpu.memref_slice %arg15[%dma_start3A_84, %dma_start3A_85] : memref<10240x128xf32, #tpu.memory_space<vmem_shared>> -> memref<10240x128xf32, #tpu.memory_space<vmem_shared>>
          tpu.enqueue_indirect_dma source(%arg13 : memref<128x128xf32, #tpu.memory_space<vmem>>) target(%dma_start3A_86 : memref<10240x128xf32, #tpu.memory_space<vmem_shared>>) offsets(%dma_start3A_83 : memref<128xi32, #tpu.memory_space<vmem>>) semaphore(%run_scoped3A : memref<!tpu.dma_semaphore, #tpu.memory_space<semaphore_mem>>) {add = true}
          %dma_wait3A_87 = arith.constant 0 : i32
          %dma_wait3A_88 = tpu.memref_slice %arg11[%mul3A_51, %dma_wait3A_87] : memref<40x128xi32, #tpu.memory_space<vmem>> -> memref<1x128xi32, #tpu.memory_space<vmem>>
          %dma_wait3A_89 = tpu.memref_squeeze %dma_wait3A_88 : memref<1x128xi32, #tpu.memory_space<vmem>> -> memref<128xi32, #tpu.memory_space<vmem>>
          %dma_wait3A_90 = arith.constant 0 : i32
          %dma_wait3A_91 = arith.constant 0 : i32
          %dma_wait3A_92 = tpu.memref_slice %arg15[%dma_wait3A_90, %dma_wait3A_91] : memref<10240x128xf32, #tpu.memory_space<vmem_shared>> -> memref<10240x128xf32, #tpu.memory_space<vmem_shared>>
          tpu.wait_indirect_dma semaphore(%run_scoped3A : memref<!tpu.dma_semaphore, #tpu.memory_space<semaphore_mem>>) src(%arg13 : memref<128x128xf32, #tpu.memory_space<vmem>>) dst(%dma_wait3A_92 : memref<10240x128xf32, #tpu.memory_space<vmem_shared>>)
          tpu.yield
        }) : () -> ()
        "tpu.region"() ({
          %run_scoped3A = tpu.sem_alloc : memref<!tpu.dma_semaphore, #tpu.memory_space<semaphore_mem>>
          %dma_start3A_81 = arith.constant 0 : i32
          %dma_start3A_82 = tpu.memref_slice %arg11[%mul3A_51, %dma_start3A_81] : memref<40x128xi32, #tpu.memory_space<vmem>> -> memref<1x128xi32, #tpu.memory_space<vmem>>
          %dma_start3A_83 = tpu.memref_squeeze %dma_start3A_82 : memref<1x128xi32, #tpu.memory_space<vmem>> -> memref<128xi32, #tpu.memory_space<vmem>>
          %dma_start3A_84 = arith.constant 0 : i32
          %dma_start3A_85 = tpu.memref_slice %arg16[%dma_start3A_84] : memref<10240xf32, #tpu.memory_space<vmem_shared>> -> memref<10240xf32, #tpu.memory_space<vmem_shared>>
          tpu.enqueue_indirect_dma source(%arg12 : memref<128xf32, #tpu.memory_space<vmem>>) target(%dma_start3A_85 : memref<10240xf32, #tpu.memory_space<vmem_shared>>) offsets(%dma_start3A_83 : memref<128xi32, #tpu.memory_space<vmem>>) semaphore(%run_scoped3A : memref<!tpu.dma_semaphore, #tpu.memory_space<semaphore_mem>>) {add = true}
          %dma_wait3A_86 = arith.constant 0 : i32
          %dma_wait3A_87 = tpu.memref_slice %arg11[%mul3A_51, %dma_wait3A_86] : memref<40x128xi32, #tpu.memory_space<vmem>> -> memref<1x128xi32, #tpu.memory_space<vmem>>
          %dma_wait3A_88 = tpu.memref_squeeze %dma_wait3A_87 : memref<1x128xi32, #tpu.memory_space<vmem>> -> memref<128xi32, #tpu.memory_space<vmem>>
          %dma_wait3A_89 = arith.constant 0 : i32
          %dma_wait3A_90 = tpu.memref_slice %arg16[%dma_wait3A_89] : memref<10240xf32, #tpu.memory_space<vmem_shared>> -> memref<10240xf32, #tpu.memory_space<vmem_shared>>
          tpu.wait_indirect_dma semaphore(%run_scoped3A : memref<!tpu.dma_semaphore, #tpu.memory_space<semaphore_mem>>) src(%arg12 : memref<128xf32, #tpu.memory_space<vmem>>) dst(%dma_wait3A_90 : memref<10240xf32, #tpu.memory_space<vmem_shared>>)
          tpu.yield
        }) : () -> ()
        %add3A_66 = arith.constant 1 : i32
        %add3A_67 = arith.addi %scan3A_49, %add3A_66 : i32
        %lt3A = arith.constant 20 : i32
        %lt3A_68 = arith.cmpi slt, %add3A_67, %lt3A : i32
        %convert_element_type3A = arith.extui %lt3A_68 : i1 to i32
        %cond3A = arith.constant 0 : i32
        %cond3A_69 = arith.cmpi ne, %convert_element_type3A, %cond3A : i32
        scf.if %cond3A_69 {
          %add3A_81 = arith.constant 2 : i32
          %add3A_82 = arith.addi %mul3A_51, %add3A_81 : i32
          %dma_start3A_83 = arith.constant 0 : i32
          %dma_start3A_84 = tpu.memref_slice %arg10[%add3A_82, %dma_start3A_83] : memref<40x128xi32, #tpu.memory_space<vmem>> -> memref<1x128xi32, #tpu.memory_space<vmem>>
          %dma_start3A_85 = tpu.memref_squeeze %dma_start3A_84 : memref<1x128xi32, #tpu.memory_space<vmem>> -> memref<128xi32, #tpu.memory_space<vmem>>
          %dma_start3A_86 = arith.constant 0 : i32
          %dma_start3A_87 = arith.constant 0 : i32
          %dma_start3A_88 = tpu.memref_slice %arg2[%dma_start3A_86, %dma_start3A_87] : memref<10016x128xf32, #tpu.memory_space<hbm>> -> memref<10016x128xf32, #tpu.memory_space<hbm>>
          tpu.enqueue_indirect_dma source(%dma_start3A_88 : memref<10016x128xf32, #tpu.memory_space<hbm>>) target(%arg13 : memref<128x128xf32, #tpu.memory_space<vmem>>) offsets(%dma_start3A_85 : memref<128xi32, #tpu.memory_space<vmem>>) semaphore(%arg17 : memref<!tpu.dma_semaphore, #tpu.memory_space<semaphore_mem>>)
        } else {
        }
        %dma_wait3A_70 = arith.constant 0 : i32
        %dma_wait3A_71 = arith.constant 0 : i32
        %dma_wait3A_72 = tpu.memref_slice %arg10[%dma_wait3A_70, %dma_wait3A_71] : memref<40x128xi32, #tpu.memory_space<vmem>> -> memref<1x128xi32, #tpu.memory_space<vmem>>
        %dma_wait3A_73 = tpu.memref_squeeze %dma_wait3A_72 : memref<1x128xi32, #tpu.memory_space<vmem>> -> memref<128xi32, #tpu.memory_space<vmem>>
        %dma_wait3A_74 = arith.constant 0 : i32
        %dma_wait3A_75 = arith.constant 0 : i32
        %dma_wait3A_76 = tpu.memref_slice %arg2[%dma_wait3A_74, %dma_wait3A_75] : memref<10016x128xf32, #tpu.memory_space<hbm>> -> memref<10016x128xf32, #tpu.memory_space<hbm>>
        tpu.wait_indirect_dma semaphore(%arg18 : memref<!tpu.dma_semaphore, #tpu.memory_space<semaphore_mem>>) src(%dma_wait3A_76 : memref<10016x128xf32, #tpu.memory_space<hbm>>) dst(%arg14 : memref<128x128xf32, #tpu.memory_space<vmem>>)
        %add3A_77 = arith.constant 1 : i32
        %add3A_78 = arith.addi %mul3A_51, %add3A_77 : i32
        "tpu.region"() ({
          %run_scoped3A = tpu.sem_alloc : memref<!tpu.dma_semaphore, #tpu.memory_space<semaphore_mem>>
          %dma_start3A_81 = arith.constant 0 : i32
          %dma_start3A_82 = tpu.memref_slice %arg11[%add3A_78, %dma_start3A_81] : memref<40x128xi32, #tpu.memory_space<vmem>> -> memref<1x128xi32, #tpu.memory_space<vmem>>
          %dma_start3A_83 = tpu.memref_squeeze %dma_start3A_82 : memref<1x128xi32, #tpu.memory_space<vmem>> -> memref<128xi32, #tpu.memory_space<vmem>>
          %dma_start3A_84 = arith.constant 0 : i32
          %dma_start3A_85 = arith.constant 0 : i32
          %dma_start3A_86 = tpu.memref_slice %arg15[%dma_start3A_84, %dma_start3A_85] : memref<10240x128xf32, #tpu.memory_space<vmem_shared>> -> memref<10240x128xf32, #tpu.memory_space<vmem_shared>>
          tpu.enqueue_indirect_dma source(%arg14 : memref<128x128xf32, #tpu.memory_space<vmem>>) target(%dma_start3A_86 : memref<10240x128xf32, #tpu.memory_space<vmem_shared>>) offsets(%dma_start3A_83 : memref<128xi32, #tpu.memory_space<vmem>>) semaphore(%run_scoped3A : memref<!tpu.dma_semaphore, #tpu.memory_space<semaphore_mem>>) {add = true}
          %dma_wait3A_87 = arith.constant 0 : i32
          %dma_wait3A_88 = tpu.memref_slice %arg11[%add3A_78, %dma_wait3A_87] : memref<40x128xi32, #tpu.memory_space<vmem>> -> memref<1x128xi32, #tpu.memory_space<vmem>>
          %dma_wait3A_89 = tpu.memref_squeeze %dma_wait3A_88 : memref<1x128xi32, #tpu.memory_space<vmem>> -> memref<128xi32, #tpu.memory_space<vmem>>
          %dma_wait3A_90 = arith.constant 0 : i32
          %dma_wait3A_91 = arith.constant 0 : i32
          %dma_wait3A_92 = tpu.memref_slice %arg15[%dma_wait3A_90, %dma_wait3A_91] : memref<10240x128xf32, #tpu.memory_space<vmem_shared>> -> memref<10240x128xf32, #tpu.memory_space<vmem_shared>>
          tpu.wait_indirect_dma semaphore(%run_scoped3A : memref<!tpu.dma_semaphore, #tpu.memory_space<semaphore_mem>>) src(%arg14 : memref<128x128xf32, #tpu.memory_space<vmem>>) dst(%dma_wait3A_92 : memref<10240x128xf32, #tpu.memory_space<vmem_shared>>)
          tpu.yield
        }) : () -> ()
        %add3A_79 = arith.constant 1 : i32
        %add3A_80 = arith.addi %mul3A_51, %add3A_79 : i32
        "tpu.region"() ({
          %run_scoped3A = tpu.sem_alloc : memref<!tpu.dma_semaphore, #tpu.memory_space<semaphore_mem>>
          %dma_start3A_81 = arith.constant 0 : i32
          %dma_start3A_82 = tpu.memref_slice %arg11[%add3A_80, %dma_start3A_81] : memref<40x128xi32, #tpu.memory_space<vmem>> -> memref<1x128xi32, #tpu.memory_space<vmem>>
          %dma_start3A_83 = tpu.memref_squeeze %dma_start3A_82 : memref<1x128xi32, #tpu.memory_space<vmem>> -> memref<128xi32, #tpu.memory_space<vmem>>
          %dma_start3A_84 = arith.constant 0 : i32
          %dma_start3A_85 = tpu.memref_slice %arg16[%dma_start3A_84] : memref<10240xf32, #tpu.memory_space<vmem_shared>> -> memref<10240xf32, #tpu.memory_space<vmem_shared>>
          tpu.enqueue_indirect_dma source(%arg12 : memref<128xf32, #tpu.memory_space<vmem>>) target(%dma_start3A_85 : memref<10240xf32, #tpu.memory_space<vmem_shared>>) offsets(%dma_start3A_83 : memref<128xi32, #tpu.memory_space<vmem>>) semaphore(%run_scoped3A : memref<!tpu.dma_semaphore, #tpu.memory_space<semaphore_mem>>) {add = true}
          %dma_wait3A_86 = arith.constant 0 : i32
          %dma_wait3A_87 = tpu.memref_slice %arg11[%add3A_80, %dma_wait3A_86] : memref<40x128xi32, #tpu.memory_space<vmem>> -> memref<1x128xi32, #tpu.memory_space<vmem>>
          %dma_wait3A_88 = tpu.memref_squeeze %dma_wait3A_87 : memref<1x128xi32, #tpu.memory_space<vmem>> -> memref<128xi32, #tpu.memory_space<vmem>>
          %dma_wait3A_89 = arith.constant 0 : i32
          %dma_wait3A_90 = tpu.memref_slice %arg16[%dma_wait3A_89] : memref<10240xf32, #tpu.memory_space<vmem_shared>> -> memref<10240xf32, #tpu.memory_space<vmem_shared>>
          tpu.wait_indirect_dma semaphore(%run_scoped3A : memref<!tpu.dma_semaphore, #tpu.memory_space<semaphore_mem>>) src(%arg12 : memref<128xf32, #tpu.memory_space<vmem>>) dst(%dma_wait3A_90 : memref<10240xf32, #tpu.memory_space<vmem_shared>>)
          tpu.yield
        }) : () -> ()
      }
      %scan3A_48 = arith.constant 20 : i32
    }
    %barrier3A_22 = arith.constant 0 : index
    tpu.barrier barrier_id(%barrier3A_22)
    %mul3A_23 = arith.constant 640 : i32
    %mul3A_24 = arith.muli %arg1, %mul3A_23 : i32
    %mul3A_25 = arith.constant 640 : i32
    %mul3A_26 = arith.muli %arg1, %mul3A_25 : i32
    "tpu.region"() ({
      %run_scoped3A = tpu.sem_alloc : memref<!tpu.dma_semaphore, #tpu.memory_space<semaphore_mem>>
      %dma_start3A = arith.constant 0 : i32
      %dma_start3A_31 = arith.constant 0 : i32
      %dma_start3A_32 = tpu.memref_slice %arg8[%arg0, %dma_start3A, %dma_start3A_31] : memref<2x10240x128xf32, #tpu.memory_space<hbm>> -> memref<1x10240x128xf32, #tpu.memory_space<hbm>>
      %dma_start3A_33 = tpu.memref_squeeze %dma_start3A_32 : memref<1x10240x128xf32, #tpu.memory_space<hbm>> -> memref<10240x128xf32, #tpu.memory_space<hbm>>
      %dma_start3A_34 = arith.constant 0 : i32
      %dma_start3A_35 = tpu.memref_slice %dma_start3A_33[%mul3A_26, %dma_start3A_34] : memref<10240x128xf32, #tpu.memory_space<hbm>> -> memref<640x128xf32, #tpu.memory_space<hbm>>
      %dma_start3A_36 = arith.constant 0 : i32
      %dma_start3A_37 = tpu.memref_slice %arg15[%mul3A_24, %dma_start3A_36] : memref<10240x128xf32, #tpu.memory_space<vmem_shared>> -> memref<640x128xf32, #tpu.memory_space<vmem_shared>>
      tpu.enqueue_dma source(%dma_start3A_37 : memref<640x128xf32, #tpu.memory_space<vmem_shared>>) target(%dma_start3A_35 : memref<640x128xf32, #tpu.memory_space<hbm>>) target_semaphore(%run_scoped3A : memref<!tpu.dma_semaphore, #tpu.memory_space<semaphore_mem>>)
      %dma_wait3A = arith.constant 0 : i32
      %dma_wait3A_38 = arith.constant 0 : i32
      %dma_wait3A_39 = tpu.memref_slice %arg8[%arg0, %dma_wait3A, %dma_wait3A_38] : memref<2x10240x128xf32, #tpu.memory_space<hbm>> -> memref<1x10240x128xf32, #tpu.memory_space<hbm>>
      %dma_wait3A_40 = tpu.memref_squeeze %dma_wait3A_39 : memref<1x10240x128xf32, #tpu.memory_space<hbm>> -> memref<10240x128xf32, #tpu.memory_space<hbm>>
      %dma_wait3A_41 = arith.constant 0 : i32
      %dma_wait3A_42 = tpu.memref_slice %dma_wait3A_40[%mul3A_26, %dma_wait3A_41] : memref<10240x128xf32, #tpu.memory_space<hbm>> -> memref<640x128xf32, #tpu.memory_space<hbm>>
      %dma_wait3A_43 = arith.constant 0 : i32
      %dma_wait3A_44 = tpu.memref_slice %arg15[%mul3A_24, %dma_wait3A_43] : memref<10240x128xf32, #tpu.memory_space<vmem_shared>> -> memref<640x128xf32, #tpu.memory_space<vmem_shared>>
      tpu.wait_dma2 semaphore(%run_scoped3A : memref<!tpu.dma_semaphore, #tpu.memory_space<semaphore_mem>>) src(%dma_wait3A_44 : memref<640x128xf32, #tpu.memory_space<vmem_shared>>) dst(%dma_wait3A_42 : memref<640x128xf32, #tpu.memory_space<hbm>>)
      tpu.yield
    }) : () -> ()
    %mul3A_27 = arith.constant 640 : i32
    %mul3A_28 = arith.muli %arg1, %mul3A_27 : i32
    %mul3A_29 = arith.constant 640 : i32
    %mul3A_30 = arith.muli %arg1, %mul3A_29 : i32
    "tpu.region"() ({
      %run_scoped3A = tpu.sem_alloc : memref<!tpu.dma_semaphore, #tpu.memory_space<semaphore_mem>>
      %dma_start3A = arith.constant 0 : i32
      %dma_start3A_31 = tpu.memref_slice %arg9[%arg0, %dma_start3A] : memref<2x10240xf32, #tpu.memory_space<hbm>> -> memref<1x10240xf32, #tpu.memory_space<hbm>>
      %dma_start3A_32 = tpu.memref_squeeze %dma_start3A_31 : memref<1x10240xf32, #tpu.memory_space<hbm>> -> memref<10240xf32, #tpu.memory_space<hbm>>
      %dma_start3A_33 = tpu.memref_slice %dma_start3A_32[%mul3A_30] : memref<10240xf32, #tpu.memory_space<hbm>> -> memref<640xf32, #tpu.memory_space<hbm>>
      %dma_start3A_34 = tpu.memref_slice %arg16[%mul3A_28] : memref<10240xf32, #tpu.memory_space<vmem_shared>> -> memref<640xf32, #tpu.memory_space<vmem_shared>>
      tpu.enqueue_dma source(%dma_start3A_34 : memref<640xf32, #tpu.memory_space<vmem_shared>>) target(%dma_start3A_33 : memref<640xf32, #tpu.memory_space<hbm>>) target_semaphore(%run_scoped3A : memref<!tpu.dma_semaphore, #tpu.memory_space<semaphore_mem>>)
      %dma_wait3A = arith.constant 0 : i32
      %dma_wait3A_35 = tpu.memref_slice %arg9[%arg0, %dma_wait3A] : memref<2x10240xf32, #tpu.memory_space<hbm>> -> memref<1x10240xf32, #tpu.memory_space<hbm>>
      %dma_wait3A_36 = tpu.memref_squeeze %dma_wait3A_35 : memref<1x10240xf32, #tpu.memory_space<hbm>> -> memref<10240xf32, #tpu.memory_space<hbm>>
      %dma_wait3A_37 = tpu.memref_slice %dma_wait3A_36[%mul3A_30] : memref<10240xf32, #tpu.memory_space<hbm>> -> memref<640xf32, #tpu.memory_space<hbm>>
      %dma_wait3A_38 = tpu.memref_slice %arg16[%mul3A_28] : memref<10240xf32, #tpu.memory_space<vmem_shared>> -> memref<640xf32, #tpu.memory_space<vmem_shared>>
      tpu.wait_dma2 semaphore(%run_scoped3A : memref<!tpu.dma_semaphore, #tpu.memory_space<semaphore_mem>>) src(%dma_wait3A_38 : memref<640xf32, #tpu.memory_space<vmem_shared>>) dst(%dma_wait3A_37 : memref<640xf32, #tpu.memory_space<hbm>>)
      tpu.yield
    }) : () -> ()
    return
  }
}

#map = affine_map<(d0, d1) -> (0, 0)>
#map1 = affine_map<(d0, d1) -> (0)>
#map2 = affine_map<(d0, d1) -> (0, 0, 0)>
module attributes {stable_mosaic.version = 14 : i64} {
  func.func @_seg_body(%arg0: i32, %arg1: i32, %arg2: memref<10016x128xf32, #tpu.memory_space<hbm>>, %arg3: memref<2560x128xi32, #tpu.memory_space<hbm>>, %arg4: memref<2560x128xi32, #tpu.memory_space<hbm>>, %arg5: memref<640x128xf32, #tpu.memory_space<hbm>>, %arg6: memref<640xf32, #tpu.memory_space<hbm>>, %arg7: memref<128xf32, #tpu.memory_space<hbm>>, %arg8: memref<2x10240x128xf32, #tpu.memory_space<hbm>>, %arg9: memref<2x10240xf32, #tpu.memory_space<hbm>>, %arg10: memref<40x128xi32, #tpu.memory_space<vmem>>, %arg11: memref<40x128xi32, #tpu.memory_space<vmem>>, %arg12: memref<128xf32, #tpu.memory_space<vmem>>, %arg13: memref<128x128xf32, #tpu.memory_space<vmem>>, %arg14: memref<128x128xf32, #tpu.memory_space<vmem>>, %arg15: memref<10240x128xf32, #tpu.memory_space<vmem_shared>>, %arg16: memref<10240xf32, #tpu.memory_space<vmem_shared>>, %arg17: memref<!tpu.dma_semaphore, #tpu.memory_space<semaphore_mem>>, %arg18: memref<!tpu.dma_semaphore, #tpu.memory_space<semaphore_mem>>) attributes {dimension_semantics = [#tpu.dimension_semantics<core_parallel>, #tpu.dimension_semantics<subcore_parallel>], iteration_bounds = array<i64: 2, 16>, scalar_prefetch = 0 : i64, scratch_operands = 9 : i64, tpu.core_type = #tpu.core_type<sc_vector_subcore>, window_params = [{transform_indices = #map}, {transform_indices = #map}, {transform_indices = #map}, {transform_indices = #map}, {transform_indices = #map1}, {transform_indices = #map1}, {transform_indices = #map2}, {transform_indices = #map}]} {
    %mul3A = arith.constant 640 : i32
    %mul3A_0 = arith.muli %arg1, %mul3A : i32
    "tpu.region"() ({
      %run_scoped3A = tpu.sem_alloc : memref<!tpu.dma_semaphore, #tpu.memory_space<semaphore_mem>>
      %dma_start3A = arith.constant 0 : i32
      %dma_start3A_31 = tpu.memref_slice %arg15[%mul3A_0, %dma_start3A] : memref<10240x128xf32, #tpu.memory_space<vmem_shared>> -> memref<640x128xf32, #tpu.memory_space<vmem_shared>>
      tpu.enqueue_dma source(%arg5 : memref<640x128xf32, #tpu.memory_space<hbm>>) target(%dma_start3A_31 : memref<640x128xf32, #tpu.memory_space<vmem_shared>>) target_semaphore(%run_scoped3A : memref<!tpu.dma_semaphore, #tpu.memory_space<semaphore_mem>>)
      %dma_wait3A = arith.constant 0 : i32
      %dma_wait3A_32 = tpu.memref_slice %arg15[%mul3A_0, %dma_wait3A] : memref<10240x128xf32, #tpu.memory_space<vmem_shared>> -> memref<640x128xf32, #tpu.memory_space<vmem_shared>>
      tpu.wait_dma2 semaphore(%run_scoped3A : memref<!tpu.dma_semaphore, #tpu.memory_space<semaphore_mem>>) src(%arg5 : memref<640x128xf32, #tpu.memory_space<hbm>>) dst(%dma_wait3A_32 : memref<640x128xf32, #tpu.memory_space<vmem_shared>>)
      tpu.yield
    }) : () -> ()
    %mul3A_1 = arith.constant 640 : i32
    %mul3A_2 = arith.muli %arg1, %mul3A_1 : i32
    "tpu.region"() ({
      %run_scoped3A = tpu.sem_alloc : memref<!tpu.dma_semaphore, #tpu.memory_space<semaphore_mem>>
      %dma_start3A = tpu.memref_slice %arg16[%mul3A_2] : memref<10240xf32, #tpu.memory_space<vmem_shared>> -> memref<640xf32, #tpu.memory_space<vmem_shared>>
      tpu.enqueue_dma source(%arg6 : memref<640xf32, #tpu.memory_space<hbm>>) target(%dma_start3A : memref<640xf32, #tpu.memory_space<vmem_shared>>) target_semaphore(%run_scoped3A : memref<!tpu.dma_semaphore, #tpu.memory_space<semaphore_mem>>)
      %dma_wait3A = tpu.memref_slice %arg16[%mul3A_2] : memref<10240xf32, #tpu.memory_space<vmem_shared>> -> memref<640xf32, #tpu.memory_space<vmem_shared>>
      tpu.wait_dma2 semaphore(%run_scoped3A : memref<!tpu.dma_semaphore, #tpu.memory_space<semaphore_mem>>) src(%arg6 : memref<640xf32, #tpu.memory_space<hbm>>) dst(%dma_wait3A : memref<640xf32, #tpu.memory_space<vmem_shared>>)
      tpu.yield
    }) : () -> ()
    "tpu.region"() ({
      %run_scoped3A = tpu.sem_alloc : memref<!tpu.dma_semaphore, #tpu.memory_space<semaphore_mem>>
      tpu.enqueue_dma source(%arg7 : memref<128xf32, #tpu.memory_space<hbm>>) target(%arg12 : memref<128xf32, #tpu.memory_space<vmem>>) target_semaphore(%run_scoped3A : memref<!tpu.dma_semaphore, #tpu.memory_space<semaphore_mem>>)
      tpu.wait_dma2 semaphore(%run_scoped3A : memref<!tpu.dma_semaphore, #tpu.memory_space<semaphore_mem>>) src(%arg7 : memref<128xf32, #tpu.memory_space<hbm>>) dst(%arg12 : memref<128xf32, #tpu.memory_space<vmem>>)
      tpu.yield
    }) : () -> ()
    %barrier3A = arith.constant 0 : index
    tpu.barrier barrier_id(%barrier3A)
    %eq3A = arith.constant 0 : i32
    %eq3A_3 = arith.cmpi eq, %arg0, %eq3A : i32
    %jit3A = arith.constant 3 : i32
    %jit3A_4 = arith.constant 1 : i32
    %select_n3A = arith.select %eq3A_3, %jit3A, %jit3A_4 : i32
    %eq3A_5 = arith.constant 0 : i32
    %eq3A_6 = arith.cmpi eq, %arg0, %eq3A_5 : i32
    %mul3A_7 = arith.constant 120 : i32
    %mul3A_8 = arith.muli %arg1, %mul3A_7 : i32
    %mul3A_9 = arith.constant 40 : i32
    %mul3A_10 = arith.muli %arg1, %mul3A_9 : i32
    %add3A = arith.constant 1920 : i32
    %add3A_11 = arith.addi %add3A, %mul3A_10 : i32
    %select_n3A_12 = arith.select %eq3A_6, %mul3A_8, %add3A_11 : i32
    %while3A = arith.constant 0 : i32
    %while3A_13 = arith.constant 0 : i32
    %while3A_14 = arith.subi %select_n3A, %while3A_13 : i32
    %while3A_15 = arith.addi %while3A_13, %while3A_14 : i32
    %while3A_16 = arith.constant 1 : i32
    %while3A_17 = arith.divsi %while3A_14, %while3A_16 : i32
    %while3A_18 = arith.muli %while3A_17, %while3A_16 : i32
    %while3A_19 = arith.addi %while3A_13, %while3A_18 : i32
    %while3A_20 = arith.constant 1 : i32
    scf.for %while3A_31 = %while3A_13 to %while3A_19 step %while3A_20  : i32 {
      %mul3A_32 = arith.constant 40 : i32
      %mul3A_33 = arith.muli %while3A_31, %mul3A_32 : i32
      %add3A_34 = arith.addi %select_n3A_12, %mul3A_33 : i32
      "tpu.region"() ({
        %run_scoped3A = tpu.sem_alloc : memref<!tpu.dma_semaphore, #tpu.memory_space<semaphore_mem>>
        %dma_start3A_49 = arith.constant 0 : i32
        %dma_start3A_50 = tpu.memref_slice %arg3[%add3A_34, %dma_start3A_49] : memref<2560x128xi32, #tpu.memory_space<hbm>> -> memref<40x128xi32, #tpu.memory_space<hbm>>
        %dma_start3A_51 = arith.constant 0 : i32
        %dma_start3A_52 = tpu.memref_slice %arg3[%add3A_34, %dma_start3A_51] : memref<2560x128xi32, #tpu.memory_space<hbm>> -> memref<40x128xi32, #tpu.memory_space<hbm>>
        tpu.enqueue_dma source(%dma_start3A_52 : memref<40x128xi32, #tpu.memory_space<hbm>>) target(%arg10 : memref<40x128xi32, #tpu.memory_space<vmem>>) target_semaphore(%run_scoped3A : memref<!tpu.dma_semaphore, #tpu.memory_space<semaphore_mem>>)
        %dma_wait3A = arith.constant 0 : i32
        %dma_wait3A_53 = tpu.memref_slice %arg3[%add3A_34, %dma_wait3A] : memref<2560x128xi32, #tpu.memory_space<hbm>> -> memref<40x128xi32, #tpu.memory_space<hbm>>
        %dma_wait3A_54 = arith.constant 0 : i32
        %dma_wait3A_55 = tpu.memref_slice %arg3[%add3A_34, %dma_wait3A_54] : memref<2560x128xi32, #tpu.memory_space<hbm>> -> memref<40x128xi32, #tpu.memory_space<hbm>>
        tpu.wait_dma2 semaphore(%run_scoped3A : memref<!tpu.dma_semaphore, #tpu.memory_space<semaphore_mem>>) src(%dma_wait3A_55 : memref<40x128xi32, #tpu.memory_space<hbm>>) dst(%arg10 : memref<40x128xi32, #tpu.memory_space<vmem>>)
        tpu.yield
      }) : () -> ()
      %mul3A_35 = arith.constant 40 : i32
      %mul3A_36 = arith.muli %while3A_31, %mul3A_35 : i32
      %add3A_37 = arith.addi %select_n3A_12, %mul3A_36 : i32
      "tpu.region"() ({
        %run_scoped3A = tpu.sem_alloc : memref<!tpu.dma_semaphore, #tpu.memory_space<semaphore_mem>>
        %dma_start3A_49 = arith.constant 0 : i32
        %dma_start3A_50 = tpu.memref_slice %arg4[%add3A_37, %dma_start3A_49] : memref<2560x128xi32, #tpu.memory_space<hbm>> -> memref<40x128xi32, #tpu.memory_space<hbm>>
        %dma_start3A_51 = arith.constant 0 : i32
        %dma_start3A_52 = tpu.memref_slice %arg4[%add3A_37, %dma_start3A_51] : memref<2560x128xi32, #tpu.memory_space<hbm>> -> memref<40x128xi32, #tpu.memory_space<hbm>>
        tpu.enqueue_dma source(%dma_start3A_52 : memref<40x128xi32, #tpu.memory_space<hbm>>) target(%arg11 : memref<40x128xi32, #tpu.memory_space<vmem>>) target_semaphore(%run_scoped3A : memref<!tpu.dma_semaphore, #tpu.memory_space<semaphore_mem>>)
        %dma_wait3A = arith.constant 0 : i32
        %dma_wait3A_53 = tpu.memref_slice %arg4[%add3A_37, %dma_wait3A] : memref<2560x128xi32, #tpu.memory_space<hbm>> -> memref<40x128xi32, #tpu.memory_space<hbm>>
        %dma_wait3A_54 = arith.constant 0 : i32
        %dma_wait3A_55 = tpu.memref_slice %arg4[%add3A_37, %dma_wait3A_54] : memref<2560x128xi32, #tpu.memory_space<hbm>> -> memref<40x128xi32, #tpu.memory_space<hbm>>
        tpu.wait_dma2 semaphore(%run_scoped3A : memref<!tpu.dma_semaphore, #tpu.memory_space<semaphore_mem>>) src(%dma_wait3A_55 : memref<40x128xi32, #tpu.memory_space<hbm>>) dst(%arg11 : memref<40x128xi32, #tpu.memory_space<vmem>>)
        tpu.yield
      }) : () -> ()
      %dma_start3A = arith.constant 0 : i32
      %dma_start3A_38 = arith.constant 0 : i32
      %dma_start3A_39 = tpu.memref_slice %arg10[%dma_start3A, %dma_start3A_38] : memref<40x128xi32, #tpu.memory_space<vmem>> -> memref<1x128xi32, #tpu.memory_space<vmem>>
      %dma_start3A_40 = tpu.memref_squeeze %dma_start3A_39 : memref<1x128xi32, #tpu.memory_space<vmem>> -> memref<128xi32, #tpu.memory_space<vmem>>
      %dma_start3A_41 = arith.constant 0 : i32
      %dma_start3A_42 = arith.constant 0 : i32
      %dma_start3A_43 = tpu.memref_slice %arg2[%dma_start3A_41, %dma_start3A_42] : memref<10016x128xf32, #tpu.memory_space<hbm>> -> memref<10016x128xf32, #tpu.memory_space<hbm>>
      tpu.enqueue_indirect_dma source(%dma_start3A_43 : memref<10016x128xf32, #tpu.memory_space<hbm>>) target(%arg13 : memref<128x128xf32, #tpu.memory_space<vmem>>) offsets(%dma_start3A_40 : memref<128xi32, #tpu.memory_space<vmem>>) semaphore(%arg17 : memref<!tpu.dma_semaphore, #tpu.memory_space<semaphore_mem>>)
      %scan3A = arith.constant 0 : i32
      %scan3A_44 = arith.constant 0 : i32
      %scan3A_45 = arith.constant 20 : i32
      %scan3A_46 = arith.addi %scan3A_44, %scan3A_45 : i32
      %scan3A_47 = arith.constant 1 : i32
      scf.for %scan3A_49 = %scan3A_44 to %scan3A_46 step %scan3A_47  : i32 {
        %mul3A_50 = arith.constant 2 : i32
        %mul3A_51 = arith.muli %mul3A_50, %scan3A_49 : i32
        %add3A_52 = arith.constant 1 : i32
        %add3A_53 = arith.addi %mul3A_51, %add3A_52 : i32
        %dma_start3A_54 = arith.constant 0 : i32
        %dma_start3A_55 = tpu.memref_slice %arg10[%add3A_53, %dma_start3A_54] : memref<40x128xi32, #tpu.memory_space<vmem>> -> memref<1x128xi32, #tpu.memory_space<vmem>>
        %dma_start3A_56 = tpu.memref_squeeze %dma_start3A_55 : memref<1x128xi32, #tpu.memory_space<vmem>> -> memref<128xi32, #tpu.memory_space<vmem>>
        %dma_start3A_57 = arith.constant 0 : i32
        %dma_start3A_58 = arith.constant 0 : i32
        %dma_start3A_59 = tpu.memref_slice %arg2[%dma_start3A_57, %dma_start3A_58] : memref<10016x128xf32, #tpu.memory_space<hbm>> -> memref<10016x128xf32, #tpu.memory_space<hbm>>
        tpu.enqueue_indirect_dma source(%dma_start3A_59 : memref<10016x128xf32, #tpu.memory_space<hbm>>) target(%arg14 : memref<128x128xf32, #tpu.memory_space<vmem>>) offsets(%dma_start3A_56 : memref<128xi32, #tpu.memory_space<vmem>>) semaphore(%arg18 : memref<!tpu.dma_semaphore, #tpu.memory_space<semaphore_mem>>)
        %dma_wait3A = arith.constant 0 : i32
        %dma_wait3A_60 = arith.constant 0 : i32
        %dma_wait3A_61 = tpu.memref_slice %arg10[%dma_wait3A, %dma_wait3A_60] : memref<40x128xi32, #tpu.memory_space<vmem>> -> memref<1x128xi32, #tpu.memory_space<vmem>>
        %dma_wait3A_62 = tpu.memref_squeeze %dma_wait3A_61 : memref<1x128xi32, #tpu.memory_space<vmem>> -> memref<128xi32, #tpu.memory_space<vmem>>
        %dma_wait3A_63 = arith.constant 0 : i32
        %dma_wait3A_64 = arith.constant 0 : i32
        %dma_wait3A_65 = tpu.memref_slice %arg2[%dma_wait3A_63, %dma_wait3A_64] : memref<10016x128xf32, #tpu.memory_space<hbm>> -> memref<10016x128xf32, #tpu.memory_space<hbm>>
        tpu.wait_indirect_dma semaphore(%arg17 : memref<!tpu.dma_semaphore, #tpu.memory_space<semaphore_mem>>) src(%dma_wait3A_65 : memref<10016x128xf32, #tpu.memory_space<hbm>>) dst(%arg13 : memref<128x128xf32, #tpu.memory_space<vmem>>)
        "tpu.region"() ({
          %run_scoped3A = tpu.sem_alloc : memref<!tpu.dma_semaphore, #tpu.memory_space<semaphore_mem>>
          %dma_start3A_81 = arith.constant 0 : i32
          %dma_start3A_82 = tpu.memref_slice %arg11[%mul3A_51, %dma_start3A_81] : memref<40x128xi32, #tpu.memory_space<vmem>> -> memref<1x128xi32, #tpu.memory_space<vmem>>
          %dma_start3A_83 = tpu.memref_squeeze %dma_start3A_82 : memref<1x128xi32, #tpu.memory_space<vmem>> -> memref<128xi32, #tpu.memory_space<vmem>>
          %dma_start3A_84 = arith.constant 0 : i32
          %dma_start3A_85 = arith.constant 0 : i32
          %dma_start3A_86 = tpu.memref_slice %arg15[%dma_start3A_84, %dma_start3A_85] : memref<10240x128xf32, #tpu.memory_space<vmem_shared>> -> memref<10240x128xf32, #tpu.memory_space<vmem_shared>>
          tpu.enqueue_indirect_dma source(%arg13 : memref<128x128xf32, #tpu.memory_space<vmem>>) target(%dma_start3A_86 : memref<10240x128xf32, #tpu.memory_space<vmem_shared>>) offsets(%dma_start3A_83 : memref<128xi32, #tpu.memory_space<vmem>>) semaphore(%run_scoped3A : memref<!tpu.dma_semaphore, #tpu.memory_space<semaphore_mem>>) {add = true}
          %dma_wait3A_87 = arith.constant 0 : i32
          %dma_wait3A_88 = tpu.memref_slice %arg11[%mul3A_51, %dma_wait3A_87] : memref<40x128xi32, #tpu.memory_space<vmem>> -> memref<1x128xi32, #tpu.memory_space<vmem>>
          %dma_wait3A_89 = tpu.memref_squeeze %dma_wait3A_88 : memref<1x128xi32, #tpu.memory_space<vmem>> -> memref<128xi32, #tpu.memory_space<vmem>>
          %dma_wait3A_90 = arith.constant 0 : i32
          %dma_wait3A_91 = arith.constant 0 : i32
          %dma_wait3A_92 = tpu.memref_slice %arg15[%dma_wait3A_90, %dma_wait3A_91] : memref<10240x128xf32, #tpu.memory_space<vmem_shared>> -> memref<10240x128xf32, #tpu.memory_space<vmem_shared>>
          tpu.wait_indirect_dma semaphore(%run_scoped3A : memref<!tpu.dma_semaphore, #tpu.memory_space<semaphore_mem>>) src(%arg13 : memref<128x128xf32, #tpu.memory_space<vmem>>) dst(%dma_wait3A_92 : memref<10240x128xf32, #tpu.memory_space<vmem_shared>>)
          tpu.yield
        }) : () -> ()
        "tpu.region"() ({
          %run_scoped3A = tpu.sem_alloc : memref<!tpu.dma_semaphore, #tpu.memory_space<semaphore_mem>>
          %dma_start3A_81 = arith.constant 0 : i32
          %dma_start3A_82 = tpu.memref_slice %arg11[%mul3A_51, %dma_start3A_81] : memref<40x128xi32, #tpu.memory_space<vmem>> -> memref<1x128xi32, #tpu.memory_space<vmem>>
          %dma_start3A_83 = tpu.memref_squeeze %dma_start3A_82 : memref<1x128xi32, #tpu.memory_space<vmem>> -> memref<128xi32, #tpu.memory_space<vmem>>
          %dma_start3A_84 = arith.constant 0 : i32
          %dma_start3A_85 = tpu.memref_slice %arg16[%dma_start3A_84] : memref<10240xf32, #tpu.memory_space<vmem_shared>> -> memref<10240xf32, #tpu.memory_space<vmem_shared>>
          tpu.enqueue_indirect_dma source(%arg12 : memref<128xf32, #tpu.memory_space<vmem>>) target(%dma_start3A_85 : memref<10240xf32, #tpu.memory_space<vmem_shared>>) offsets(%dma_start3A_83 : memref<128xi32, #tpu.memory_space<vmem>>) semaphore(%run_scoped3A : memref<!tpu.dma_semaphore, #tpu.memory_space<semaphore_mem>>) {add = true}
          %dma_wait3A_86 = arith.constant 0 : i32
          %dma_wait3A_87 = tpu.memref_slice %arg11[%mul3A_51, %dma_wait3A_86] : memref<40x128xi32, #tpu.memory_space<vmem>> -> memref<1x128xi32, #tpu.memory_space<vmem>>
          %dma_wait3A_88 = tpu.memref_squeeze %dma_wait3A_87 : memref<1x128xi32, #tpu.memory_space<vmem>> -> memref<128xi32, #tpu.memory_space<vmem>>
          %dma_wait3A_89 = arith.constant 0 : i32
          %dma_wait3A_90 = tpu.memref_slice %arg16[%dma_wait3A_89] : memref<10240xf32, #tpu.memory_space<vmem_shared>> -> memref<10240xf32, #tpu.memory_space<vmem_shared>>
          tpu.wait_indirect_dma semaphore(%run_scoped3A : memref<!tpu.dma_semaphore, #tpu.memory_space<semaphore_mem>>) src(%arg12 : memref<128xf32, #tpu.memory_space<vmem>>) dst(%dma_wait3A_90 : memref<10240xf32, #tpu.memory_space<vmem_shared>>)
          tpu.yield
        }) : () -> ()
        %add3A_66 = arith.constant 1 : i32
        %add3A_67 = arith.addi %scan3A_49, %add3A_66 : i32
        %lt3A = arith.constant 20 : i32
        %lt3A_68 = arith.cmpi slt, %add3A_67, %lt3A : i32
        %convert_element_type3A = arith.extui %lt3A_68 : i1 to i32
        %cond3A = arith.constant 0 : i32
        %cond3A_69 = arith.cmpi ne, %convert_element_type3A, %cond3A : i32
        scf.if %cond3A_69 {
          %add3A_81 = arith.constant 2 : i32
          %add3A_82 = arith.addi %mul3A_51, %add3A_81 : i32
          %dma_start3A_83 = arith.constant 0 : i32
          %dma_start3A_84 = tpu.memref_slice %arg10[%add3A_82, %dma_start3A_83] : memref<40x128xi32, #tpu.memory_space<vmem>> -> memref<1x128xi32, #tpu.memory_space<vmem>>
          %dma_start3A_85 = tpu.memref_squeeze %dma_start3A_84 : memref<1x128xi32, #tpu.memory_space<vmem>> -> memref<128xi32, #tpu.memory_space<vmem>>
          %dma_start3A_86 = arith.constant 0 : i32
          %dma_start3A_87 = arith.constant 0 : i32
          %dma_start3A_88 = tpu.memref_slice %arg2[%dma_start3A_86, %dma_start3A_87] : memref<10016x128xf32, #tpu.memory_space<hbm>> -> memref<10016x128xf32, #tpu.memory_space<hbm>>
          tpu.enqueue_indirect_dma source(%dma_start3A_88 : memref<10016x128xf32, #tpu.memory_space<hbm>>) target(%arg13 : memref<128x128xf32, #tpu.memory_space<vmem>>) offsets(%dma_start3A_85 : memref<128xi32, #tpu.memory_space<vmem>>) semaphore(%arg17 : memref<!tpu.dma_semaphore, #tpu.memory_space<semaphore_mem>>)
        } else {
        }
        %dma_wait3A_70 = arith.constant 0 : i32
        %dma_wait3A_71 = arith.constant 0 : i32
        %dma_wait3A_72 = tpu.memref_slice %arg10[%dma_wait3A_70, %dma_wait3A_71] : memref<40x128xi32, #tpu.memory_space<vmem>> -> memref<1x128xi32, #tpu.memory_space<vmem>>
        %dma_wait3A_73 = tpu.memref_squeeze %dma_wait3A_72 : memref<1x128xi32, #tpu.memory_space<vmem>> -> memref<128xi32, #tpu.memory_space<vmem>>
        %dma_wait3A_74 = arith.constant 0 : i32
        %dma_wait3A_75 = arith.constant 0 : i32
        %dma_wait3A_76 = tpu.memref_slice %arg2[%dma_wait3A_74, %dma_wait3A_75] : memref<10016x128xf32, #tpu.memory_space<hbm>> -> memref<10016x128xf32, #tpu.memory_space<hbm>>
        tpu.wait_indirect_dma semaphore(%arg18 : memref<!tpu.dma_semaphore, #tpu.memory_space<semaphore_mem>>) src(%dma_wait3A_76 : memref<10016x128xf32, #tpu.memory_space<hbm>>) dst(%arg14 : memref<128x128xf32, #tpu.memory_space<vmem>>)
        %add3A_77 = arith.constant 1 : i32
        %add3A_78 = arith.addi %mul3A_51, %add3A_77 : i32
        "tpu.region"() ({
          %run_scoped3A = tpu.sem_alloc : memref<!tpu.dma_semaphore, #tpu.memory_space<semaphore_mem>>
          %dma_start3A_81 = arith.constant 0 : i32
          %dma_start3A_82 = tpu.memref_slice %arg11[%add3A_78, %dma_start3A_81] : memref<40x128xi32, #tpu.memory_space<vmem>> -> memref<1x128xi32, #tpu.memory_space<vmem>>
          %dma_start3A_83 = tpu.memref_squeeze %dma_start3A_82 : memref<1x128xi32, #tpu.memory_space<vmem>> -> memref<128xi32, #tpu.memory_space<vmem>>
          %dma_start3A_84 = arith.constant 0 : i32
          %dma_start3A_85 = arith.constant 0 : i32
          %dma_start3A_86 = tpu.memref_slice %arg15[%dma_start3A_84, %dma_start3A_85] : memref<10240x128xf32, #tpu.memory_space<vmem_shared>> -> memref<10240x128xf32, #tpu.memory_space<vmem_shared>>
          tpu.enqueue_indirect_dma source(%arg14 : memref<128x128xf32, #tpu.memory_space<vmem>>) target(%dma_start3A_86 : memref<10240x128xf32, #tpu.memory_space<vmem_shared>>) offsets(%dma_start3A_83 : memref<128xi32, #tpu.memory_space<vmem>>) semaphore(%run_scoped3A : memref<!tpu.dma_semaphore, #tpu.memory_space<semaphore_mem>>) {add = true}
          %dma_wait3A_87 = arith.constant 0 : i32
          %dma_wait3A_88 = tpu.memref_slice %arg11[%add3A_78, %dma_wait3A_87] : memref<40x128xi32, #tpu.memory_space<vmem>> -> memref<1x128xi32, #tpu.memory_space<vmem>>
          %dma_wait3A_89 = tpu.memref_squeeze %dma_wait3A_88 : memref<1x128xi32, #tpu.memory_space<vmem>> -> memref<128xi32, #tpu.memory_space<vmem>>
          %dma_wait3A_90 = arith.constant 0 : i32
          %dma_wait3A_91 = arith.constant 0 : i32
          %dma_wait3A_92 = tpu.memref_slice %arg15[%dma_wait3A_90, %dma_wait3A_91] : memref<10240x128xf32, #tpu.memory_space<vmem_shared>> -> memref<10240x128xf32, #tpu.memory_space<vmem_shared>>
          tpu.wait_indirect_dma semaphore(%run_scoped3A : memref<!tpu.dma_semaphore, #tpu.memory_space<semaphore_mem>>) src(%arg14 : memref<128x128xf32, #tpu.memory_space<vmem>>) dst(%dma_wait3A_92 : memref<10240x128xf32, #tpu.memory_space<vmem_shared>>)
          tpu.yield
        }) : () -> ()
        %add3A_79 = arith.constant 1 : i32
        %add3A_80 = arith.addi %mul3A_51, %add3A_79 : i32
        "tpu.region"() ({
          %run_scoped3A = tpu.sem_alloc : memref<!tpu.dma_semaphore, #tpu.memory_space<semaphore_mem>>
          %dma_start3A_81 = arith.constant 0 : i32
          %dma_start3A_82 = tpu.memref_slice %arg11[%add3A_80, %dma_start3A_81] : memref<40x128xi32, #tpu.memory_space<vmem>> -> memref<1x128xi32, #tpu.memory_space<vmem>>
          %dma_start3A_83 = tpu.memref_squeeze %dma_start3A_82 : memref<1x128xi32, #tpu.memory_space<vmem>> -> memref<128xi32, #tpu.memory_space<vmem>>
          %dma_start3A_84 = arith.constant 0 : i32
          %dma_start3A_85 = tpu.memref_slice %arg16[%dma_start3A_84] : memref<10240xf32, #tpu.memory_space<vmem_shared>> -> memref<10240xf32, #tpu.memory_space<vmem_shared>>
          tpu.enqueue_indirect_dma source(%arg12 : memref<128xf32, #tpu.memory_space<vmem>>) target(%dma_start3A_85 : memref<10240xf32, #tpu.memory_space<vmem_shared>>) offsets(%dma_start3A_83 : memref<128xi32, #tpu.memory_space<vmem>>) semaphore(%run_scoped3A : memref<!tpu.dma_semaphore, #tpu.memory_space<semaphore_mem>>) {add = true}
          %dma_wait3A_86 = arith.constant 0 : i32
          %dma_wait3A_87 = tpu.memref_slice %arg11[%add3A_80, %dma_wait3A_86] : memref<40x128xi32, #tpu.memory_space<vmem>> -> memref<1x128xi32, #tpu.memory_space<vmem>>
          %dma_wait3A_88 = tpu.memref_squeeze %dma_wait3A_87 : memref<1x128xi32, #tpu.memory_space<vmem>> -> memref<128xi32, #tpu.memory_space<vmem>>
          %dma_wait3A_89 = arith.constant 0 : i32
          %dma_wait3A_90 = tpu.memref_slice %arg16[%dma_wait3A_89] : memref<10240xf32, #tpu.memory_space<vmem_shared>> -> memref<10240xf32, #tpu.memory_space<vmem_shared>>
          tpu.wait_indirect_dma semaphore(%run_scoped3A : memref<!tpu.dma_semaphore, #tpu.memory_space<semaphore_mem>>) src(%arg12 : memref<128xf32, #tpu.memory_space<vmem>>) dst(%dma_wait3A_90 : memref<10240xf32, #tpu.memory_space<vmem_shared>>)
          tpu.yield
        }) : () -> ()
      }
      %scan3A_48 = arith.constant 20 : i32
    }
    %while3A_21 = arith.constant 1 : i32
    scf.for %while3A_31 = %while3A_19 to %while3A_15 step %while3A_21  : i32 {
      %mul3A_32 = arith.constant 40 : i32
      %mul3A_33 = arith.muli %while3A_31, %mul3A_32 : i32
      %add3A_34 = arith.addi %select_n3A_12, %mul3A_33 : i32
      "tpu.region"() ({
        %run_scoped3A = tpu.sem_alloc : memref<!tpu.dma_semaphore, #tpu.memory_space<semaphore_mem>>
        %dma_start3A_49 = arith.constant 0 : i32
        %dma_start3A_50 = tpu.memref_slice %arg3[%add3A_34, %dma_start3A_49] : memref<2560x128xi32, #tpu.memory_space<hbm>> -> memref<40x128xi32, #tpu.memory_space<hbm>>
        %dma_start3A_51 = arith.constant 0 : i32
        %dma_start3A_52 = tpu.memref_slice %arg3[%add3A_34, %dma_start3A_51] : memref<2560x128xi32, #tpu.memory_space<hbm>> -> memref<40x128xi32, #tpu.memory_space<hbm>>
        tpu.enqueue_dma source(%dma_start3A_52 : memref<40x128xi32, #tpu.memory_space<hbm>>) target(%arg10 : memref<40x128xi32, #tpu.memory_space<vmem>>) target_semaphore(%run_scoped3A : memref<!tpu.dma_semaphore, #tpu.memory_space<semaphore_mem>>)
        %dma_wait3A = arith.constant 0 : i32
        %dma_wait3A_53 = tpu.memref_slice %arg3[%add3A_34, %dma_wait3A] : memref<2560x128xi32, #tpu.memory_space<hbm>> -> memref<40x128xi32, #tpu.memory_space<hbm>>
        %dma_wait3A_54 = arith.constant 0 : i32
        %dma_wait3A_55 = tpu.memref_slice %arg3[%add3A_34, %dma_wait3A_54] : memref<2560x128xi32, #tpu.memory_space<hbm>> -> memref<40x128xi32, #tpu.memory_space<hbm>>
        tpu.wait_dma2 semaphore(%run_scoped3A : memref<!tpu.dma_semaphore, #tpu.memory_space<semaphore_mem>>) src(%dma_wait3A_55 : memref<40x128xi32, #tpu.memory_space<hbm>>) dst(%arg10 : memref<40x128xi32, #tpu.memory_space<vmem>>)
        tpu.yield
      }) : () -> ()
      %mul3A_35 = arith.constant 40 : i32
      %mul3A_36 = arith.muli %while3A_31, %mul3A_35 : i32
      %add3A_37 = arith.addi %select_n3A_12, %mul3A_36 : i32
      "tpu.region"() ({
        %run_scoped3A = tpu.sem_alloc : memref<!tpu.dma_semaphore, #tpu.memory_space<semaphore_mem>>
        %dma_start3A_49 = arith.constant 0 : i32
        %dma_start3A_50 = tpu.memref_slice %arg4[%add3A_37, %dma_start3A_49] : memref<2560x128xi32, #tpu.memory_space<hbm>> -> memref<40x128xi32, #tpu.memory_space<hbm>>
        %dma_start3A_51 = arith.constant 0 : i32
        %dma_start3A_52 = tpu.memref_slice %arg4[%add3A_37, %dma_start3A_51] : memref<2560x128xi32, #tpu.memory_space<hbm>> -> memref<40x128xi32, #tpu.memory_space<hbm>>
        tpu.enqueue_dma source(%dma_start3A_52 : memref<40x128xi32, #tpu.memory_space<hbm>>) target(%arg11 : memref<40x128xi32, #tpu.memory_space<vmem>>) target_semaphore(%run_scoped3A : memref<!tpu.dma_semaphore, #tpu.memory_space<semaphore_mem>>)
        %dma_wait3A = arith.constant 0 : i32
        %dma_wait3A_53 = tpu.memref_slice %arg4[%add3A_37, %dma_wait3A] : memref<2560x128xi32, #tpu.memory_space<hbm>> -> memref<40x128xi32, #tpu.memory_space<hbm>>
        %dma_wait3A_54 = arith.constant 0 : i32
        %dma_wait3A_55 = tpu.memref_slice %arg4[%add3A_37, %dma_wait3A_54] : memref<2560x128xi32, #tpu.memory_space<hbm>> -> memref<40x128xi32, #tpu.memory_space<hbm>>
        tpu.wait_dma2 semaphore(%run_scoped3A : memref<!tpu.dma_semaphore, #tpu.memory_space<semaphore_mem>>) src(%dma_wait3A_55 : memref<40x128xi32, #tpu.memory_space<hbm>>) dst(%arg11 : memref<40x128xi32, #tpu.memory_space<vmem>>)
        tpu.yield
      }) : () -> ()
      %dma_start3A = arith.constant 0 : i32
      %dma_start3A_38 = arith.constant 0 : i32
      %dma_start3A_39 = tpu.memref_slice %arg10[%dma_start3A, %dma_start3A_38] : memref<40x128xi32, #tpu.memory_space<vmem>> -> memref<1x128xi32, #tpu.memory_space<vmem>>
      %dma_start3A_40 = tpu.memref_squeeze %dma_start3A_39 : memref<1x128xi32, #tpu.memory_space<vmem>> -> memref<128xi32, #tpu.memory_space<vmem>>
      %dma_start3A_41 = arith.constant 0 : i32
      %dma_start3A_42 = arith.constant 0 : i32
      %dma_start3A_43 = tpu.memref_slice %arg2[%dma_start3A_41, %dma_start3A_42] : memref<10016x128xf32, #tpu.memory_space<hbm>> -> memref<10016x128xf32, #tpu.memory_space<hbm>>
      tpu.enqueue_indirect_dma source(%dma_start3A_43 : memref<10016x128xf32, #tpu.memory_space<hbm>>) target(%arg13 : memref<128x128xf32, #tpu.memory_space<vmem>>) offsets(%dma_start3A_40 : memref<128xi32, #tpu.memory_space<vmem>>) semaphore(%arg17 : memref<!tpu.dma_semaphore, #tpu.memory_space<semaphore_mem>>)
      %scan3A = arith.constant 0 : i32
      %scan3A_44 = arith.constant 0 : i32
      %scan3A_45 = arith.constant 20 : i32
      %scan3A_46 = arith.addi %scan3A_44, %scan3A_45 : i32
      %scan3A_47 = arith.constant 1 : i32
      scf.for %scan3A_49 = %scan3A_44 to %scan3A_46 step %scan3A_47  : i32 {
        %mul3A_50 = arith.constant 2 : i32
        %mul3A_51 = arith.muli %mul3A_50, %scan3A_49 : i32
        %add3A_52 = arith.constant 1 : i32
        %add3A_53 = arith.addi %mul3A_51, %add3A_52 : i32
        %dma_start3A_54 = arith.constant 0 : i32
        %dma_start3A_55 = tpu.memref_slice %arg10[%add3A_53, %dma_start3A_54] : memref<40x128xi32, #tpu.memory_space<vmem>> -> memref<1x128xi32, #tpu.memory_space<vmem>>
        %dma_start3A_56 = tpu.memref_squeeze %dma_start3A_55 : memref<1x128xi32, #tpu.memory_space<vmem>> -> memref<128xi32, #tpu.memory_space<vmem>>
        %dma_start3A_57 = arith.constant 0 : i32
        %dma_start3A_58 = arith.constant 0 : i32
        %dma_start3A_59 = tpu.memref_slice %arg2[%dma_start3A_57, %dma_start3A_58] : memref<10016x128xf32, #tpu.memory_space<hbm>> -> memref<10016x128xf32, #tpu.memory_space<hbm>>
        tpu.enqueue_indirect_dma source(%dma_start3A_59 : memref<10016x128xf32, #tpu.memory_space<hbm>>) target(%arg14 : memref<128x128xf32, #tpu.memory_space<vmem>>) offsets(%dma_start3A_56 : memref<128xi32, #tpu.memory_space<vmem>>) semaphore(%arg18 : memref<!tpu.dma_semaphore, #tpu.memory_space<semaphore_mem>>)
        %dma_wait3A = arith.constant 0 : i32
        %dma_wait3A_60 = arith.constant 0 : i32
        %dma_wait3A_61 = tpu.memref_slice %arg10[%dma_wait3A, %dma_wait3A_60] : memref<40x128xi32, #tpu.memory_space<vmem>> -> memref<1x128xi32, #tpu.memory_space<vmem>>
        %dma_wait3A_62 = tpu.memref_squeeze %dma_wait3A_61 : memref<1x128xi32, #tpu.memory_space<vmem>> -> memref<128xi32, #tpu.memory_space<vmem>>
        %dma_wait3A_63 = arith.constant 0 : i32
        %dma_wait3A_64 = arith.constant 0 : i32
        %dma_wait3A_65 = tpu.memref_slice %arg2[%dma_wait3A_63, %dma_wait3A_64] : memref<10016x128xf32, #tpu.memory_space<hbm>> -> memref<10016x128xf32, #tpu.memory_space<hbm>>
        tpu.wait_indirect_dma semaphore(%arg17 : memref<!tpu.dma_semaphore, #tpu.memory_space<semaphore_mem>>) src(%dma_wait3A_65 : memref<10016x128xf32, #tpu.memory_space<hbm>>) dst(%arg13 : memref<128x128xf32, #tpu.memory_space<vmem>>)
        "tpu.region"() ({
          %run_scoped3A = tpu.sem_alloc : memref<!tpu.dma_semaphore, #tpu.memory_space<semaphore_mem>>
          %dma_start3A_81 = arith.constant 0 : i32
          %dma_start3A_82 = tpu.memref_slice %arg11[%mul3A_51, %dma_start3A_81] : memref<40x128xi32, #tpu.memory_space<vmem>> -> memref<1x128xi32, #tpu.memory_space<vmem>>
          %dma_start3A_83 = tpu.memref_squeeze %dma_start3A_82 : memref<1x128xi32, #tpu.memory_space<vmem>> -> memref<128xi32, #tpu.memory_space<vmem>>
          %dma_start3A_84 = arith.constant 0 : i32
          %dma_start3A_85 = arith.constant 0 : i32
          %dma_start3A_86 = tpu.memref_slice %arg15[%dma_start3A_84, %dma_start3A_85] : memref<10240x128xf32, #tpu.memory_space<vmem_shared>> -> memref<10240x128xf32, #tpu.memory_space<vmem_shared>>
          tpu.enqueue_indirect_dma source(%arg13 : memref<128x128xf32, #tpu.memory_space<vmem>>) target(%dma_start3A_86 : memref<10240x128xf32, #tpu.memory_space<vmem_shared>>) offsets(%dma_start3A_83 : memref<128xi32, #tpu.memory_space<vmem>>) semaphore(%run_scoped3A : memref<!tpu.dma_semaphore, #tpu.memory_space<semaphore_mem>>) {add = true}
          %dma_wait3A_87 = arith.constant 0 : i32
          %dma_wait3A_88 = tpu.memref_slice %arg11[%mul3A_51, %dma_wait3A_87] : memref<40x128xi32, #tpu.memory_space<vmem>> -> memref<1x128xi32, #tpu.memory_space<vmem>>
          %dma_wait3A_89 = tpu.memref_squeeze %dma_wait3A_88 : memref<1x128xi32, #tpu.memory_space<vmem>> -> memref<128xi32, #tpu.memory_space<vmem>>
          %dma_wait3A_90 = arith.constant 0 : i32
          %dma_wait3A_91 = arith.constant 0 : i32
          %dma_wait3A_92 = tpu.memref_slice %arg15[%dma_wait3A_90, %dma_wait3A_91] : memref<10240x128xf32, #tpu.memory_space<vmem_shared>> -> memref<10240x128xf32, #tpu.memory_space<vmem_shared>>
          tpu.wait_indirect_dma semaphore(%run_scoped3A : memref<!tpu.dma_semaphore, #tpu.memory_space<semaphore_mem>>) src(%arg13 : memref<128x128xf32, #tpu.memory_space<vmem>>) dst(%dma_wait3A_92 : memref<10240x128xf32, #tpu.memory_space<vmem_shared>>)
          tpu.yield
        }) : () -> ()
        "tpu.region"() ({
          %run_scoped3A = tpu.sem_alloc : memref<!tpu.dma_semaphore, #tpu.memory_space<semaphore_mem>>
          %dma_start3A_81 = arith.constant 0 : i32
          %dma_start3A_82 = tpu.memref_slice %arg11[%mul3A_51, %dma_start3A_81] : memref<40x128xi32, #tpu.memory_space<vmem>> -> memref<1x128xi32, #tpu.memory_space<vmem>>
          %dma_start3A_83 = tpu.memref_squeeze %dma_start3A_82 : memref<1x128xi32, #tpu.memory_space<vmem>> -> memref<128xi32, #tpu.memory_space<vmem>>
          %dma_start3A_84 = arith.constant 0 : i32
          %dma_start3A_85 = tpu.memref_slice %arg16[%dma_start3A_84] : memref<10240xf32, #tpu.memory_space<vmem_shared>> -> memref<10240xf32, #tpu.memory_space<vmem_shared>>
          tpu.enqueue_indirect_dma source(%arg12 : memref<128xf32, #tpu.memory_space<vmem>>) target(%dma_start3A_85 : memref<10240xf32, #tpu.memory_space<vmem_shared>>) offsets(%dma_start3A_83 : memref<128xi32, #tpu.memory_space<vmem>>) semaphore(%run_scoped3A : memref<!tpu.dma_semaphore, #tpu.memory_space<semaphore_mem>>) {add = true}
          %dma_wait3A_86 = arith.constant 0 : i32
          %dma_wait3A_87 = tpu.memref_slice %arg11[%mul3A_51, %dma_wait3A_86] : memref<40x128xi32, #tpu.memory_space<vmem>> -> memref<1x128xi32, #tpu.memory_space<vmem>>
          %dma_wait3A_88 = tpu.memref_squeeze %dma_wait3A_87 : memref<1x128xi32, #tpu.memory_space<vmem>> -> memref<128xi32, #tpu.memory_space<vmem>>
          %dma_wait3A_89 = arith.constant 0 : i32
          %dma_wait3A_90 = tpu.memref_slice %arg16[%dma_wait3A_89] : memref<10240xf32, #tpu.memory_space<vmem_shared>> -> memref<10240xf32, #tpu.memory_space<vmem_shared>>
          tpu.wait_indirect_dma semaphore(%run_scoped3A : memref<!tpu.dma_semaphore, #tpu.memory_space<semaphore_mem>>) src(%arg12 : memref<128xf32, #tpu.memory_space<vmem>>) dst(%dma_wait3A_90 : memref<10240xf32, #tpu.memory_space<vmem_shared>>)
          tpu.yield
        }) : () -> ()
        %add3A_66 = arith.constant 1 : i32
        %add3A_67 = arith.addi %scan3A_49, %add3A_66 : i32
        %lt3A = arith.constant 20 : i32
        %lt3A_68 = arith.cmpi slt, %add3A_67, %lt3A : i32
        %convert_element_type3A = arith.extui %lt3A_68 : i1 to i32
        %cond3A = arith.constant 0 : i32
        %cond3A_69 = arith.cmpi ne, %convert_element_type3A, %cond3A : i32
        scf.if %cond3A_69 {
          %add3A_81 = arith.constant 2 : i32
          %add3A_82 = arith.addi %mul3A_51, %add3A_81 : i32
          %dma_start3A_83 = arith.constant 0 : i32
          %dma_start3A_84 = tpu.memref_slice %arg10[%add3A_82, %dma_start3A_83] : memref<40x128xi32, #tpu.memory_space<vmem>> -> memref<1x128xi32, #tpu.memory_space<vmem>>
          %dma_start3A_85 = tpu.memref_squeeze %dma_start3A_84 : memref<1x128xi32, #tpu.memory_space<vmem>> -> memref<128xi32, #tpu.memory_space<vmem>>
          %dma_start3A_86 = arith.constant 0 : i32
          %dma_start3A_87 = arith.constant 0 : i32
          %dma_start3A_88 = tpu.memref_slice %arg2[%dma_start3A_86, %dma_start3A_87] : memref<10016x128xf32, #tpu.memory_space<hbm>> -> memref<10016x128xf32, #tpu.memory_space<hbm>>
          tpu.enqueue_indirect_dma source(%dma_start3A_88 : memref<10016x128xf32, #tpu.memory_space<hbm>>) target(%arg13 : memref<128x128xf32, #tpu.memory_space<vmem>>) offsets(%dma_start3A_85 : memref<128xi32, #tpu.memory_space<vmem>>) semaphore(%arg17 : memref<!tpu.dma_semaphore, #tpu.memory_space<semaphore_mem>>)
        } else {
        }
        %dma_wait3A_70 = arith.constant 0 : i32
        %dma_wait3A_71 = arith.constant 0 : i32
        %dma_wait3A_72 = tpu.memref_slice %arg10[%dma_wait3A_70, %dma_wait3A_71] : memref<40x128xi32, #tpu.memory_space<vmem>> -> memref<1x128xi32, #tpu.memory_space<vmem>>
        %dma_wait3A_73 = tpu.memref_squeeze %dma_wait3A_72 : memref<1x128xi32, #tpu.memory_space<vmem>> -> memref<128xi32, #tpu.memory_space<vmem>>
        %dma_wait3A_74 = arith.constant 0 : i32
        %dma_wait3A_75 = arith.constant 0 : i32
        %dma_wait3A_76 = tpu.memref_slice %arg2[%dma_wait3A_74, %dma_wait3A_75] : memref<10016x128xf32, #tpu.memory_space<hbm>> -> memref<10016x128xf32, #tpu.memory_space<hbm>>
        tpu.wait_indirect_dma semaphore(%arg18 : memref<!tpu.dma_semaphore, #tpu.memory_space<semaphore_mem>>) src(%dma_wait3A_76 : memref<10016x128xf32, #tpu.memory_space<hbm>>) dst(%arg14 : memref<128x128xf32, #tpu.memory_space<vmem>>)
        %add3A_77 = arith.constant 1 : i32
        %add3A_78 = arith.addi %mul3A_51, %add3A_77 : i32
        "tpu.region"() ({
          %run_scoped3A = tpu.sem_alloc : memref<!tpu.dma_semaphore, #tpu.memory_space<semaphore_mem>>
          %dma_start3A_81 = arith.constant 0 : i32
          %dma_start3A_82 = tpu.memref_slice %arg11[%add3A_78, %dma_start3A_81] : memref<40x128xi32, #tpu.memory_space<vmem>> -> memref<1x128xi32, #tpu.memory_space<vmem>>
          %dma_start3A_83 = tpu.memref_squeeze %dma_start3A_82 : memref<1x128xi32, #tpu.memory_space<vmem>> -> memref<128xi32, #tpu.memory_space<vmem>>
          %dma_start3A_84 = arith.constant 0 : i32
          %dma_start3A_85 = arith.constant 0 : i32
          %dma_start3A_86 = tpu.memref_slice %arg15[%dma_start3A_84, %dma_start3A_85] : memref<10240x128xf32, #tpu.memory_space<vmem_shared>> -> memref<10240x128xf32, #tpu.memory_space<vmem_shared>>
          tpu.enqueue_indirect_dma source(%arg14 : memref<128x128xf32, #tpu.memory_space<vmem>>) target(%dma_start3A_86 : memref<10240x128xf32, #tpu.memory_space<vmem_shared>>) offsets(%dma_start3A_83 : memref<128xi32, #tpu.memory_space<vmem>>) semaphore(%run_scoped3A : memref<!tpu.dma_semaphore, #tpu.memory_space<semaphore_mem>>) {add = true}
          %dma_wait3A_87 = arith.constant 0 : i32
          %dma_wait3A_88 = tpu.memref_slice %arg11[%add3A_78, %dma_wait3A_87] : memref<40x128xi32, #tpu.memory_space<vmem>> -> memref<1x128xi32, #tpu.memory_space<vmem>>
          %dma_wait3A_89 = tpu.memref_squeeze %dma_wait3A_88 : memref<1x128xi32, #tpu.memory_space<vmem>> -> memref<128xi32, #tpu.memory_space<vmem>>
          %dma_wait3A_90 = arith.constant 0 : i32
          %dma_wait3A_91 = arith.constant 0 : i32
          %dma_wait3A_92 = tpu.memref_slice %arg15[%dma_wait3A_90, %dma_wait3A_91] : memref<10240x128xf32, #tpu.memory_space<vmem_shared>> -> memref<10240x128xf32, #tpu.memory_space<vmem_shared>>
          tpu.wait_indirect_dma semaphore(%run_scoped3A : memref<!tpu.dma_semaphore, #tpu.memory_space<semaphore_mem>>) src(%arg14 : memref<128x128xf32, #tpu.memory_space<vmem>>) dst(%dma_wait3A_92 : memref<10240x128xf32, #tpu.memory_space<vmem_shared>>)
          tpu.yield
        }) : () -> ()
        %add3A_79 = arith.constant 1 : i32
        %add3A_80 = arith.addi %mul3A_51, %add3A_79 : i32
        "tpu.region"() ({
          %run_scoped3A = tpu.sem_alloc : memref<!tpu.dma_semaphore, #tpu.memory_space<semaphore_mem>>
          %dma_start3A_81 = arith.constant 0 : i32
          %dma_start3A_82 = tpu.memref_slice %arg11[%add3A_80, %dma_start3A_81] : memref<40x128xi32, #tpu.memory_space<vmem>> -> memref<1x128xi32, #tpu.memory_space<vmem>>
          %dma_start3A_83 = tpu.memref_squeeze %dma_start3A_82 : memref<1x128xi32, #tpu.memory_space<vmem>> -> memref<128xi32, #tpu.memory_space<vmem>>
          %dma_start3A_84 = arith.constant 0 : i32
          %dma_start3A_85 = tpu.memref_slice %arg16[%dma_start3A_84] : memref<10240xf32, #tpu.memory_space<vmem_shared>> -> memref<10240xf32, #tpu.memory_space<vmem_shared>>
          tpu.enqueue_indirect_dma source(%arg12 : memref<128xf32, #tpu.memory_space<vmem>>) target(%dma_start3A_85 : memref<10240xf32, #tpu.memory_space<vmem_shared>>) offsets(%dma_start3A_83 : memref<128xi32, #tpu.memory_space<vmem>>) semaphore(%run_scoped3A : memref<!tpu.dma_semaphore, #tpu.memory_space<semaphore_mem>>) {add = true}
          %dma_wait3A_86 = arith.constant 0 : i32
          %dma_wait3A_87 = tpu.memref_slice %arg11[%add3A_80, %dma_wait3A_86] : memref<40x128xi32, #tpu.memory_space<vmem>> -> memref<1x128xi32, #tpu.memory_space<vmem>>
          %dma_wait3A_88 = tpu.memref_squeeze %dma_wait3A_87 : memref<1x128xi32, #tpu.memory_space<vmem>> -> memref<128xi32, #tpu.memory_space<vmem>>
          %dma_wait3A_89 = arith.constant 0 : i32
          %dma_wait3A_90 = tpu.memref_slice %arg16[%dma_wait3A_89] : memref<10240xf32, #tpu.memory_space<vmem_shared>> -> memref<10240xf32, #tpu.memory_space<vmem_shared>>
          tpu.wait_indirect_dma semaphore(%run_scoped3A : memref<!tpu.dma_semaphore, #tpu.memory_space<semaphore_mem>>) src(%arg12 : memref<128xf32, #tpu.memory_space<vmem>>) dst(%dma_wait3A_90 : memref<10240xf32, #tpu.memory_space<vmem_shared>>)
          tpu.yield
        }) : () -> ()
      }
      %scan3A_48 = arith.constant 20 : i32
    }
    %barrier3A_22 = arith.constant 0 : index
    tpu.barrier barrier_id(%barrier3A_22)
    %mul3A_23 = arith.constant 640 : i32
    %mul3A_24 = arith.muli %arg1, %mul3A_23 : i32
    %mul3A_25 = arith.constant 640 : i32
    %mul3A_26 = arith.muli %arg1, %mul3A_25 : i32
    "tpu.region"() ({
      %run_scoped3A = tpu.sem_alloc : memref<!tpu.dma_semaphore, #tpu.memory_space<semaphore_mem>>
      %dma_start3A = arith.constant 0 : i32
      %dma_start3A_31 = arith.constant 0 : i32
      %dma_start3A_32 = tpu.memref_slice %arg8[%arg0, %dma_start3A, %dma_start3A_31] : memref<2x10240x128xf32, #tpu.memory_space<hbm>> -> memref<1x10240x128xf32, #tpu.memory_space<hbm>>
      %dma_start3A_33 = tpu.memref_squeeze %dma_start3A_32 : memref<1x10240x128xf32, #tpu.memory_space<hbm>> -> memref<10240x128xf32, #tpu.memory_space<hbm>>
      %dma_start3A_34 = arith.constant 0 : i32
      %dma_start3A_35 = tpu.memref_slice %dma_start3A_33[%mul3A_26, %dma_start3A_34] : memref<10240x128xf32, #tpu.memory_space<hbm>> -> memref<640x128xf32, #tpu.memory_space<hbm>>
      %dma_start3A_36 = arith.constant 0 : i32
      %dma_start3A_37 = tpu.memref_slice %arg15[%mul3A_24, %dma_start3A_36] : memref<10240x128xf32, #tpu.memory_space<vmem_shared>> -> memref<640x128xf32, #tpu.memory_space<vmem_shared>>
      tpu.enqueue_dma source(%dma_start3A_37 : memref<640x128xf32, #tpu.memory_space<vmem_shared>>) target(%dma_start3A_35 : memref<640x128xf32, #tpu.memory_space<hbm>>) target_semaphore(%run_scoped3A : memref<!tpu.dma_semaphore, #tpu.memory_space<semaphore_mem>>)
      %dma_wait3A = arith.constant 0 : i32
      %dma_wait3A_38 = arith.constant 0 : i32
      %dma_wait3A_39 = tpu.memref_slice %arg8[%arg0, %dma_wait3A, %dma_wait3A_38] : memref<2x10240x128xf32, #tpu.memory_space<hbm>> -> memref<1x10240x128xf32, #tpu.memory_space<hbm>>
      %dma_wait3A_40 = tpu.memref_squeeze %dma_wait3A_39 : memref<1x10240x128xf32, #tpu.memory_space<hbm>> -> memref<10240x128xf32, #tpu.memory_space<hbm>>
      %dma_wait3A_41 = arith.constant 0 : i32
      %dma_wait3A_42 = tpu.memref_slice %dma_wait3A_40[%mul3A_26, %dma_wait3A_41] : memref<10240x128xf32, #tpu.memory_space<hbm>> -> memref<640x128xf32, #tpu.memory_space<hbm>>
      %dma_wait3A_43 = arith.constant 0 : i32
      %dma_wait3A_44 = tpu.memref_slice %arg15[%mul3A_24, %dma_wait3A_43] : memref<10240x128xf32, #tpu.memory_space<vmem_shared>> -> memref<640x128xf32, #tpu.memory_space<vmem_shared>>
      tpu.wait_dma2 semaphore(%run_scoped3A : memref<!tpu.dma_semaphore, #tpu.memory_space<semaphore_mem>>) src(%dma_wait3A_44 : memref<640x128xf32, #tpu.memory_space<vmem_shared>>) dst(%dma_wait3A_42 : memref<640x128xf32, #tpu.memory_space<hbm>>)
      tpu.yield
    }) : () -> ()
    %mul3A_27 = arith.constant 640 : i32
    %mul3A_28 = arith.muli %arg1, %mul3A_27 : i32
    %mul3A_29 = arith.constant 640 : i32
    %mul3A_30 = arith.muli %arg1, %mul3A_29 : i32
    "tpu.region"() ({
      %run_scoped3A = tpu.sem_alloc : memref<!tpu.dma_semaphore, #tpu.memory_space<semaphore_mem>>
      %dma_start3A = arith.constant 0 : i32
      %dma_start3A_31 = tpu.memref_slice %arg9[%arg0, %dma_start3A] : memref<2x10240xf32, #tpu.memory_space<hbm>> -> memref<1x10240xf32, #tpu.memory_space<hbm>>
      %dma_start3A_32 = tpu.memref_squeeze %dma_start3A_31 : memref<1x10240xf32, #tpu.memory_space<hbm>> -> memref<10240xf32, #tpu.memory_space<hbm>>
      %dma_start3A_33 = tpu.memref_slice %dma_start3A_32[%mul3A_30] : memref<10240xf32, #tpu.memory_space<hbm>> -> memref<640xf32, #tpu.memory_space<hbm>>
      %dma_start3A_34 = tpu.memref_slice %arg16[%mul3A_28] : memref<10240xf32, #tpu.memory_space<vmem_shared>> -> memref<640xf32, #tpu.memory_space<vmem_shared>>
      tpu.enqueue_dma source(%dma_start3A_34 : memref<640xf32, #tpu.memory_space<vmem_shared>>) target(%dma_start3A_33 : memref<640xf32, #tpu.memory_space<hbm>>) target_semaphore(%run_scoped3A : memref<!tpu.dma_semaphore, #tpu.memory_space<semaphore_mem>>)
      %dma_wait3A = arith.constant 0 : i32
      %dma_wait3A_35 = tpu.memref_slice %arg9[%arg0, %dma_wait3A] : memref<2x10240xf32, #tpu.memory_space<hbm>> -> memref<1x10240xf32, #tpu.memory_space<hbm>>
      %dma_wait3A_36 = tpu.memref_squeeze %dma_wait3A_35 : memref<1x10240xf32, #tpu.memory_space<hbm>> -> memref<10240xf32, #tpu.memory_space<hbm>>
      %dma_wait3A_37 = tpu.memref_slice %dma_wait3A_36[%mul3A_30] : memref<10240xf32, #tpu.memory_space<hbm>> -> memref<640xf32, #tpu.memory_space<hbm>>
      %dma_wait3A_38 = tpu.memref_slice %arg16[%mul3A_28] : memref<10240xf32, #tpu.memory_space<vmem_shared>> -> memref<640xf32, #tpu.memory_space<vmem_shared>>
      tpu.wait_dma2 semaphore(%run_scoped3A : memref<!tpu.dma_semaphore, #tpu.memory_space<semaphore_mem>>) src(%dma_wait3A_38 : memref<640xf32, #tpu.memory_space<vmem_shared>>) dst(%dma_wait3A_37 : memref<640xf32, #tpu.memory_space<hbm>>)
      tpu.yield
    }) : () -> ()
    return
  }
}

#map = affine_map<(d0, d1) -> (0, 0)>
#map1 = affine_map<(d0, d1) -> (0)>
#map2 = affine_map<(d0, d1) -> (0, 0, 0)>
module attributes {stable_mosaic.version = 14 : i64} {
  func.func @_seg_body(%arg0: i32, %arg1: i32, %arg2: memref<10016x128xf32, #tpu.memory_space<hbm>>, %arg3: memref<2560x128xi32, #tpu.memory_space<hbm>>, %arg4: memref<2560x128xi32, #tpu.memory_space<hbm>>, %arg5: memref<640x128xf32, #tpu.memory_space<hbm>>, %arg6: memref<640xf32, #tpu.memory_space<hbm>>, %arg7: memref<128xf32, #tpu.memory_space<hbm>>, %arg8: memref<2x10240x128xf32, #tpu.memory_space<hbm>>, %arg9: memref<2x10240xf32, #tpu.memory_space<hbm>>, %arg10: memref<40x128xi32, #tpu.memory_space<vmem>>, %arg11: memref<40x128xi32, #tpu.memory_space<vmem>>, %arg12: memref<128xf32, #tpu.memory_space<vmem>>, %arg13: memref<128x128xf32, #tpu.memory_space<vmem>>, %arg14: memref<128x128xf32, #tpu.memory_space<vmem>>, %arg15: memref<10240x128xf32, #tpu.memory_space<vmem_shared>>, %arg16: memref<10240xf32, #tpu.memory_space<vmem_shared>>, %arg17: memref<!tpu.dma_semaphore, #tpu.memory_space<semaphore_mem>>, %arg18: memref<!tpu.dma_semaphore, #tpu.memory_space<semaphore_mem>>) attributes {dimension_semantics = [#tpu.dimension_semantics<core_parallel>, #tpu.dimension_semantics<subcore_parallel>], iteration_bounds = array<i64: 2, 16>, scalar_prefetch = 0 : i64, scratch_operands = 9 : i64, tpu.core_type = #tpu.core_type<sc_vector_subcore>, window_params = [{transform_indices = #map}, {transform_indices = #map}, {transform_indices = #map}, {transform_indices = #map}, {transform_indices = #map1}, {transform_indices = #map1}, {transform_indices = #map2}, {transform_indices = #map}]} {
    %mul3A = arith.constant 640 : i32
    %mul3A_0 = arith.muli %arg1, %mul3A : i32
    "tpu.region"() ({
      %run_scoped3A = tpu.sem_alloc : memref<!tpu.dma_semaphore, #tpu.memory_space<semaphore_mem>>
      %dma_start3A = arith.constant 0 : i32
      %dma_start3A_31 = tpu.memref_slice %arg15[%mul3A_0, %dma_start3A] : memref<10240x128xf32, #tpu.memory_space<vmem_shared>> -> memref<640x128xf32, #tpu.memory_space<vmem_shared>>
      tpu.enqueue_dma source(%arg5 : memref<640x128xf32, #tpu.memory_space<hbm>>) target(%dma_start3A_31 : memref<640x128xf32, #tpu.memory_space<vmem_shared>>) target_semaphore(%run_scoped3A : memref<!tpu.dma_semaphore, #tpu.memory_space<semaphore_mem>>)
      %dma_wait3A = arith.constant 0 : i32
      %dma_wait3A_32 = tpu.memref_slice %arg15[%mul3A_0, %dma_wait3A] : memref<10240x128xf32, #tpu.memory_space<vmem_shared>> -> memref<640x128xf32, #tpu.memory_space<vmem_shared>>
      tpu.wait_dma2 semaphore(%run_scoped3A : memref<!tpu.dma_semaphore, #tpu.memory_space<semaphore_mem>>) src(%arg5 : memref<640x128xf32, #tpu.memory_space<hbm>>) dst(%dma_wait3A_32 : memref<640x128xf32, #tpu.memory_space<vmem_shared>>)
      tpu.yield
    }) : () -> ()
    %mul3A_1 = arith.constant 640 : i32
    %mul3A_2 = arith.muli %arg1, %mul3A_1 : i32
    "tpu.region"() ({
      %run_scoped3A = tpu.sem_alloc : memref<!tpu.dma_semaphore, #tpu.memory_space<semaphore_mem>>
      %dma_start3A = tpu.memref_slice %arg16[%mul3A_2] : memref<10240xf32, #tpu.memory_space<vmem_shared>> -> memref<640xf32, #tpu.memory_space<vmem_shared>>
      tpu.enqueue_dma source(%arg6 : memref<640xf32, #tpu.memory_space<hbm>>) target(%dma_start3A : memref<640xf32, #tpu.memory_space<vmem_shared>>) target_semaphore(%run_scoped3A : memref<!tpu.dma_semaphore, #tpu.memory_space<semaphore_mem>>)
      %dma_wait3A = tpu.memref_slice %arg16[%mul3A_2] : memref<10240xf32, #tpu.memory_space<vmem_shared>> -> memref<640xf32, #tpu.memory_space<vmem_shared>>
      tpu.wait_dma2 semaphore(%run_scoped3A : memref<!tpu.dma_semaphore, #tpu.memory_space<semaphore_mem>>) src(%arg6 : memref<640xf32, #tpu.memory_space<hbm>>) dst(%dma_wait3A : memref<640xf32, #tpu.memory_space<vmem_shared>>)
      tpu.yield
    }) : () -> ()
    "tpu.region"() ({
      %run_scoped3A = tpu.sem_alloc : memref<!tpu.dma_semaphore, #tpu.memory_space<semaphore_mem>>
      tpu.enqueue_dma source(%arg7 : memref<128xf32, #tpu.memory_space<hbm>>) target(%arg12 : memref<128xf32, #tpu.memory_space<vmem>>) target_semaphore(%run_scoped3A : memref<!tpu.dma_semaphore, #tpu.memory_space<semaphore_mem>>)
      tpu.wait_dma2 semaphore(%run_scoped3A : memref<!tpu.dma_semaphore, #tpu.memory_space<semaphore_mem>>) src(%arg7 : memref<128xf32, #tpu.memory_space<hbm>>) dst(%arg12 : memref<128xf32, #tpu.memory_space<vmem>>)
      tpu.yield
    }) : () -> ()
    %barrier3A = arith.constant 0 : index
    tpu.barrier barrier_id(%barrier3A)
    %eq3A = arith.constant 0 : i32
    %eq3A_3 = arith.cmpi eq, %arg0, %eq3A : i32
    %jit3A = arith.constant 3 : i32
    %jit3A_4 = arith.constant 1 : i32
    %select_n3A = arith.select %eq3A_3, %jit3A, %jit3A_4 : i32
    %eq3A_5 = arith.constant 0 : i32
    %eq3A_6 = arith.cmpi eq, %arg0, %eq3A_5 : i32
    %mul3A_7 = arith.constant 120 : i32
    %mul3A_8 = arith.muli %arg1, %mul3A_7 : i32
    %mul3A_9 = arith.constant 40 : i32
    %mul3A_10 = arith.muli %arg1, %mul3A_9 : i32
    %add3A = arith.constant 1920 : i32
    %add3A_11 = arith.addi %add3A, %mul3A_10 : i32
    %select_n3A_12 = arith.select %eq3A_6, %mul3A_8, %add3A_11 : i32
    %while3A = arith.constant 0 : i32
    %while3A_13 = arith.constant 0 : i32
    %while3A_14 = arith.subi %select_n3A, %while3A_13 : i32
    %while3A_15 = arith.addi %while3A_13, %while3A_14 : i32
    %while3A_16 = arith.constant 1 : i32
    %while3A_17 = arith.divsi %while3A_14, %while3A_16 : i32
    %while3A_18 = arith.muli %while3A_17, %while3A_16 : i32
    %while3A_19 = arith.addi %while3A_13, %while3A_18 : i32
    %while3A_20 = arith.constant 1 : i32
    scf.for %while3A_31 = %while3A_13 to %while3A_19 step %while3A_20  : i32 {
      %mul3A_32 = arith.constant 40 : i32
      %mul3A_33 = arith.muli %while3A_31, %mul3A_32 : i32
      %add3A_34 = arith.addi %select_n3A_12, %mul3A_33 : i32
      "tpu.region"() ({
        %run_scoped3A = tpu.sem_alloc : memref<!tpu.dma_semaphore, #tpu.memory_space<semaphore_mem>>
        %dma_start3A_49 = arith.constant 0 : i32
        %dma_start3A_50 = tpu.memref_slice %arg3[%add3A_34, %dma_start3A_49] : memref<2560x128xi32, #tpu.memory_space<hbm>> -> memref<40x128xi32, #tpu.memory_space<hbm>>
        %dma_start3A_51 = arith.constant 0 : i32
        %dma_start3A_52 = tpu.memref_slice %arg3[%add3A_34, %dma_start3A_51] : memref<2560x128xi32, #tpu.memory_space<hbm>> -> memref<40x128xi32, #tpu.memory_space<hbm>>
        tpu.enqueue_dma source(%dma_start3A_52 : memref<40x128xi32, #tpu.memory_space<hbm>>) target(%arg10 : memref<40x128xi32, #tpu.memory_space<vmem>>) target_semaphore(%run_scoped3A : memref<!tpu.dma_semaphore, #tpu.memory_space<semaphore_mem>>)
        %dma_wait3A = arith.constant 0 : i32
        %dma_wait3A_53 = tpu.memref_slice %arg3[%add3A_34, %dma_wait3A] : memref<2560x128xi32, #tpu.memory_space<hbm>> -> memref<40x128xi32, #tpu.memory_space<hbm>>
        %dma_wait3A_54 = arith.constant 0 : i32
        %dma_wait3A_55 = tpu.memref_slice %arg3[%add3A_34, %dma_wait3A_54] : memref<2560x128xi32, #tpu.memory_space<hbm>> -> memref<40x128xi32, #tpu.memory_space<hbm>>
        tpu.wait_dma2 semaphore(%run_scoped3A : memref<!tpu.dma_semaphore, #tpu.memory_space<semaphore_mem>>) src(%dma_wait3A_55 : memref<40x128xi32, #tpu.memory_space<hbm>>) dst(%arg10 : memref<40x128xi32, #tpu.memory_space<vmem>>)
        tpu.yield
      }) : () -> ()
      %mul3A_35 = arith.constant 40 : i32
      %mul3A_36 = arith.muli %while3A_31, %mul3A_35 : i32
      %add3A_37 = arith.addi %select_n3A_12, %mul3A_36 : i32
      "tpu.region"() ({
        %run_scoped3A = tpu.sem_alloc : memref<!tpu.dma_semaphore, #tpu.memory_space<semaphore_mem>>
        %dma_start3A_49 = arith.constant 0 : i32
        %dma_start3A_50 = tpu.memref_slice %arg4[%add3A_37, %dma_start3A_49] : memref<2560x128xi32, #tpu.memory_space<hbm>> -> memref<40x128xi32, #tpu.memory_space<hbm>>
        %dma_start3A_51 = arith.constant 0 : i32
        %dma_start3A_52 = tpu.memref_slice %arg4[%add3A_37, %dma_start3A_51] : memref<2560x128xi32, #tpu.memory_space<hbm>> -> memref<40x128xi32, #tpu.memory_space<hbm>>
        tpu.enqueue_dma source(%dma_start3A_52 : memref<40x128xi32, #tpu.memory_space<hbm>>) target(%arg11 : memref<40x128xi32, #tpu.memory_space<vmem>>) target_semaphore(%run_scoped3A : memref<!tpu.dma_semaphore, #tpu.memory_space<semaphore_mem>>)
        %dma_wait3A = arith.constant 0 : i32
        %dma_wait3A_53 = tpu.memref_slice %arg4[%add3A_37, %dma_wait3A] : memref<2560x128xi32, #tpu.memory_space<hbm>> -> memref<40x128xi32, #tpu.memory_space<hbm>>
        %dma_wait3A_54 = arith.constant 0 : i32
        %dma_wait3A_55 = tpu.memref_slice %arg4[%add3A_37, %dma_wait3A_54] : memref<2560x128xi32, #tpu.memory_space<hbm>> -> memref<40x128xi32, #tpu.memory_space<hbm>>
        tpu.wait_dma2 semaphore(%run_scoped3A : memref<!tpu.dma_semaphore, #tpu.memory_space<semaphore_mem>>) src(%dma_wait3A_55 : memref<40x128xi32, #tpu.memory_space<hbm>>) dst(%arg11 : memref<40x128xi32, #tpu.memory_space<vmem>>)
        tpu.yield
      }) : () -> ()
      %dma_start3A = arith.constant 0 : i32
      %dma_start3A_38 = arith.constant 0 : i32
      %dma_start3A_39 = tpu.memref_slice %arg10[%dma_start3A, %dma_start3A_38] : memref<40x128xi32, #tpu.memory_space<vmem>> -> memref<1x128xi32, #tpu.memory_space<vmem>>
      %dma_start3A_40 = tpu.memref_squeeze %dma_start3A_39 : memref<1x128xi32, #tpu.memory_space<vmem>> -> memref<128xi32, #tpu.memory_space<vmem>>
      %dma_start3A_41 = arith.constant 0 : i32
      %dma_start3A_42 = arith.constant 0 : i32
      %dma_start3A_43 = tpu.memref_slice %arg2[%dma_start3A_41, %dma_start3A_42] : memref<10016x128xf32, #tpu.memory_space<hbm>> -> memref<10016x128xf32, #tpu.memory_space<hbm>>
      tpu.enqueue_indirect_dma source(%dma_start3A_43 : memref<10016x128xf32, #tpu.memory_space<hbm>>) target(%arg13 : memref<128x128xf32, #tpu.memory_space<vmem>>) offsets(%dma_start3A_40 : memref<128xi32, #tpu.memory_space<vmem>>) semaphore(%arg17 : memref<!tpu.dma_semaphore, #tpu.memory_space<semaphore_mem>>)
      %scan3A = arith.constant 0 : i32
      %scan3A_44 = arith.constant 0 : i32
      %scan3A_45 = arith.constant 20 : i32
      %scan3A_46 = arith.addi %scan3A_44, %scan3A_45 : i32
      %scan3A_47 = arith.constant 1 : i32
      scf.for %scan3A_49 = %scan3A_44 to %scan3A_46 step %scan3A_47  : i32 {
        %mul3A_50 = arith.constant 2 : i32
        %mul3A_51 = arith.muli %mul3A_50, %scan3A_49 : i32
        %add3A_52 = arith.constant 1 : i32
        %add3A_53 = arith.addi %mul3A_51, %add3A_52 : i32
        %dma_start3A_54 = arith.constant 0 : i32
        %dma_start3A_55 = tpu.memref_slice %arg10[%add3A_53, %dma_start3A_54] : memref<40x128xi32, #tpu.memory_space<vmem>> -> memref<1x128xi32, #tpu.memory_space<vmem>>
        %dma_start3A_56 = tpu.memref_squeeze %dma_start3A_55 : memref<1x128xi32, #tpu.memory_space<vmem>> -> memref<128xi32, #tpu.memory_space<vmem>>
        %dma_start3A_57 = arith.constant 0 : i32
        %dma_start3A_58 = arith.constant 0 : i32
        %dma_start3A_59 = tpu.memref_slice %arg2[%dma_start3A_57, %dma_start3A_58] : memref<10016x128xf32, #tpu.memory_space<hbm>> -> memref<10016x128xf32, #tpu.memory_space<hbm>>
        tpu.enqueue_indirect_dma source(%dma_start3A_59 : memref<10016x128xf32, #tpu.memory_space<hbm>>) target(%arg14 : memref<128x128xf32, #tpu.memory_space<vmem>>) offsets(%dma_start3A_56 : memref<128xi32, #tpu.memory_space<vmem>>) semaphore(%arg18 : memref<!tpu.dma_semaphore, #tpu.memory_space<semaphore_mem>>)
        %dma_wait3A = arith.constant 0 : i32
        %dma_wait3A_60 = arith.constant 0 : i32
        %dma_wait3A_61 = tpu.memref_slice %arg10[%dma_wait3A, %dma_wait3A_60] : memref<40x128xi32, #tpu.memory_space<vmem>> -> memref<1x128xi32, #tpu.memory_space<vmem>>
        %dma_wait3A_62 = tpu.memref_squeeze %dma_wait3A_61 : memref<1x128xi32, #tpu.memory_space<vmem>> -> memref<128xi32, #tpu.memory_space<vmem>>
        %dma_wait3A_63 = arith.constant 0 : i32
        %dma_wait3A_64 = arith.constant 0 : i32
        %dma_wait3A_65 = tpu.memref_slice %arg2[%dma_wait3A_63, %dma_wait3A_64] : memref<10016x128xf32, #tpu.memory_space<hbm>> -> memref<10016x128xf32, #tpu.memory_space<hbm>>
        tpu.wait_indirect_dma semaphore(%arg17 : memref<!tpu.dma_semaphore, #tpu.memory_space<semaphore_mem>>) src(%dma_wait3A_65 : memref<10016x128xf32, #tpu.memory_space<hbm>>) dst(%arg13 : memref<128x128xf32, #tpu.memory_space<vmem>>)
        "tpu.region"() ({
          %run_scoped3A = tpu.sem_alloc : memref<!tpu.dma_semaphore, #tpu.memory_space<semaphore_mem>>
          %dma_start3A_81 = arith.constant 0 : i32
          %dma_start3A_82 = tpu.memref_slice %arg11[%mul3A_51, %dma_start3A_81] : memref<40x128xi32, #tpu.memory_space<vmem>> -> memref<1x128xi32, #tpu.memory_space<vmem>>
          %dma_start3A_83 = tpu.memref_squeeze %dma_start3A_82 : memref<1x128xi32, #tpu.memory_space<vmem>> -> memref<128xi32, #tpu.memory_space<vmem>>
          %dma_start3A_84 = arith.constant 0 : i32
          %dma_start3A_85 = arith.constant 0 : i32
          %dma_start3A_86 = tpu.memref_slice %arg15[%dma_start3A_84, %dma_start3A_85] : memref<10240x128xf32, #tpu.memory_space<vmem_shared>> -> memref<10240x128xf32, #tpu.memory_space<vmem_shared>>
          tpu.enqueue_indirect_dma source(%arg13 : memref<128x128xf32, #tpu.memory_space<vmem>>) target(%dma_start3A_86 : memref<10240x128xf32, #tpu.memory_space<vmem_shared>>) offsets(%dma_start3A_83 : memref<128xi32, #tpu.memory_space<vmem>>) semaphore(%run_scoped3A : memref<!tpu.dma_semaphore, #tpu.memory_space<semaphore_mem>>) {add = true}
          %dma_wait3A_87 = arith.constant 0 : i32
          %dma_wait3A_88 = tpu.memref_slice %arg11[%mul3A_51, %dma_wait3A_87] : memref<40x128xi32, #tpu.memory_space<vmem>> -> memref<1x128xi32, #tpu.memory_space<vmem>>
          %dma_wait3A_89 = tpu.memref_squeeze %dma_wait3A_88 : memref<1x128xi32, #tpu.memory_space<vmem>> -> memref<128xi32, #tpu.memory_space<vmem>>
          %dma_wait3A_90 = arith.constant 0 : i32
          %dma_wait3A_91 = arith.constant 0 : i32
          %dma_wait3A_92 = tpu.memref_slice %arg15[%dma_wait3A_90, %dma_wait3A_91] : memref<10240x128xf32, #tpu.memory_space<vmem_shared>> -> memref<10240x128xf32, #tpu.memory_space<vmem_shared>>
          tpu.wait_indirect_dma semaphore(%run_scoped3A : memref<!tpu.dma_semaphore, #tpu.memory_space<semaphore_mem>>) src(%arg13 : memref<128x128xf32, #tpu.memory_space<vmem>>) dst(%dma_wait3A_92 : memref<10240x128xf32, #tpu.memory_space<vmem_shared>>)
          tpu.yield
        }) : () -> ()
        "tpu.region"() ({
          %run_scoped3A = tpu.sem_alloc : memref<!tpu.dma_semaphore, #tpu.memory_space<semaphore_mem>>
          %dma_start3A_81 = arith.constant 0 : i32
          %dma_start3A_82 = tpu.memref_slice %arg11[%mul3A_51, %dma_start3A_81] : memref<40x128xi32, #tpu.memory_space<vmem>> -> memref<1x128xi32, #tpu.memory_space<vmem>>
          %dma_start3A_83 = tpu.memref_squeeze %dma_start3A_82 : memref<1x128xi32, #tpu.memory_space<vmem>> -> memref<128xi32, #tpu.memory_space<vmem>>
          %dma_start3A_84 = arith.constant 0 : i32
          %dma_start3A_85 = tpu.memref_slice %arg16[%dma_start3A_84] : memref<10240xf32, #tpu.memory_space<vmem_shared>> -> memref<10240xf32, #tpu.memory_space<vmem_shared>>
          tpu.enqueue_indirect_dma source(%arg12 : memref<128xf32, #tpu.memory_space<vmem>>) target(%dma_start3A_85 : memref<10240xf32, #tpu.memory_space<vmem_shared>>) offsets(%dma_start3A_83 : memref<128xi32, #tpu.memory_space<vmem>>) semaphore(%run_scoped3A : memref<!tpu.dma_semaphore, #tpu.memory_space<semaphore_mem>>) {add = true}
          %dma_wait3A_86 = arith.constant 0 : i32
          %dma_wait3A_87 = tpu.memref_slice %arg11[%mul3A_51, %dma_wait3A_86] : memref<40x128xi32, #tpu.memory_space<vmem>> -> memref<1x128xi32, #tpu.memory_space<vmem>>
          %dma_wait3A_88 = tpu.memref_squeeze %dma_wait3A_87 : memref<1x128xi32, #tpu.memory_space<vmem>> -> memref<128xi32, #tpu.memory_space<vmem>>
          %dma_wait3A_89 = arith.constant 0 : i32
          %dma_wait3A_90 = tpu.memref_slice %arg16[%dma_wait3A_89] : memref<10240xf32, #tpu.memory_space<vmem_shared>> -> memref<10240xf32, #tpu.memory_space<vmem_shared>>
          tpu.wait_indirect_dma semaphore(%run_scoped3A : memref<!tpu.dma_semaphore, #tpu.memory_space<semaphore_mem>>) src(%arg12 : memref<128xf32, #tpu.memory_space<vmem>>) dst(%dma_wait3A_90 : memref<10240xf32, #tpu.memory_space<vmem_shared>>)
          tpu.yield
        }) : () -> ()
        %add3A_66 = arith.constant 1 : i32
        %add3A_67 = arith.addi %scan3A_49, %add3A_66 : i32
        %lt3A = arith.constant 20 : i32
        %lt3A_68 = arith.cmpi slt, %add3A_67, %lt3A : i32
        %convert_element_type3A = arith.extui %lt3A_68 : i1 to i32
        %cond3A = arith.constant 0 : i32
        %cond3A_69 = arith.cmpi ne, %convert_element_type3A, %cond3A : i32
        scf.if %cond3A_69 {
          %add3A_81 = arith.constant 2 : i32
          %add3A_82 = arith.addi %mul3A_51, %add3A_81 : i32
          %dma_start3A_83 = arith.constant 0 : i32
          %dma_start3A_84 = tpu.memref_slice %arg10[%add3A_82, %dma_start3A_83] : memref<40x128xi32, #tpu.memory_space<vmem>> -> memref<1x128xi32, #tpu.memory_space<vmem>>
          %dma_start3A_85 = tpu.memref_squeeze %dma_start3A_84 : memref<1x128xi32, #tpu.memory_space<vmem>> -> memref<128xi32, #tpu.memory_space<vmem>>
          %dma_start3A_86 = arith.constant 0 : i32
          %dma_start3A_87 = arith.constant 0 : i32
          %dma_start3A_88 = tpu.memref_slice %arg2[%dma_start3A_86, %dma_start3A_87] : memref<10016x128xf32, #tpu.memory_space<hbm>> -> memref<10016x128xf32, #tpu.memory_space<hbm>>
          tpu.enqueue_indirect_dma source(%dma_start3A_88 : memref<10016x128xf32, #tpu.memory_space<hbm>>) target(%arg13 : memref<128x128xf32, #tpu.memory_space<vmem>>) offsets(%dma_start3A_85 : memref<128xi32, #tpu.memory_space<vmem>>) semaphore(%arg17 : memref<!tpu.dma_semaphore, #tpu.memory_space<semaphore_mem>>)
        } else {
        }
        %dma_wait3A_70 = arith.constant 0 : i32
        %dma_wait3A_71 = arith.constant 0 : i32
        %dma_wait3A_72 = tpu.memref_slice %arg10[%dma_wait3A_70, %dma_wait3A_71] : memref<40x128xi32, #tpu.memory_space<vmem>> -> memref<1x128xi32, #tpu.memory_space<vmem>>
        %dma_wait3A_73 = tpu.memref_squeeze %dma_wait3A_72 : memref<1x128xi32, #tpu.memory_space<vmem>> -> memref<128xi32, #tpu.memory_space<vmem>>
        %dma_wait3A_74 = arith.constant 0 : i32
        %dma_wait3A_75 = arith.constant 0 : i32
        %dma_wait3A_76 = tpu.memref_slice %arg2[%dma_wait3A_74, %dma_wait3A_75] : memref<10016x128xf32, #tpu.memory_space<hbm>> -> memref<10016x128xf32, #tpu.memory_space<hbm>>
        tpu.wait_indirect_dma semaphore(%arg18 : memref<!tpu.dma_semaphore, #tpu.memory_space<semaphore_mem>>) src(%dma_wait3A_76 : memref<10016x128xf32, #tpu.memory_space<hbm>>) dst(%arg14 : memref<128x128xf32, #tpu.memory_space<vmem>>)
        %add3A_77 = arith.constant 1 : i32
        %add3A_78 = arith.addi %mul3A_51, %add3A_77 : i32
        "tpu.region"() ({
          %run_scoped3A = tpu.sem_alloc : memref<!tpu.dma_semaphore, #tpu.memory_space<semaphore_mem>>
          %dma_start3A_81 = arith.constant 0 : i32
          %dma_start3A_82 = tpu.memref_slice %arg11[%add3A_78, %dma_start3A_81] : memref<40x128xi32, #tpu.memory_space<vmem>> -> memref<1x128xi32, #tpu.memory_space<vmem>>
          %dma_start3A_83 = tpu.memref_squeeze %dma_start3A_82 : memref<1x128xi32, #tpu.memory_space<vmem>> -> memref<128xi32, #tpu.memory_space<vmem>>
          %dma_start3A_84 = arith.constant 0 : i32
          %dma_start3A_85 = arith.constant 0 : i32
          %dma_start3A_86 = tpu.memref_slice %arg15[%dma_start3A_84, %dma_start3A_85] : memref<10240x128xf32, #tpu.memory_space<vmem_shared>> -> memref<10240x128xf32, #tpu.memory_space<vmem_shared>>
          tpu.enqueue_indirect_dma source(%arg14 : memref<128x128xf32, #tpu.memory_space<vmem>>) target(%dma_start3A_86 : memref<10240x128xf32, #tpu.memory_space<vmem_shared>>) offsets(%dma_start3A_83 : memref<128xi32, #tpu.memory_space<vmem>>) semaphore(%run_scoped3A : memref<!tpu.dma_semaphore, #tpu.memory_space<semaphore_mem>>) {add = true}
          %dma_wait3A_87 = arith.constant 0 : i32
          %dma_wait3A_88 = tpu.memref_slice %arg11[%add3A_78, %dma_wait3A_87] : memref<40x128xi32, #tpu.memory_space<vmem>> -> memref<1x128xi32, #tpu.memory_space<vmem>>
          %dma_wait3A_89 = tpu.memref_squeeze %dma_wait3A_88 : memref<1x128xi32, #tpu.memory_space<vmem>> -> memref<128xi32, #tpu.memory_space<vmem>>
          %dma_wait3A_90 = arith.constant 0 : i32
          %dma_wait3A_91 = arith.constant 0 : i32
          %dma_wait3A_92 = tpu.memref_slice %arg15[%dma_wait3A_90, %dma_wait3A_91] : memref<10240x128xf32, #tpu.memory_space<vmem_shared>> -> memref<10240x128xf32, #tpu.memory_space<vmem_shared>>
          tpu.wait_indirect_dma semaphore(%run_scoped3A : memref<!tpu.dma_semaphore, #tpu.memory_space<semaphore_mem>>) src(%arg14 : memref<128x128xf32, #tpu.memory_space<vmem>>) dst(%dma_wait3A_92 : memref<10240x128xf32, #tpu.memory_space<vmem_shared>>)
          tpu.yield
        }) : () -> ()
        %add3A_79 = arith.constant 1 : i32
        %add3A_80 = arith.addi %mul3A_51, %add3A_79 : i32
        "tpu.region"() ({
          %run_scoped3A = tpu.sem_alloc : memref<!tpu.dma_semaphore, #tpu.memory_space<semaphore_mem>>
          %dma_start3A_81 = arith.constant 0 : i32
          %dma_start3A_82 = tpu.memref_slice %arg11[%add3A_80, %dma_start3A_81] : memref<40x128xi32, #tpu.memory_space<vmem>> -> memref<1x128xi32, #tpu.memory_space<vmem>>
          %dma_start3A_83 = tpu.memref_squeeze %dma_start3A_82 : memref<1x128xi32, #tpu.memory_space<vmem>> -> memref<128xi32, #tpu.memory_space<vmem>>
          %dma_start3A_84 = arith.constant 0 : i32
          %dma_start3A_85 = tpu.memref_slice %arg16[%dma_start3A_84] : memref<10240xf32, #tpu.memory_space<vmem_shared>> -> memref<10240xf32, #tpu.memory_space<vmem_shared>>
          tpu.enqueue_indirect_dma source(%arg12 : memref<128xf32, #tpu.memory_space<vmem>>) target(%dma_start3A_85 : memref<10240xf32, #tpu.memory_space<vmem_shared>>) offsets(%dma_start3A_83 : memref<128xi32, #tpu.memory_space<vmem>>) semaphore(%run_scoped3A : memref<!tpu.dma_semaphore, #tpu.memory_space<semaphore_mem>>) {add = true}
          %dma_wait3A_86 = arith.constant 0 : i32
          %dma_wait3A_87 = tpu.memref_slice %arg11[%add3A_80, %dma_wait3A_86] : memref<40x128xi32, #tpu.memory_space<vmem>> -> memref<1x128xi32, #tpu.memory_space<vmem>>
          %dma_wait3A_88 = tpu.memref_squeeze %dma_wait3A_87 : memref<1x128xi32, #tpu.memory_space<vmem>> -> memref<128xi32, #tpu.memory_space<vmem>>
          %dma_wait3A_89 = arith.constant 0 : i32
          %dma_wait3A_90 = tpu.memref_slice %arg16[%dma_wait3A_89] : memref<10240xf32, #tpu.memory_space<vmem_shared>> -> memref<10240xf32, #tpu.memory_space<vmem_shared>>
          tpu.wait_indirect_dma semaphore(%run_scoped3A : memref<!tpu.dma_semaphore, #tpu.memory_space<semaphore_mem>>) src(%arg12 : memref<128xf32, #tpu.memory_space<vmem>>) dst(%dma_wait3A_90 : memref<10240xf32, #tpu.memory_space<vmem_shared>>)
          tpu.yield
        }) : () -> ()
      }
      %scan3A_48 = arith.constant 20 : i32
    }
    %while3A_21 = arith.constant 1 : i32
    scf.for %while3A_31 = %while3A_19 to %while3A_15 step %while3A_21  : i32 {
      %mul3A_32 = arith.constant 40 : i32
      %mul3A_33 = arith.muli %while3A_31, %mul3A_32 : i32
      %add3A_34 = arith.addi %select_n3A_12, %mul3A_33 : i32
      "tpu.region"() ({
        %run_scoped3A = tpu.sem_alloc : memref<!tpu.dma_semaphore, #tpu.memory_space<semaphore_mem>>
        %dma_start3A_49 = arith.constant 0 : i32
        %dma_start3A_50 = tpu.memref_slice %arg3[%add3A_34, %dma_start3A_49] : memref<2560x128xi32, #tpu.memory_space<hbm>> -> memref<40x128xi32, #tpu.memory_space<hbm>>
        %dma_start3A_51 = arith.constant 0 : i32
        %dma_start3A_52 = tpu.memref_slice %arg3[%add3A_34, %dma_start3A_51] : memref<2560x128xi32, #tpu.memory_space<hbm>> -> memref<40x128xi32, #tpu.memory_space<hbm>>
        tpu.enqueue_dma source(%dma_start3A_52 : memref<40x128xi32, #tpu.memory_space<hbm>>) target(%arg10 : memref<40x128xi32, #tpu.memory_space<vmem>>) target_semaphore(%run_scoped3A : memref<!tpu.dma_semaphore, #tpu.memory_space<semaphore_mem>>)
        %dma_wait3A = arith.constant 0 : i32
        %dma_wait3A_53 = tpu.memref_slice %arg3[%add3A_34, %dma_wait3A] : memref<2560x128xi32, #tpu.memory_space<hbm>> -> memref<40x128xi32, #tpu.memory_space<hbm>>
        %dma_wait3A_54 = arith.constant 0 : i32
        %dma_wait3A_55 = tpu.memref_slice %arg3[%add3A_34, %dma_wait3A_54] : memref<2560x128xi32, #tpu.memory_space<hbm>> -> memref<40x128xi32, #tpu.memory_space<hbm>>
        tpu.wait_dma2 semaphore(%run_scoped3A : memref<!tpu.dma_semaphore, #tpu.memory_space<semaphore_mem>>) src(%dma_wait3A_55 : memref<40x128xi32, #tpu.memory_space<hbm>>) dst(%arg10 : memref<40x128xi32, #tpu.memory_space<vmem>>)
        tpu.yield
      }) : () -> ()
      %mul3A_35 = arith.constant 40 : i32
      %mul3A_36 = arith.muli %while3A_31, %mul3A_35 : i32
      %add3A_37 = arith.addi %select_n3A_12, %mul3A_36 : i32
      "tpu.region"() ({
        %run_scoped3A = tpu.sem_alloc : memref<!tpu.dma_semaphore, #tpu.memory_space<semaphore_mem>>
        %dma_start3A_49 = arith.constant 0 : i32
        %dma_start3A_50 = tpu.memref_slice %arg4[%add3A_37, %dma_start3A_49] : memref<2560x128xi32, #tpu.memory_space<hbm>> -> memref<40x128xi32, #tpu.memory_space<hbm>>
        %dma_start3A_51 = arith.constant 0 : i32
        %dma_start3A_52 = tpu.memref_slice %arg4[%add3A_37, %dma_start3A_51] : memref<2560x128xi32, #tpu.memory_space<hbm>> -> memref<40x128xi32, #tpu.memory_space<hbm>>
        tpu.enqueue_dma source(%dma_start3A_52 : memref<40x128xi32, #tpu.memory_space<hbm>>) target(%arg11 : memref<40x128xi32, #tpu.memory_space<vmem>>) target_semaphore(%run_scoped3A : memref<!tpu.dma_semaphore, #tpu.memory_space<semaphore_mem>>)
        %dma_wait3A = arith.constant 0 : i32
        %dma_wait3A_53 = tpu.memref_slice %arg4[%add3A_37, %dma_wait3A] : memref<2560x128xi32, #tpu.memory_space<hbm>> -> memref<40x128xi32, #tpu.memory_space<hbm>>
        %dma_wait3A_54 = arith.constant 0 : i32
        %dma_wait3A_55 = tpu.memref_slice %arg4[%add3A_37, %dma_wait3A_54] : memref<2560x128xi32, #tpu.memory_space<hbm>> -> memref<40x128xi32, #tpu.memory_space<hbm>>
        tpu.wait_dma2 semaphore(%run_scoped3A : memref<!tpu.dma_semaphore, #tpu.memory_space<semaphore_mem>>) src(%dma_wait3A_55 : memref<40x128xi32, #tpu.memory_space<hbm>>) dst(%arg11 : memref<40x128xi32, #tpu.memory_space<vmem>>)
        tpu.yield
      }) : () -> ()
      %dma_start3A = arith.constant 0 : i32
      %dma_start3A_38 = arith.constant 0 : i32
      %dma_start3A_39 = tpu.memref_slice %arg10[%dma_start3A, %dma_start3A_38] : memref<40x128xi32, #tpu.memory_space<vmem>> -> memref<1x128xi32, #tpu.memory_space<vmem>>
      %dma_start3A_40 = tpu.memref_squeeze %dma_start3A_39 : memref<1x128xi32, #tpu.memory_space<vmem>> -> memref<128xi32, #tpu.memory_space<vmem>>
      %dma_start3A_41 = arith.constant 0 : i32
      %dma_start3A_42 = arith.constant 0 : i32
      %dma_start3A_43 = tpu.memref_slice %arg2[%dma_start3A_41, %dma_start3A_42] : memref<10016x128xf32, #tpu.memory_space<hbm>> -> memref<10016x128xf32, #tpu.memory_space<hbm>>
      tpu.enqueue_indirect_dma source(%dma_start3A_43 : memref<10016x128xf32, #tpu.memory_space<hbm>>) target(%arg13 : memref<128x128xf32, #tpu.memory_space<vmem>>) offsets(%dma_start3A_40 : memref<128xi32, #tpu.memory_space<vmem>>) semaphore(%arg17 : memref<!tpu.dma_semaphore, #tpu.memory_space<semaphore_mem>>)
      %scan3A = arith.constant 0 : i32
      %scan3A_44 = arith.constant 0 : i32
      %scan3A_45 = arith.constant 20 : i32
      %scan3A_46 = arith.addi %scan3A_44, %scan3A_45 : i32
      %scan3A_47 = arith.constant 1 : i32
      scf.for %scan3A_49 = %scan3A_44 to %scan3A_46 step %scan3A_47  : i32 {
        %mul3A_50 = arith.constant 2 : i32
        %mul3A_51 = arith.muli %mul3A_50, %scan3A_49 : i32
        %add3A_52 = arith.constant 1 : i32
        %add3A_53 = arith.addi %mul3A_51, %add3A_52 : i32
        %dma_start3A_54 = arith.constant 0 : i32
        %dma_start3A_55 = tpu.memref_slice %arg10[%add3A_53, %dma_start3A_54] : memref<40x128xi32, #tpu.memory_space<vmem>> -> memref<1x128xi32, #tpu.memory_space<vmem>>
        %dma_start3A_56 = tpu.memref_squeeze %dma_start3A_55 : memref<1x128xi32, #tpu.memory_space<vmem>> -> memref<128xi32, #tpu.memory_space<vmem>>
        %dma_start3A_57 = arith.constant 0 : i32
        %dma_start3A_58 = arith.constant 0 : i32
        %dma_start3A_59 = tpu.memref_slice %arg2[%dma_start3A_57, %dma_start3A_58] : memref<10016x128xf32, #tpu.memory_space<hbm>> -> memref<10016x128xf32, #tpu.memory_space<hbm>>
        tpu.enqueue_indirect_dma source(%dma_start3A_59 : memref<10016x128xf32, #tpu.memory_space<hbm>>) target(%arg14 : memref<128x128xf32, #tpu.memory_space<vmem>>) offsets(%dma_start3A_56 : memref<128xi32, #tpu.memory_space<vmem>>) semaphore(%arg18 : memref<!tpu.dma_semaphore, #tpu.memory_space<semaphore_mem>>)
        %dma_wait3A = arith.constant 0 : i32
        %dma_wait3A_60 = arith.constant 0 : i32
        %dma_wait3A_61 = tpu.memref_slice %arg10[%dma_wait3A, %dma_wait3A_60] : memref<40x128xi32, #tpu.memory_space<vmem>> -> memref<1x128xi32, #tpu.memory_space<vmem>>
        %dma_wait3A_62 = tpu.memref_squeeze %dma_wait3A_61 : memref<1x128xi32, #tpu.memory_space<vmem>> -> memref<128xi32, #tpu.memory_space<vmem>>
        %dma_wait3A_63 = arith.constant 0 : i32
        %dma_wait3A_64 = arith.constant 0 : i32
        %dma_wait3A_65 = tpu.memref_slice %arg2[%dma_wait3A_63, %dma_wait3A_64] : memref<10016x128xf32, #tpu.memory_space<hbm>> -> memref<10016x128xf32, #tpu.memory_space<hbm>>
        tpu.wait_indirect_dma semaphore(%arg17 : memref<!tpu.dma_semaphore, #tpu.memory_space<semaphore_mem>>) src(%dma_wait3A_65 : memref<10016x128xf32, #tpu.memory_space<hbm>>) dst(%arg13 : memref<128x128xf32, #tpu.memory_space<vmem>>)
        "tpu.region"() ({
          %run_scoped3A = tpu.sem_alloc : memref<!tpu.dma_semaphore, #tpu.memory_space<semaphore_mem>>
          %dma_start3A_81 = arith.constant 0 : i32
          %dma_start3A_82 = tpu.memref_slice %arg11[%mul3A_51, %dma_start3A_81] : memref<40x128xi32, #tpu.memory_space<vmem>> -> memref<1x128xi32, #tpu.memory_space<vmem>>
          %dma_start3A_83 = tpu.memref_squeeze %dma_start3A_82 : memref<1x128xi32, #tpu.memory_space<vmem>> -> memref<128xi32, #tpu.memory_space<vmem>>
          %dma_start3A_84 = arith.constant 0 : i32
          %dma_start3A_85 = arith.constant 0 : i32
          %dma_start3A_86 = tpu.memref_slice %arg15[%dma_start3A_84, %dma_start3A_85] : memref<10240x128xf32, #tpu.memory_space<vmem_shared>> -> memref<10240x128xf32, #tpu.memory_space<vmem_shared>>
          tpu.enqueue_indirect_dma source(%arg13 : memref<128x128xf32, #tpu.memory_space<vmem>>) target(%dma_start3A_86 : memref<10240x128xf32, #tpu.memory_space<vmem_shared>>) offsets(%dma_start3A_83 : memref<128xi32, #tpu.memory_space<vmem>>) semaphore(%run_scoped3A : memref<!tpu.dma_semaphore, #tpu.memory_space<semaphore_mem>>) {add = true}
          %dma_wait3A_87 = arith.constant 0 : i32
          %dma_wait3A_88 = tpu.memref_slice %arg11[%mul3A_51, %dma_wait3A_87] : memref<40x128xi32, #tpu.memory_space<vmem>> -> memref<1x128xi32, #tpu.memory_space<vmem>>
          %dma_wait3A_89 = tpu.memref_squeeze %dma_wait3A_88 : memref<1x128xi32, #tpu.memory_space<vmem>> -> memref<128xi32, #tpu.memory_space<vmem>>
          %dma_wait3A_90 = arith.constant 0 : i32
          %dma_wait3A_91 = arith.constant 0 : i32
          %dma_wait3A_92 = tpu.memref_slice %arg15[%dma_wait3A_90, %dma_wait3A_91] : memref<10240x128xf32, #tpu.memory_space<vmem_shared>> -> memref<10240x128xf32, #tpu.memory_space<vmem_shared>>
          tpu.wait_indirect_dma semaphore(%run_scoped3A : memref<!tpu.dma_semaphore, #tpu.memory_space<semaphore_mem>>) src(%arg13 : memref<128x128xf32, #tpu.memory_space<vmem>>) dst(%dma_wait3A_92 : memref<10240x128xf32, #tpu.memory_space<vmem_shared>>)
          tpu.yield
        }) : () -> ()
        "tpu.region"() ({
          %run_scoped3A = tpu.sem_alloc : memref<!tpu.dma_semaphore, #tpu.memory_space<semaphore_mem>>
          %dma_start3A_81 = arith.constant 0 : i32
          %dma_start3A_82 = tpu.memref_slice %arg11[%mul3A_51, %dma_start3A_81] : memref<40x128xi32, #tpu.memory_space<vmem>> -> memref<1x128xi32, #tpu.memory_space<vmem>>
          %dma_start3A_83 = tpu.memref_squeeze %dma_start3A_82 : memref<1x128xi32, #tpu.memory_space<vmem>> -> memref<128xi32, #tpu.memory_space<vmem>>
          %dma_start3A_84 = arith.constant 0 : i32
          %dma_start3A_85 = tpu.memref_slice %arg16[%dma_start3A_84] : memref<10240xf32, #tpu.memory_space<vmem_shared>> -> memref<10240xf32, #tpu.memory_space<vmem_shared>>
          tpu.enqueue_indirect_dma source(%arg12 : memref<128xf32, #tpu.memory_space<vmem>>) target(%dma_start3A_85 : memref<10240xf32, #tpu.memory_space<vmem_shared>>) offsets(%dma_start3A_83 : memref<128xi32, #tpu.memory_space<vmem>>) semaphore(%run_scoped3A : memref<!tpu.dma_semaphore, #tpu.memory_space<semaphore_mem>>) {add = true}
          %dma_wait3A_86 = arith.constant 0 : i32
          %dma_wait3A_87 = tpu.memref_slice %arg11[%mul3A_51, %dma_wait3A_86] : memref<40x128xi32, #tpu.memory_space<vmem>> -> memref<1x128xi32, #tpu.memory_space<vmem>>
          %dma_wait3A_88 = tpu.memref_squeeze %dma_wait3A_87 : memref<1x128xi32, #tpu.memory_space<vmem>> -> memref<128xi32, #tpu.memory_space<vmem>>
          %dma_wait3A_89 = arith.constant 0 : i32
          %dma_wait3A_90 = tpu.memref_slice %arg16[%dma_wait3A_89] : memref<10240xf32, #tpu.memory_space<vmem_shared>> -> memref<10240xf32, #tpu.memory_space<vmem_shared>>
          tpu.wait_indirect_dma semaphore(%run_scoped3A : memref<!tpu.dma_semaphore, #tpu.memory_space<semaphore_mem>>) src(%arg12 : memref<128xf32, #tpu.memory_space<vmem>>) dst(%dma_wait3A_90 : memref<10240xf32, #tpu.memory_space<vmem_shared>>)
          tpu.yield
        }) : () -> ()
        %add3A_66 = arith.constant 1 : i32
        %add3A_67 = arith.addi %scan3A_49, %add3A_66 : i32
        %lt3A = arith.constant 20 : i32
        %lt3A_68 = arith.cmpi slt, %add3A_67, %lt3A : i32
        %convert_element_type3A = arith.extui %lt3A_68 : i1 to i32
        %cond3A = arith.constant 0 : i32
        %cond3A_69 = arith.cmpi ne, %convert_element_type3A, %cond3A : i32
        scf.if %cond3A_69 {
          %add3A_81 = arith.constant 2 : i32
          %add3A_82 = arith.addi %mul3A_51, %add3A_81 : i32
          %dma_start3A_83 = arith.constant 0 : i32
          %dma_start3A_84 = tpu.memref_slice %arg10[%add3A_82, %dma_start3A_83] : memref<40x128xi32, #tpu.memory_space<vmem>> -> memref<1x128xi32, #tpu.memory_space<vmem>>
          %dma_start3A_85 = tpu.memref_squeeze %dma_start3A_84 : memref<1x128xi32, #tpu.memory_space<vmem>> -> memref<128xi32, #tpu.memory_space<vmem>>
          %dma_start3A_86 = arith.constant 0 : i32
          %dma_start3A_87 = arith.constant 0 : i32
          %dma_start3A_88 = tpu.memref_slice %arg2[%dma_start3A_86, %dma_start3A_87] : memref<10016x128xf32, #tpu.memory_space<hbm>> -> memref<10016x128xf32, #tpu.memory_space<hbm>>
          tpu.enqueue_indirect_dma source(%dma_start3A_88 : memref<10016x128xf32, #tpu.memory_space<hbm>>) target(%arg13 : memref<128x128xf32, #tpu.memory_space<vmem>>) offsets(%dma_start3A_85 : memref<128xi32, #tpu.memory_space<vmem>>) semaphore(%arg17 : memref<!tpu.dma_semaphore, #tpu.memory_space<semaphore_mem>>)
        } else {
        }
        %dma_wait3A_70 = arith.constant 0 : i32
        %dma_wait3A_71 = arith.constant 0 : i32
        %dma_wait3A_72 = tpu.memref_slice %arg10[%dma_wait3A_70, %dma_wait3A_71] : memref<40x128xi32, #tpu.memory_space<vmem>> -> memref<1x128xi32, #tpu.memory_space<vmem>>
        %dma_wait3A_73 = tpu.memref_squeeze %dma_wait3A_72 : memref<1x128xi32, #tpu.memory_space<vmem>> -> memref<128xi32, #tpu.memory_space<vmem>>
        %dma_wait3A_74 = arith.constant 0 : i32
        %dma_wait3A_75 = arith.constant 0 : i32
        %dma_wait3A_76 = tpu.memref_slice %arg2[%dma_wait3A_74, %dma_wait3A_75] : memref<10016x128xf32, #tpu.memory_space<hbm>> -> memref<10016x128xf32, #tpu.memory_space<hbm>>
        tpu.wait_indirect_dma semaphore(%arg18 : memref<!tpu.dma_semaphore, #tpu.memory_space<semaphore_mem>>) src(%dma_wait3A_76 : memref<10016x128xf32, #tpu.memory_space<hbm>>) dst(%arg14 : memref<128x128xf32, #tpu.memory_space<vmem>>)
        %add3A_77 = arith.constant 1 : i32
        %add3A_78 = arith.addi %mul3A_51, %add3A_77 : i32
        "tpu.region"() ({
          %run_scoped3A = tpu.sem_alloc : memref<!tpu.dma_semaphore, #tpu.memory_space<semaphore_mem>>
          %dma_start3A_81 = arith.constant 0 : i32
          %dma_start3A_82 = tpu.memref_slice %arg11[%add3A_78, %dma_start3A_81] : memref<40x128xi32, #tpu.memory_space<vmem>> -> memref<1x128xi32, #tpu.memory_space<vmem>>
          %dma_start3A_83 = tpu.memref_squeeze %dma_start3A_82 : memref<1x128xi32, #tpu.memory_space<vmem>> -> memref<128xi32, #tpu.memory_space<vmem>>
          %dma_start3A_84 = arith.constant 0 : i32
          %dma_start3A_85 = arith.constant 0 : i32
          %dma_start3A_86 = tpu.memref_slice %arg15[%dma_start3A_84, %dma_start3A_85] : memref<10240x128xf32, #tpu.memory_space<vmem_shared>> -> memref<10240x128xf32, #tpu.memory_space<vmem_shared>>
          tpu.enqueue_indirect_dma source(%arg14 : memref<128x128xf32, #tpu.memory_space<vmem>>) target(%dma_start3A_86 : memref<10240x128xf32, #tpu.memory_space<vmem_shared>>) offsets(%dma_start3A_83 : memref<128xi32, #tpu.memory_space<vmem>>) semaphore(%run_scoped3A : memref<!tpu.dma_semaphore, #tpu.memory_space<semaphore_mem>>) {add = true}
          %dma_wait3A_87 = arith.constant 0 : i32
          %dma_wait3A_88 = tpu.memref_slice %arg11[%add3A_78, %dma_wait3A_87] : memref<40x128xi32, #tpu.memory_space<vmem>> -> memref<1x128xi32, #tpu.memory_space<vmem>>
          %dma_wait3A_89 = tpu.memref_squeeze %dma_wait3A_88 : memref<1x128xi32, #tpu.memory_space<vmem>> -> memref<128xi32, #tpu.memory_space<vmem>>
          %dma_wait3A_90 = arith.constant 0 : i32
          %dma_wait3A_91 = arith.constant 0 : i32
          %dma_wait3A_92 = tpu.memref_slice %arg15[%dma_wait3A_90, %dma_wait3A_91] : memref<10240x128xf32, #tpu.memory_space<vmem_shared>> -> memref<10240x128xf32, #tpu.memory_space<vmem_shared>>
          tpu.wait_indirect_dma semaphore(%run_scoped3A : memref<!tpu.dma_semaphore, #tpu.memory_space<semaphore_mem>>) src(%arg14 : memref<128x128xf32, #tpu.memory_space<vmem>>) dst(%dma_wait3A_92 : memref<10240x128xf32, #tpu.memory_space<vmem_shared>>)
          tpu.yield
        }) : () -> ()
        %add3A_79 = arith.constant 1 : i32
        %add3A_80 = arith.addi %mul3A_51, %add3A_79 : i32
        "tpu.region"() ({
          %run_scoped3A = tpu.sem_alloc : memref<!tpu.dma_semaphore, #tpu.memory_space<semaphore_mem>>
          %dma_start3A_81 = arith.constant 0 : i32
          %dma_start3A_82 = tpu.memref_slice %arg11[%add3A_80, %dma_start3A_81] : memref<40x128xi32, #tpu.memory_space<vmem>> -> memref<1x128xi32, #tpu.memory_space<vmem>>
          %dma_start3A_83 = tpu.memref_squeeze %dma_start3A_82 : memref<1x128xi32, #tpu.memory_space<vmem>> -> memref<128xi32, #tpu.memory_space<vmem>>
          %dma_start3A_84 = arith.constant 0 : i32
          %dma_start3A_85 = tpu.memref_slice %arg16[%dma_start3A_84] : memref<10240xf32, #tpu.memory_space<vmem_shared>> -> memref<10240xf32, #tpu.memory_space<vmem_shared>>
          tpu.enqueue_indirect_dma source(%arg12 : memref<128xf32, #tpu.memory_space<vmem>>) target(%dma_start3A_85 : memref<10240xf32, #tpu.memory_space<vmem_shared>>) offsets(%dma_start3A_83 : memref<128xi32, #tpu.memory_space<vmem>>) semaphore(%run_scoped3A : memref<!tpu.dma_semaphore, #tpu.memory_space<semaphore_mem>>) {add = true}
          %dma_wait3A_86 = arith.constant 0 : i32
          %dma_wait3A_87 = tpu.memref_slice %arg11[%add3A_80, %dma_wait3A_86] : memref<40x128xi32, #tpu.memory_space<vmem>> -> memref<1x128xi32, #tpu.memory_space<vmem>>
          %dma_wait3A_88 = tpu.memref_squeeze %dma_wait3A_87 : memref<1x128xi32, #tpu.memory_space<vmem>> -> memref<128xi32, #tpu.memory_space<vmem>>
          %dma_wait3A_89 = arith.constant 0 : i32
          %dma_wait3A_90 = tpu.memref_slice %arg16[%dma_wait3A_89] : memref<10240xf32, #tpu.memory_space<vmem_shared>> -> memref<10240xf32, #tpu.memory_space<vmem_shared>>
          tpu.wait_indirect_dma semaphore(%run_scoped3A : memref<!tpu.dma_semaphore, #tpu.memory_space<semaphore_mem>>) src(%arg12 : memref<128xf32, #tpu.memory_space<vmem>>) dst(%dma_wait3A_90 : memref<10240xf32, #tpu.memory_space<vmem_shared>>)
          tpu.yield
        }) : () -> ()
      }
      %scan3A_48 = arith.constant 20 : i32
    }
    %barrier3A_22 = arith.constant 0 : index
    tpu.barrier barrier_id(%barrier3A_22)
    %mul3A_23 = arith.constant 640 : i32
    %mul3A_24 = arith.muli %arg1, %mul3A_23 : i32
    %mul3A_25 = arith.constant 640 : i32
    %mul3A_26 = arith.muli %arg1, %mul3A_25 : i32
    "tpu.region"() ({
      %run_scoped3A = tpu.sem_alloc : memref<!tpu.dma_semaphore, #tpu.memory_space<semaphore_mem>>
      %dma_start3A = arith.constant 0 : i32
      %dma_start3A_31 = arith.constant 0 : i32
      %dma_start3A_32 = tpu.memref_slice %arg8[%arg0, %dma_start3A, %dma_start3A_31] : memref<2x10240x128xf32, #tpu.memory_space<hbm>> -> memref<1x10240x128xf32, #tpu.memory_space<hbm>>
      %dma_start3A_33 = tpu.memref_squeeze %dma_start3A_32 : memref<1x10240x128xf32, #tpu.memory_space<hbm>> -> memref<10240x128xf32, #tpu.memory_space<hbm>>
      %dma_start3A_34 = arith.constant 0 : i32
      %dma_start3A_35 = tpu.memref_slice %dma_start3A_33[%mul3A_26, %dma_start3A_34] : memref<10240x128xf32, #tpu.memory_space<hbm>> -> memref<640x128xf32, #tpu.memory_space<hbm>>
      %dma_start3A_36 = arith.constant 0 : i32
      %dma_start3A_37 = tpu.memref_slice %arg15[%mul3A_24, %dma_start3A_36] : memref<10240x128xf32, #tpu.memory_space<vmem_shared>> -> memref<640x128xf32, #tpu.memory_space<vmem_shared>>
      tpu.enqueue_dma source(%dma_start3A_37 : memref<640x128xf32, #tpu.memory_space<vmem_shared>>) target(%dma_start3A_35 : memref<640x128xf32, #tpu.memory_space<hbm>>) target_semaphore(%run_scoped3A : memref<!tpu.dma_semaphore, #tpu.memory_space<semaphore_mem>>)
      %dma_wait3A = arith.constant 0 : i32
      %dma_wait3A_38 = arith.constant 0 : i32
      %dma_wait3A_39 = tpu.memref_slice %arg8[%arg0, %dma_wait3A, %dma_wait3A_38] : memref<2x10240x128xf32, #tpu.memory_space<hbm>> -> memref<1x10240x128xf32, #tpu.memory_space<hbm>>
      %dma_wait3A_40 = tpu.memref_squeeze %dma_wait3A_39 : memref<1x10240x128xf32, #tpu.memory_space<hbm>> -> memref<10240x128xf32, #tpu.memory_space<hbm>>
      %dma_wait3A_41 = arith.constant 0 : i32
      %dma_wait3A_42 = tpu.memref_slice %dma_wait3A_40[%mul3A_26, %dma_wait3A_41] : memref<10240x128xf32, #tpu.memory_space<hbm>> -> memref<640x128xf32, #tpu.memory_space<hbm>>
      %dma_wait3A_43 = arith.constant 0 : i32
      %dma_wait3A_44 = tpu.memref_slice %arg15[%mul3A_24, %dma_wait3A_43] : memref<10240x128xf32, #tpu.memory_space<vmem_shared>> -> memref<640x128xf32, #tpu.memory_space<vmem_shared>>
      tpu.wait_dma2 semaphore(%run_scoped3A : memref<!tpu.dma_semaphore, #tpu.memory_space<semaphore_mem>>) src(%dma_wait3A_44 : memref<640x128xf32, #tpu.memory_space<vmem_shared>>) dst(%dma_wait3A_42 : memref<640x128xf32, #tpu.memory_space<hbm>>)
      tpu.yield
    }) : () -> ()
    %mul3A_27 = arith.constant 640 : i32
    %mul3A_28 = arith.muli %arg1, %mul3A_27 : i32
    %mul3A_29 = arith.constant 640 : i32
    %mul3A_30 = arith.muli %arg1, %mul3A_29 : i32
    "tpu.region"() ({
      %run_scoped3A = tpu.sem_alloc : memref<!tpu.dma_semaphore, #tpu.memory_space<semaphore_mem>>
      %dma_start3A = arith.constant 0 : i32
      %dma_start3A_31 = tpu.memref_slice %arg9[%arg0, %dma_start3A] : memref<2x10240xf32, #tpu.memory_space<hbm>> -> memref<1x10240xf32, #tpu.memory_space<hbm>>
      %dma_start3A_32 = tpu.memref_squeeze %dma_start3A_31 : memref<1x10240xf32, #tpu.memory_space<hbm>> -> memref<10240xf32, #tpu.memory_space<hbm>>
      %dma_start3A_33 = tpu.memref_slice %dma_start3A_32[%mul3A_30] : memref<10240xf32, #tpu.memory_space<hbm>> -> memref<640xf32, #tpu.memory_space<hbm>>
      %dma_start3A_34 = tpu.memref_slice %arg16[%mul3A_28] : memref<10240xf32, #tpu.memory_space<vmem_shared>> -> memref<640xf32, #tpu.memory_space<vmem_shared>>
      tpu.enqueue_dma source(%dma_start3A_34 : memref<640xf32, #tpu.memory_space<vmem_shared>>) target(%dma_start3A_33 : memref<640xf32, #tpu.memory_space<hbm>>) target_semaphore(%run_scoped3A : memref<!tpu.dma_semaphore, #tpu.memory_space<semaphore_mem>>)
      %dma_wait3A = arith.constant 0 : i32
      %dma_wait3A_35 = tpu.memref_slice %arg9[%arg0, %dma_wait3A] : memref<2x10240xf32, #tpu.memory_space<hbm>> -> memref<1x10240xf32, #tpu.memory_space<hbm>>
      %dma_wait3A_36 = tpu.memref_squeeze %dma_wait3A_35 : memref<1x10240xf32, #tpu.memory_space<hbm>> -> memref<10240xf32, #tpu.memory_space<hbm>>
      %dma_wait3A_37 = tpu.memref_slice %dma_wait3A_36[%mul3A_30] : memref<10240xf32, #tpu.memory_space<hbm>> -> memref<640xf32, #tpu.memory_space<hbm>>
      %dma_wait3A_38 = tpu.memref_slice %arg16[%mul3A_28] : memref<10240xf32, #tpu.memory_space<vmem_shared>> -> memref<640xf32, #tpu.memory_space<vmem_shared>>
      tpu.wait_dma2 semaphore(%run_scoped3A : memref<!tpu.dma_semaphore, #tpu.memory_space<semaphore_mem>>) src(%dma_wait3A_38 : memref<640xf32, #tpu.memory_space<vmem_shared>>) dst(%dma_wait3A_37 : memref<640xf32, #tpu.memory_space<hbm>>)
      tpu.yield
    }) : () -> ()
    return
  }
}

module attributes {stable_mosaic.version = 14 : i64} {
  func.func @_enc_body(%arg0: i32, %arg1: memref<2000x128xf32, #tpu.memory_space<vmem>>, %arg2: memref<128x128xf32, #tpu.memory_space<vmem>>, %arg3: memref<1x128xf32, #tpu.memory_space<vmem>>, %arg4: memref<2000x1xf32, #tpu.memory_space<vmem>>, %arg5: memref<1x128xf32, #tpu.memory_space<vmem>>, %arg6: memref<1x128xf32, #tpu.memory_space<vmem>>, %arg7: memref<2000x128xf32, #tpu.memory_space<vmem>>) attributes {dimension_semantics = [#tpu.dimension_semantics<arbitrary>], iteration_bounds = array<i64: 5>, scalar_prefetch = 0 : i64, scratch_operands = 0 : i64, tpu.core_type = #tpu.core_type<tc>, window_params = [{transform_indices = @transform_0, window_bounds = array<i64: 2000, 128>}, {pipeline_mode = #tpu.pipeline_mode<synchronous>, transform_indices = @transform_1, window_bounds = array<i64: 128, 128>}, {pipeline_mode = #tpu.pipeline_mode<synchronous>, transform_indices = @transform_2, window_bounds = array<i64: 1, 128>}, {transform_indices = @transform_3, window_bounds = array<i64: 2000, 1>}, {pipeline_mode = #tpu.pipeline_mode<synchronous>, transform_indices = @transform_4, window_bounds = array<i64: 1, 128>}, {pipeline_mode = #tpu.pipeline_mode<synchronous>, transform_indices = @transform_5, window_bounds = array<i64: 1, 128>}, {transform_indices = @transform_6, window_bounds = array<i64: 2000, 128>}]} {
    %get3A = arith.constant 0 : index
    %get3A_0 = arith.constant 0 : index
    %get3A_1 = vector.load %arg1[%get3A, %get3A_0] : memref<2000x128xf32, #tpu.memory_space<vmem>>, vector<2000x128xf32>
    %get3A_2 = arith.constant 0 : index
    %get3A_3 = arith.constant 0 : index
    %get3A_4 = vector.load %arg2[%get3A_2, %get3A_3] : memref<128x128xf32, #tpu.memory_space<vmem>>, vector<128x128xf32>
    %dot_general3A = arith.constant dense<0.000000e+00> : vector<2000x128xf32>
    %dot_general3A_5 = tpu.matmul %get3A_1, %get3A_4, %dot_general3A {dimension_numbers = #tpu.dot_dimension_numbers<[1], [0], [0], [1], [0, 0, 1, 1], [], []>, transpose_lhs_hint = false} : vector<2000x128xf32>, vector<128x128xf32>, vector<2000x128xf32> -> vector<2000x128xf32>
    %get3A_6 = arith.constant 0 : index
    %get3A_7 = arith.constant 0 : index
    %get3A_8 = vector.load %arg3[%get3A_6, %get3A_7] : memref<1x128xf32, #tpu.memory_space<vmem>>, vector<1x128xf32>
    %add3A = vector.broadcast %get3A_8 : vector<1x128xf32> to vector<2000x128xf32>
    %add3A_9 = arith.addf %dot_general3A_5, %add3A : vector<2000x128xf32>
    %get3A_10 = arith.constant 0 : index
    %get3A_11 = arith.constant 0 : index
    %get3A_12 = vector.load %arg6[%get3A_10, %get3A_11] : memref<1x128xf32, #tpu.memory_space<vmem>>, vector<1x128xf32>
    %add3A_13 = vector.broadcast %get3A_12 : vector<1x128xf32> to vector<2000x128xf32>
    %add3A_14 = arith.addf %add3A_9, %add3A_13 : vector<2000x128xf32>
    %get3A_15 = arith.constant 0 : index
    %get3A_16 = arith.constant 0 : index
    %get3A_17 = vector.load %arg4[%get3A_15, %get3A_16] : memref<2000x1xf32, #tpu.memory_space<vmem>>, vector<2000x1xf32>
    %get3A_18 = arith.constant 0 : index
    %get3A_19 = arith.constant 0 : index
    %get3A_20 = vector.load %arg5[%get3A_18, %get3A_19] : memref<1x128xf32, #tpu.memory_space<vmem>>, vector<1x128xf32>
    %mul3A = vector.broadcast %get3A_17 : vector<2000x1xf32> to vector<2000x128xf32>
    %mul3A_21 = vector.broadcast %get3A_20 : vector<1x128xf32> to vector<2000x128xf32>
    %mul3A_22 = arith.mulf %mul3A, %mul3A_21 : vector<2000x128xf32>
    %add3A_23 = arith.addf %add3A_14, %mul3A_22 : vector<2000x128xf32>
    %swap3A = arith.constant 0 : index
    %swap3A_24 = arith.constant 0 : index
    %swap3A_25 = vector.load %arg7[%swap3A, %swap3A_24] : memref<2000x128xf32, #tpu.memory_space<vmem>>, vector<2000x128xf32>
    tpu.vector_store %arg7[%swap3A, %swap3A_24], %add3A_23 {strides = array<i32>} : memref<2000x128xf32, #tpu.memory_space<vmem>>, vector<2000x128xf32>,
    return
  }
  func.func @transform_0(%arg0: i32) -> (i32, i32) {
    %c0_i32 = arith.constant 0 : i32
    %c0_i32_0 = arith.constant 0 : i32
    return %arg0, %c0_i32 : i32, i32
  }
  func.func @transform_1(%arg0: i32) -> (i32, i32) {
    %c0_i32 = arith.constant 0 : i32
    %c0_i32_0 = arith.constant 0 : i32
    %c0_i32_1 = arith.constant 0 : i32
    return %c0_i32, %c0_i32_0 : i32, i32
  }
  func.func @transform_2(%arg0: i32) -> (i32, i32) {
    %c0_i32 = arith.constant 0 : i32
    %c0_i32_0 = arith.constant 0 : i32
    %c0_i32_1 = arith.constant 0 : i32
    return %c0_i32, %c0_i32_0 : i32, i32
  }
  func.func @transform_3(%arg0: i32) -> (i32, i32) {
    %c0_i32 = arith.constant 0 : i32
    %c0_i32_0 = arith.constant 0 : i32
    return %arg0, %c0_i32 : i32, i32
  }
  func.func @transform_4(%arg0: i32) -> (i32, i32) {
    %c0_i32 = arith.constant 0 : i32
    %c0_i32_0 = arith.constant 0 : i32
    %c0_i32_1 = arith.constant 0 : i32
    return %c0_i32, %c0_i32_0 : i32, i32
  }
  func.func @transform_5(%arg0: i32) -> (i32, i32) {
    %c0_i32 = arith.constant 0 : i32
    %c0_i32_0 = arith.constant 0 : i32
    %c0_i32_1 = arith.constant 0 : i32
    return %c0_i32, %c0_i32_0 : i32, i32
  }
  func.func @transform_6(%arg0: i32) -> (i32, i32) {
    %c0_i32 = arith.constant 0 : i32
    %c0_i32_0 = arith.constant 0 : i32
    return %arg0, %c0_i32 : i32, i32
  }
}

module attributes {stable_mosaic.version = 14 : i64} {
  func.func @_sage_body(%arg0: i32, %arg1: memref<2000x128xf32, #tpu.memory_space<vmem>>, %arg2: memref<2000x128xf32, #tpu.memory_space<vmem>>, %arg3: memref<2000x128xf32, #tpu.memory_space<vmem>>, %arg4: memref<2000x2xf32, #tpu.memory_space<vmem>>, %arg5: memref<128x128xf32, #tpu.memory_space<vmem>>, %arg6: memref<128x128xf32, #tpu.memory_space<vmem>>, %arg7: memref<1x128xf32, #tpu.memory_space<vmem>>, %arg8: memref<2000x128xf32, #tpu.memory_space<vmem>>) attributes {dimension_semantics = [#tpu.dimension_semantics<arbitrary>], iteration_bounds = array<i64: 5>, scalar_prefetch = 0 : i64, scratch_operands = 0 : i64, tpu.core_type = #tpu.core_type<tc>, window_params = [{transform_indices = @transform_0, window_bounds = array<i64: 2000, 128>}, {transform_indices = @transform_1, window_bounds = array<i64: 2000, 128>}, {transform_indices = @transform_2, window_bounds = array<i64: 2000, 128>}, {transform_indices = @transform_3, window_bounds = array<i64: 2000, 2>}, {pipeline_mode = #tpu.pipeline_mode<synchronous>, transform_indices = @transform_4, window_bounds = array<i64: 128, 128>}, {pipeline_mode = #tpu.pipeline_mode<synchronous>, transform_indices = @transform_5, window_bounds = array<i64: 128, 128>}, {pipeline_mode = #tpu.pipeline_mode<synchronous>, transform_indices = @transform_6, window_bounds = array<i64: 1, 128>}, {transform_indices = @transform_7, window_bounds = array<i64: 2000, 128>}]} {
    %get3A = arith.constant 0 : index
    %get3A_0 = arith.constant 0 : index
    %get3A_1 = vector.load %arg4[%get3A, %get3A_0] : memref<2000x2xf32, #tpu.memory_space<vmem>>, vector<2000x2xf32>
    %slice3A = vector.extract_strided_slice %get3A_1 {offsets = [0, 0], sizes = [2000, 1], strides = [1, 1]} : vector<2000x2xf32> to vector<2000x1xf32>
    %get3A_2 = arith.constant 0 : index
    %get3A_3 = arith.constant 0 : index
    %get3A_4 = vector.load %arg4[%get3A_2, %get3A_3] : memref<2000x2xf32, #tpu.memory_space<vmem>>, vector<2000x2xf32>
    %slice3A_5 = vector.extract_strided_slice %get3A_4 {offsets = [0, 1], sizes = [2000, 1], strides = [1, 1]} : vector<2000x2xf32> to vector<2000x1xf32>
    %add3A = arith.addf %slice3A, %slice3A_5 : vector<2000x1xf32>
    %max3A = arith.constant 1.000000e+00 : f32
    %max3A_6 = vector.broadcast %max3A : f32 to vector<2000x1xf32>
    %max3A_7 = arith.maximumf %add3A, %max3A_6 : vector<2000x1xf32>
    %get3A_8 = arith.constant 0 : index
    %get3A_9 = arith.constant 0 : index
    %get3A_10 = vector.load %arg2[%get3A_8, %get3A_9] : memref<2000x128xf32, #tpu.memory_space<vmem>>, vector<2000x128xf32>
    %get3A_11 = arith.constant 0 : index
    %get3A_12 = arith.constant 0 : index
    %get3A_13 = vector.load %arg3[%get3A_11, %get3A_12] : memref<2000x128xf32, #tpu.memory_space<vmem>>, vector<2000x128xf32>
    %add3A_14 = arith.addf %get3A_10, %get3A_13 : vector<2000x128xf32>
    %div3A = vector.broadcast %max3A_7 : vector<2000x1xf32> to vector<2000x128xf32>
    %div3A_15 = arith.divf %add3A_14, %div3A : vector<2000x128xf32>
    %get3A_16 = arith.constant 0 : index
    %get3A_17 = arith.constant 0 : index
    %get3A_18 = vector.load %arg1[%get3A_16, %get3A_17] : memref<2000x128xf32, #tpu.memory_space<vmem>>, vector<2000x128xf32>
    %get3A_19 = arith.constant 0 : index
    %get3A_20 = arith.constant 0 : index
    %get3A_21 = vector.load %arg5[%get3A_19, %get3A_20] : memref<128x128xf32, #tpu.memory_space<vmem>>, vector<128x128xf32>
    %dot_general3A = arith.constant dense<0.000000e+00> : vector<2000x128xf32>
    %dot_general3A_22 = tpu.matmul %get3A_18, %get3A_21, %dot_general3A {dimension_numbers = #tpu.dot_dimension_numbers<[1], [0], [0], [1], [0, 0, 1, 1], [], []>, transpose_lhs_hint = false} : vector<2000x128xf32>, vector<128x128xf32>, vector<2000x128xf32> -> vector<2000x128xf32>
    %get3A_23 = arith.constant 0 : index
    %get3A_24 = arith.constant 0 : index
    %get3A_25 = vector.load %arg6[%get3A_23, %get3A_24] : memref<128x128xf32, #tpu.memory_space<vmem>>, vector<128x128xf32>
    %dot_general3A_26 = arith.constant dense<0.000000e+00> : vector<2000x128xf32>
    %dot_general3A_27 = tpu.matmul %div3A_15, %get3A_25, %dot_general3A_26 {dimension_numbers = #tpu.dot_dimension_numbers<[1], [0], [0], [1], [0, 0, 1, 1], [], []>, transpose_lhs_hint = false} : vector<2000x128xf32>, vector<128x128xf32>, vector<2000x128xf32> -> vector<2000x128xf32>
    %add3A_28 = arith.addf %dot_general3A_22, %dot_general3A_27 : vector<2000x128xf32>
    %get3A_29 = arith.constant 0 : index
    %get3A_30 = arith.constant 0 : index
    %get3A_31 = vector.load %arg7[%get3A_29, %get3A_30] : memref<1x128xf32, #tpu.memory_space<vmem>>, vector<1x128xf32>
    %add3A_32 = vector.broadcast %get3A_31 : vector<1x128xf32> to vector<2000x128xf32>
    %add3A_33 = arith.addf %add3A_28, %add3A_32 : vector<2000x128xf32>
    %max3A_34 = arith.constant 0.000000e+00 : f32
    %max3A_35 = vector.broadcast %max3A_34 : f32 to vector<2000x128xf32>
    %max3A_36 = arith.maximumf %add3A_33, %max3A_35 : vector<2000x128xf32>
    %swap3A = arith.constant 0 : index
    %swap3A_37 = arith.constant 0 : index
    %swap3A_38 = vector.load %arg8[%swap3A, %swap3A_37] : memref<2000x128xf32, #tpu.memory_space<vmem>>, vector<2000x128xf32>
    tpu.vector_store %arg8[%swap3A, %swap3A_37], %max3A_36 {strides = array<i32>} : memref<2000x128xf32, #tpu.memory_space<vmem>>, vector<2000x128xf32>,
    return
  }
  func.func @transform_0(%arg0: i32) -> (i32, i32) {
    %c0_i32 = arith.constant 0 : i32
    %c0_i32_0 = arith.constant 0 : i32
    return %arg0, %c0_i32 : i32, i32
  }
  func.func @transform_1(%arg0: i32) -> (i32, i32) {
    %c0_i32 = arith.constant 0 : i32
    %c0_i32_0 = arith.constant 0 : i32
    return %arg0, %c0_i32 : i32, i32
  }
  func.func @transform_2(%arg0: i32) -> (i32, i32) {
    %c0_i32 = arith.constant 0 : i32
    %c0_i32_0 = arith.constant 0 : i32
    return %arg0, %c0_i32 : i32, i32
  }
  func.func @transform_3(%arg0: i32) -> (i32, i32) {
    %c0_i32 = arith.constant 0 : i32
    %c0_i32_0 = arith.constant 0 : i32
    return %arg0, %c0_i32 : i32, i32
  }
  func.func @transform_4(%arg0: i32) -> (i32, i32) {
    %c0_i32 = arith.constant 0 : i32
    %c0_i32_0 = arith.constant 0 : i32
    %c0_i32_1 = arith.constant 0 : i32
    return %c0_i32, %c0_i32_0 : i32, i32
  }
  func.func @transform_5(%arg0: i32) -> (i32, i32) {
    %c0_i32 = arith.constant 0 : i32
    %c0_i32_0 = arith.constant 0 : i32
    %c0_i32_1 = arith.constant 0 : i32
    return %c0_i32, %c0_i32_0 : i32, i32
  }
  func.func @transform_6(%arg0: i32) -> (i32, i32) {
    %c0_i32 = arith.constant 0 : i32
    %c0_i32_0 = arith.constant 0 : i32
    %c0_i32_1 = arith.constant 0 : i32
    return %c0_i32, %c0_i32_0 : i32, i32
  }
  func.func @transform_7(%arg0: i32) -> (i32, i32) {
    %c0_i32 = arith.constant 0 : i32
    %c0_i32_0 = arith.constant 0 : i32
    return %arg0, %c0_i32 : i32, i32
  }
}

module attributes {stable_mosaic.version = 14 : i64} {
  func.func @_sage_body(%arg0: i32, %arg1: memref<2048x128xf32, #tpu.memory_space<vmem>>, %arg2: memref<2048x128xf32, #tpu.memory_space<vmem>>, %arg3: memref<2048x128xf32, #tpu.memory_space<vmem>>, %arg4: memref<2048x2xf32, #tpu.memory_space<vmem>>, %arg5: memref<128x128xf32, #tpu.memory_space<vmem>>, %arg6: memref<128x128xf32, #tpu.memory_space<vmem>>, %arg7: memref<1x128xf32, #tpu.memory_space<vmem>>, %arg8: memref<2048x128xf32, #tpu.memory_space<vmem>>) attributes {dimension_semantics = [#tpu.dimension_semantics<arbitrary>], iteration_bounds = array<i64: 1>, scalar_prefetch = 0 : i64, scratch_operands = 0 : i64, tpu.core_type = #tpu.core_type<tc>, window_params = [{transform_indices = @transform_0, window_bounds = array<i64: 2048, 128>}, {transform_indices = @transform_1, window_bounds = array<i64: 2048, 128>}, {transform_indices = @transform_2, window_bounds = array<i64: 2048, 128>}, {transform_indices = @transform_3, window_bounds = array<i64: 2048, 2>}, {pipeline_mode = #tpu.pipeline_mode<synchronous>, transform_indices = @transform_4, window_bounds = array<i64: 128, 128>}, {pipeline_mode = #tpu.pipeline_mode<synchronous>, transform_indices = @transform_5, window_bounds = array<i64: 128, 128>}, {pipeline_mode = #tpu.pipeline_mode<synchronous>, transform_indices = @transform_6, window_bounds = array<i64: 1, 128>}, {transform_indices = @transform_7, window_bounds = array<i64: 2048, 128>}]} {
    %get3A = arith.constant 0 : index
    %get3A_0 = arith.constant 0 : index
    %get3A_1 = vector.load %arg4[%get3A, %get3A_0] : memref<2048x2xf32, #tpu.memory_space<vmem>>, vector<2048x2xf32>
    %slice3A = vector.extract_strided_slice %get3A_1 {offsets = [0, 0], sizes = [2048, 1], strides = [1, 1]} : vector<2048x2xf32> to vector<2048x1xf32>
    %get3A_2 = arith.constant 0 : index
    %get3A_3 = arith.constant 0 : index
    %get3A_4 = vector.load %arg4[%get3A_2, %get3A_3] : memref<2048x2xf32, #tpu.memory_space<vmem>>, vector<2048x2xf32>
    %slice3A_5 = vector.extract_strided_slice %get3A_4 {offsets = [0, 1], sizes = [2048, 1], strides = [1, 1]} : vector<2048x2xf32> to vector<2048x1xf32>
    %add3A = arith.addf %slice3A, %slice3A_5 : vector<2048x1xf32>
    %max3A = arith.constant 1.000000e+00 : f32
    %max3A_6 = vector.broadcast %max3A : f32 to vector<2048x1xf32>
    %max3A_7 = arith.maximumf %add3A, %max3A_6 : vector<2048x1xf32>
    %get3A_8 = arith.constant 0 : index
    %get3A_9 = arith.constant 0 : index
    %get3A_10 = vector.load %arg2[%get3A_8, %get3A_9] : memref<2048x128xf32, #tpu.memory_space<vmem>>, vector<2048x128xf32>
    %get3A_11 = arith.constant 0 : index
    %get3A_12 = arith.constant 0 : index
    %get3A_13 = vector.load %arg3[%get3A_11, %get3A_12] : memref<2048x128xf32, #tpu.memory_space<vmem>>, vector<2048x128xf32>
    %add3A_14 = arith.addf %get3A_10, %get3A_13 : vector<2048x128xf32>
    %div3A = vector.broadcast %max3A_7 : vector<2048x1xf32> to vector<2048x128xf32>
    %div3A_15 = arith.divf %add3A_14, %div3A : vector<2048x128xf32>
    %get3A_16 = arith.constant 0 : index
    %get3A_17 = arith.constant 0 : index
    %get3A_18 = vector.load %arg1[%get3A_16, %get3A_17] : memref<2048x128xf32, #tpu.memory_space<vmem>>, vector<2048x128xf32>
    %get3A_19 = arith.constant 0 : index
    %get3A_20 = arith.constant 0 : index
    %get3A_21 = vector.load %arg5[%get3A_19, %get3A_20] : memref<128x128xf32, #tpu.memory_space<vmem>>, vector<128x128xf32>
    %dot_general3A = arith.constant dense<0.000000e+00> : vector<2048x128xf32>
    %dot_general3A_22 = tpu.matmul %get3A_18, %get3A_21, %dot_general3A {dimension_numbers = #tpu.dot_dimension_numbers<[1], [0], [0], [1], [0, 0, 1, 1], [], []>, transpose_lhs_hint = false} : vector<2048x128xf32>, vector<128x128xf32>, vector<2048x128xf32> -> vector<2048x128xf32>
    %get3A_23 = arith.constant 0 : index
    %get3A_24 = arith.constant 0 : index
    %get3A_25 = vector.load %arg6[%get3A_23, %get3A_24] : memref<128x128xf32, #tpu.memory_space<vmem>>, vector<128x128xf32>
    %dot_general3A_26 = arith.constant dense<0.000000e+00> : vector<2048x128xf32>
    %dot_general3A_27 = tpu.matmul %div3A_15, %get3A_25, %dot_general3A_26 {dimension_numbers = #tpu.dot_dimension_numbers<[1], [0], [0], [1], [0, 0, 1, 1], [], []>, transpose_lhs_hint = false} : vector<2048x128xf32>, vector<128x128xf32>, vector<2048x128xf32> -> vector<2048x128xf32>
    %add3A_28 = arith.addf %dot_general3A_22, %dot_general3A_27 : vector<2048x128xf32>
    %get3A_29 = arith.constant 0 : index
    %get3A_30 = arith.constant 0 : index
    %get3A_31 = vector.load %arg7[%get3A_29, %get3A_30] : memref<1x128xf32, #tpu.memory_space<vmem>>, vector<1x128xf32>
    %add3A_32 = vector.broadcast %get3A_31 : vector<1x128xf32> to vector<2048x128xf32>
    %add3A_33 = arith.addf %add3A_28, %add3A_32 : vector<2048x128xf32>
    %max3A_34 = arith.constant 0.000000e+00 : f32
    %max3A_35 = vector.broadcast %max3A_34 : f32 to vector<2048x128xf32>
    %max3A_36 = arith.maximumf %add3A_33, %max3A_35 : vector<2048x128xf32>
    %swap3A = arith.constant 0 : index
    %swap3A_37 = arith.constant 0 : index
    %swap3A_38 = vector.load %arg8[%swap3A, %swap3A_37] : memref<2048x128xf32, #tpu.memory_space<vmem>>, vector<2048x128xf32>
    tpu.vector_store %arg8[%swap3A, %swap3A_37], %max3A_36 {strides = array<i32>} : memref<2048x128xf32, #tpu.memory_space<vmem>>, vector<2048x128xf32>,
    return
  }
  func.func @transform_0(%arg0: i32) -> (i32, i32) {
    %c0_i32 = arith.constant 0 : i32
    %c0_i32_0 = arith.constant 0 : i32
    return %arg0, %c0_i32 : i32, i32
  }
  func.func @transform_1(%arg0: i32) -> (i32, i32) {
    %c0_i32 = arith.constant 0 : i32
    %c0_i32_0 = arith.constant 0 : i32
    return %arg0, %c0_i32 : i32, i32
  }
  func.func @transform_2(%arg0: i32) -> (i32, i32) {
    %c0_i32 = arith.constant 0 : i32
    %c0_i32_0 = arith.constant 0 : i32
    return %arg0, %c0_i32 : i32, i32
  }
  func.func @transform_3(%arg0: i32) -> (i32, i32) {
    %c0_i32 = arith.constant 0 : i32
    %c0_i32_0 = arith.constant 0 : i32
    return %arg0, %c0_i32 : i32, i32
  }
  func.func @transform_4(%arg0: i32) -> (i32, i32) {
    %c0_i32 = arith.constant 0 : i32
    %c0_i32_0 = arith.constant 0 : i32
    %c0_i32_1 = arith.constant 0 : i32
    return %c0_i32, %c0_i32_0 : i32, i32
  }
  func.func @transform_5(%arg0: i32) -> (i32, i32) {
    %c0_i32 = arith.constant 0 : i32
    %c0_i32_0 = arith.constant 0 : i32
    %c0_i32_1 = arith.constant 0 : i32
    return %c0_i32, %c0_i32_0 : i32, i32
  }
  func.func @transform_6(%arg0: i32) -> (i32, i32) {
    %c0_i32 = arith.constant 0 : i32
    %c0_i32_0 = arith.constant 0 : i32
    %c0_i32_1 = arith.constant 0 : i32
    return %c0_i32, %c0_i32_0 : i32, i32
  }
  func.func @transform_7(%arg0: i32) -> (i32, i32) {
    %c0_i32 = arith.constant 0 : i32
    %c0_i32_0 = arith.constant 0 : i32
    return %arg0, %c0_i32 : i32, i32
  }
}

module attributes {stable_mosaic.version = 14 : i64} {
  func.func @_head_body(%arg0: i32, %arg1: memref<2048x128xf32, #tpu.memory_space<vmem>>, %arg2: memref<2048x128xf32, #tpu.memory_space<vmem>>, %arg3: memref<2048x128xf32, #tpu.memory_space<vmem>>, %arg4: memref<2048x2xf32, #tpu.memory_space<vmem>>, %arg5: memref<128x128xf32, #tpu.memory_space<vmem>>, %arg6: memref<128x128xf32, #tpu.memory_space<vmem>>, %arg7: memref<1x128xf32, #tpu.memory_space<vmem>>, %arg8: memref<1x128xf32, #tpu.memory_space<vmem>>, %arg9: memref<1x1xf32, #tpu.memory_space<vmem>>, %arg10: memref<2048x1xf32, #tpu.memory_space<vmem>>) attributes {dimension_semantics = [#tpu.dimension_semantics<arbitrary>], iteration_bounds = array<i64: 1>, scalar_prefetch = 0 : i64, scratch_operands = 0 : i64, tpu.core_type = #tpu.core_type<tc>, window_params = [{pipeline_mode = #tpu.pipeline_mode<synchronous>, transform_indices = @transform_0, window_bounds = array<i64: 2048, 128>}, {pipeline_mode = #tpu.pipeline_mode<synchronous>, transform_indices = @transform_1, window_bounds = array<i64: 2048, 128>}, {pipeline_mode = #tpu.pipeline_mode<synchronous>, transform_indices = @transform_2, window_bounds = array<i64: 2048, 128>}, {pipeline_mode = #tpu.pipeline_mode<synchronous>, transform_indices = @transform_3, window_bounds = array<i64: 2048, 2>}, {pipeline_mode = #tpu.pipeline_mode<synchronous>, transform_indices = @transform_4, window_bounds = array<i64: 128, 128>}, {pipeline_mode = #tpu.pipeline_mode<synchronous>, transform_indices = @transform_5, window_bounds = array<i64: 128, 128>}, {pipeline_mode = #tpu.pipeline_mode<synchronous>, transform_indices = @transform_6, window_bounds = array<i64: 1, 128>}, {pipeline_mode = #tpu.pipeline_mode<synchronous>, transform_indices = @transform_7, window_bounds = array<i64: 1, 128>}, {pipeline_mode = #tpu.pipeline_mode<synchronous>, transform_indices = @transform_8, window_bounds = array<i64: 1, 1>}, {pipeline_mode = #tpu.pipeline_mode<synchronous>, transform_indices = @transform_9, window_bounds = array<i64: 2048, 1>}]} {
    %get3A = arith.constant 0 : index
    %get3A_0 = arith.constant 0 : index
    %get3A_1 = vector.load %arg4[%get3A, %get3A_0] : memref<2048x2xf32, #tpu.memory_space<vmem>>, vector<2048x2xf32>
    %slice3A = vector.extract_strided_slice %get3A_1 {offsets = [0, 0], sizes = [2048, 1], strides = [1, 1]} : vector<2048x2xf32> to vector<2048x1xf32>
    %get3A_2 = arith.constant 0 : index
    %get3A_3 = arith.constant 0 : index
    %get3A_4 = vector.load %arg4[%get3A_2, %get3A_3] : memref<2048x2xf32, #tpu.memory_space<vmem>>, vector<2048x2xf32>
    %slice3A_5 = vector.extract_strided_slice %get3A_4 {offsets = [0, 1], sizes = [2048, 1], strides = [1, 1]} : vector<2048x2xf32> to vector<2048x1xf32>
    %add3A = arith.addf %slice3A, %slice3A_5 : vector<2048x1xf32>
    %max3A = arith.constant 1.000000e+00 : f32
    %max3A_6 = vector.broadcast %max3A : f32 to vector<2048x1xf32>
    %max3A_7 = arith.maximumf %add3A, %max3A_6 : vector<2048x1xf32>
    %get3A_8 = arith.constant 0 : index
    %get3A_9 = arith.constant 0 : index
    %get3A_10 = vector.load %arg2[%get3A_8, %get3A_9] : memref<2048x128xf32, #tpu.memory_space<vmem>>, vector<2048x128xf32>
    %get3A_11 = arith.constant 0 : index
    %get3A_12 = arith.constant 0 : index
    %get3A_13 = vector.load %arg3[%get3A_11, %get3A_12] : memref<2048x128xf32, #tpu.memory_space<vmem>>, vector<2048x128xf32>
    %add3A_14 = arith.addf %get3A_10, %get3A_13 : vector<2048x128xf32>
    %div3A = vector.broadcast %max3A_7 : vector<2048x1xf32> to vector<2048x128xf32>
    %div3A_15 = arith.divf %add3A_14, %div3A : vector<2048x128xf32>
    %get3A_16 = arith.constant 0 : index
    %get3A_17 = arith.constant 0 : index
    %get3A_18 = vector.load %arg1[%get3A_16, %get3A_17] : memref<2048x128xf32, #tpu.memory_space<vmem>>, vector<2048x128xf32>
    %get3A_19 = arith.constant 0 : index
    %get3A_20 = arith.constant 0 : index
    %get3A_21 = vector.load %arg5[%get3A_19, %get3A_20] : memref<128x128xf32, #tpu.memory_space<vmem>>, vector<128x128xf32>
    %dot_general3A = arith.constant dense<0.000000e+00> : vector<2048x128xf32>
    %dot_general3A_22 = tpu.matmul %get3A_18, %get3A_21, %dot_general3A {dimension_numbers = #tpu.dot_dimension_numbers<[1], [0], [0], [1], [0, 0, 1, 1], [], []>, transpose_lhs_hint = false} : vector<2048x128xf32>, vector<128x128xf32>, vector<2048x128xf32> -> vector<2048x128xf32>
    %get3A_23 = arith.constant 0 : index
    %get3A_24 = arith.constant 0 : index
    %get3A_25 = vector.load %arg6[%get3A_23, %get3A_24] : memref<128x128xf32, #tpu.memory_space<vmem>>, vector<128x128xf32>
    %dot_general3A_26 = arith.constant dense<0.000000e+00> : vector<2048x128xf32>
    %dot_general3A_27 = tpu.matmul %div3A_15, %get3A_25, %dot_general3A_26 {dimension_numbers = #tpu.dot_dimension_numbers<[1], [0], [0], [1], [0, 0, 1, 1], [], []>, transpose_lhs_hint = false} : vector<2048x128xf32>, vector<128x128xf32>, vector<2048x128xf32> -> vector<2048x128xf32>
    %add3A_28 = arith.addf %dot_general3A_22, %dot_general3A_27 : vector<2048x128xf32>
    %get3A_29 = arith.constant 0 : index
    %get3A_30 = arith.constant 0 : index
    %get3A_31 = vector.load %arg7[%get3A_29, %get3A_30] : memref<1x128xf32, #tpu.memory_space<vmem>>, vector<1x128xf32>
    %add3A_32 = vector.broadcast %get3A_31 : vector<1x128xf32> to vector<2048x128xf32>
    %add3A_33 = arith.addf %add3A_28, %add3A_32 : vector<2048x128xf32>
    %max3A_34 = arith.constant 0.000000e+00 : f32
    %max3A_35 = vector.broadcast %max3A_34 : f32 to vector<2048x128xf32>
    %max3A_36 = arith.maximumf %add3A_33, %max3A_35 : vector<2048x128xf32>
    %get3A_37 = arith.constant 0 : index
    %get3A_38 = arith.constant 0 : index
    %get3A_39 = vector.load %arg8[%get3A_37, %get3A_38] : memref<1x128xf32, #tpu.memory_space<vmem>>, vector<1x128xf32>
    %mul3A = vector.broadcast %get3A_39 : vector<1x128xf32> to vector<2048x128xf32>
    %mul3A_40 = arith.mulf %max3A_36, %mul3A : vector<2048x128xf32>
    %reduce_sum3A = arith.constant dense<0.000000e+00> : vector<2048xf32>
    %reduce_sum3A_41 = vector.multi_reduction <add>, %mul3A_40, %reduce_sum3A [1] : vector<2048x128xf32> to vector<2048xf32>
    %broadcast_in_dim3A = vector.shape_cast %reduce_sum3A_41 : vector<2048xf32> to vector<2048x1xf32>
    %get3A_42 = arith.constant 0 : index
    %get3A_43 = arith.constant 0 : index
    %get3A_44 = vector.load %arg9[%get3A_42, %get3A_43] : memref<1x1xf32, #tpu.memory_space<vmem>>, vector<1x1xf32>
    %get3A_45 = vector.extract %get3A_44[0, 0] : f32 from vector<1x1xf32>
    %add3A_46 = vector.broadcast %get3A_45 : f32 to vector<2048x1xf32>
    %add3A_47 = arith.addf %broadcast_in_dim3A, %add3A_46 : vector<2048x1xf32>
    %swap3A = arith.constant 0 : index
    %swap3A_48 = arith.constant 0 : index
    %swap3A_49 = vector.load %arg10[%swap3A, %swap3A_48] : memref<2048x1xf32, #tpu.memory_space<vmem>>, vector<2048x1xf32>
    tpu.vector_store %arg10[%swap3A, %swap3A_48], %add3A_47 {strides = array<i32>} : memref<2048x1xf32, #tpu.memory_space<vmem>>, vector<2048x1xf32>,
    return
  }
  func.func @transform_0(%arg0: i32) -> (i32, i32) {
    %c0_i32 = arith.constant 0 : i32
    %c0_i32_0 = arith.constant 0 : i32
    %c0_i32_1 = arith.constant 0 : i32
    return %c0_i32, %c0_i32_0 : i32, i32
  }
  func.func @transform_1(%arg0: i32) -> (i32, i32) {
    %c0_i32 = arith.constant 0 : i32
    %c0_i32_0 = arith.constant 0 : i32
    %c0_i32_1 = arith.constant 0 : i32
    return %c0_i32, %c0_i32_0 : i32, i32
  }
  func.func @transform_2(%arg0: i32) -> (i32, i32) {
    %c0_i32 = arith.constant 0 : i32
    %c0_i32_0 = arith.constant 0 : i32
    %c0_i32_1 = arith.constant 0 : i32
    return %c0_i32, %c0_i32_0 : i32, i32
  }
  func.func @transform_3(%arg0: i32) -> (i32, i32) {
    %c0_i32 = arith.constant 0 : i32
    %c0_i32_0 = arith.constant 0 : i32
    %c0_i32_1 = arith.constant 0 : i32
    return %c0_i32, %c0_i32_0 : i32, i32
  }
  func.func @transform_4(%arg0: i32) -> (i32, i32) {
    %c0_i32 = arith.constant 0 : i32
    %c0_i32_0 = arith.constant 0 : i32
    %c0_i32_1 = arith.constant 0 : i32
    return %c0_i32, %c0_i32_0 : i32, i32
  }
  func.func @transform_5(%arg0: i32) -> (i32, i32) {
    %c0_i32 = arith.constant 0 : i32
    %c0_i32_0 = arith.constant 0 : i32
    %c0_i32_1 = arith.constant 0 : i32
    return %c0_i32, %c0_i32_0 : i32, i32
  }
  func.func @transform_6(%arg0: i32) -> (i32, i32) {
    %c0_i32 = arith.constant 0 : i32
    %c0_i32_0 = arith.constant 0 : i32
    %c0_i32_1 = arith.constant 0 : i32
    return %c0_i32, %c0_i32_0 : i32, i32
  }
  func.func @transform_7(%arg0: i32) -> (i32, i32) {
    %c0_i32 = arith.constant 0 : i32
    %c0_i32_0 = arith.constant 0 : i32
    %c0_i32_1 = arith.constant 0 : i32
    return %c0_i32, %c0_i32_0 : i32, i32
  }
  func.func @transform_8(%arg0: i32) -> (i32, i32) {
    %c0_i32 = arith.constant 0 : i32
    %c0_i32_0 = arith.constant 0 : i32
    %c0_i32_1 = arith.constant 0 : i32
    return %c0_i32, %c0_i32_0 : i32, i32
  }
  func.func @transform_9(%arg0: i32) -> (i32, i32) {
    %c0_i32 = arith.constant 0 : i32
    %c0_i32_0 = arith.constant 0 : i32
    %c0_i32_1 = arith.constant 0 : i32
    return %c0_i32, %c0_i32_0 : i32, i32
  }
}

</mosaic_0001>

<sc_bundles>
// kernel: kernel.10.cloned.1.call-start
scs
__scs_entry_jumppad:
0x0: {  	(pc) =	sbr.rel $0x88, $3  }
0x1: {  	(tag) =	ssettag $0x0;
	lr =	simm.s32 $0x1  }
0x2: {  	[smem:$0x3F85] =	sst lr;
	_ =	strace $0xD0000000  }
0x3: {  	_ = 	snop  }
0x4: {  	_ = 	snop  }
0x5: {  	_ = 	snop  }
0x6: {  	_ = 	snop  }
0x7: {  	_ = 	snop  }
__scs_overlays_trampoline_lowered:
0x8: {  	[smem:$0x3F94] =	sst s0  }
0x9: {  	[smem:$0x3F95] =	sst s1  }
0xa: {  	[smem:$0x3F96] =	sst s2  }
0xb: {  	[smem:$0x3F97] =	sst s3  }
0xc: {  	[smem:$0x3F98] =	sst s4  }
0xd: {  	[smem:$0x3F99] =	sst s5  }
0xe: {  	[smem:$0x3F9A] =	sst s6  }
0xf: {  	[smem:$0x3F9B] =	sst s7  }
0x10: {  	[smem:$0x3F9C] =	sst s8  }
0x11: {  	[smem:$0x3F9D] =	sst s9;
	s0 =	simm.s32 @!p0 $0x0  }
0x12: {  	s1 =	sld [smem:$0x3F83];
	s0 =	simm.s32 @p0 $0x1  }
0x13: {  	[smem:$0x3F9E] =	sst s0;
	s0 =	simm.s32 @!p1 $0x0  }
0x14: {  	s2 =	sld [smem:$0x3F82];
	s0 =	simm.s32 @p1 $0x1  }
0x15: {  	[smem:$0x3F9F] =	sst s0;
	s0 =	simm.s32 @!p2 $0x0  }
0x16: {  	s3 =	sld [smem:$0x3FDB];
	s0 =	simm.s32 @p2 $0x1  }
0x17: {  	s4 =	simm.s32 $0x1BF5;
	[smem:$0x3FA1] =	sst s0  }
0x18: {  	s0 =	sld [smem:$0x3F84];
	_ =	swait.ge [sflag:s4], $0x0  }
0x19: {  	s7 =	sld [smem:$0x3F85]  }
0x1a: {  	s8 =	sadd.s32 $0xFFFFE003, lr  }
0x1b: {  	s9 =	sadd.s32 $0xFFFFFEF7, lr;
	s5 =	simm.s32 $0xFFFFFFFF;
	p2 =	slt.u32 s8, $0xFFFFF086  }
0x1c: {  	p1 =	slt.u32 s9, $0xF7A;
	s5 =	simm.s32 @!p2 $0x0  }
0x1d: {  	s5 =	simm.s32 @p1 $0x1;
	p0 =	seq.s32 s7, s2  }
0x1e: {  	s7 =	smul.u32 @!p0 $0xF7A, s2;
	p2 =	seq.s32 @!p0 s5, $0x0  }
0x1f: {  	s9 =	smul.u32 $0xF7A, s1;
	s8 =	simm.s32 @!p0 $0x1BF5;
	p2 =	por !p2, p0  }
0x20: {  	[sflag:s8] =	ssyncset.s32 @!p0 $0xFFFFF086;
	s6 =	sadd.s32 @!p0 s3, s7;
	s7 =	simm.s32 @!p0 $0x108  }
0x21: {  	s3 =	sadd.s32 s3, s9;
	s6 =	sadd.s32 @!p0 $0x88, s6;
	s7 =	simm.s32 @p2 $0x1082  }
0x22: {  	[simem:s7], [sflag:s8] =	dma.local @!p0 [hbm:s6], $0xF7A  }
0x23: {  	s9 =	sor.u32 $0xD0000000, s2;
	s6 =	simm.s32 $0x108;
	_ =	swait.ge @!p0 [sflag:s8], $0x0  }
0x24: {  	s3 =	sadd.s32 $0x88, s3;
	s6 =	simm.s32 @!p1 $0x1082;
	[sflag:s4] =	ssyncset.s32 $0xFFFFF086  }
0x25: {  	[simem:s6], [sflag:s4] =	dma.local [hbm:s3], $0xF7A  }
0x26: {  	[smem:$0x3F85] =	sst s1;
	(tag) =	ssettag s2;
	_ =	strace s9  }
0x27: {  	s1 =	sld [smem:$0x3F95]  }
0x28: {  	s2 =	sld [smem:$0x3F96]  }
0x29: {  	s4 =	sld [smem:$0x3F98]  }
0x2a: {  	p0 =	seq.s32 s5, $0x0;
	s5 =	sld [smem:$0x3F99]  }
0x2b: {  	s6 =	sld [smem:$0x3F9A]  }
0x2c: {  	s7 =	sld [smem:$0x3F9B]  }
0x2d: {  	s3 =	simm.s32 $0x108;
	s8 =	sld [smem:$0x3F9C]  }
0x2e: {  	s3 =	simm.s32 @!p0 $0x1082;
	s9 =	sld [smem:$0x3F9D]  }
0x2f: {  	lr =	sadd.s32 s0, s3;
	s0 =	sld [smem:$0x3F94]  }
0x30: {  	s3 =	sld [smem:$0x3F97]  }
0x31: {  	[smem:$0x3FA0] =	sst s10  }
0x32: {  	s10 =	sld [smem:$0x3F9E];
	_ =	sdelay $0x3  }
0x33: {  	p0 =	seq.s32 s10, $0x1;
	s10 =	sld [smem:$0x3FA0];
	_ =	sdelay $0x3  }
0x34: {  	[smem:$0x3FA0] =	sst s10  }
0x35: {  	s10 =	sld [smem:$0x3F9F];
	_ =	sdelay $0x3  }
0x36: {  	p1 =	seq.s32 s10, $0x1;
	s10 =	sld [smem:$0x3FA0];
	_ =	sdelay $0x3  }
0x37: {  	[smem:$0x3FA0] =	sst s10  }
0x38: {  	s10 =	sld [smem:$0x3FA1]  }
0x39: {  	_ = 	snop;
	(pc) =	sbr.ind lr, $3  }
0x3a: {  	_ = 	snop  }
0x3b: {  	_ = 	snop  }
0x3c: {  	p2 =	seq.s32 s10, $0x1;
	s10 =	sld [smem:$0x3FA0]  }
0x3d: {  	_ =	shalt  }
0x3e: {  	_ =	shalt  }
0x3f: {  	_ =	shalt  }
0x40: {  	_ =	shalt  }
0x41: {  	_ =	shalt  }
0x42: {  	_ =	shalt  }
0x43: {  	_ =	shalt  }
0x44: {  	_ =	shalt  }
0x45: {  	_ =	shalt  }
0x46: {  	_ =	shalt  }
0x47: {  	_ =	shalt  }
0x48: {  	_ =	shalt  }
0x49: {  	_ =	shalt  }
0x4a: {  	_ =	shalt  }
0x4b: {  	_ =	shalt  }
0x4c: {  	_ =	shalt  }
0x4d: {  	_ =	shalt  }
0x4e: {  	_ =	shalt  }
0x4f: {  	_ =	shalt  }
0x50: {  	_ =	shalt  }
0x51: {  	_ =	shalt  }
0x52: {  	_ =	shalt  }
0x53: {  	_ =	shalt  }
0x54: {  	_ =	shalt  }
0x55: {  	_ =	shalt  }
0x56: {  	_ =	shalt  }
0x57: {  	_ =	shalt  }
0x58: {  	_ =	shalt  }
0x59: {  	_ =	shalt  }
0x5a: {  	_ =	shalt  }
0x5b: {  	_ =	shalt  }
0x5c: {  	_ =	shalt  }
0x5d: {  	_ =	shalt  }
0x5e: {  	_ =	shalt  }
0x5f: {  	_ =	shalt  }
0x60: {  	_ =	shalt  }
0x61: {  	_ =	shalt  }
0x62: {  	_ =	shalt  }
0x63: {  	_ =	shalt  }
0x64: {  	_ =	shalt  }
0x65: {  	_ =	shalt  }
0x66: {  	_ =	shalt  }
0x67: {  	_ =	shalt  }
0x68: {  	_ =	shalt  }
0x69: {  	_ =	shalt  }
0x6a: {  	_ =	shalt  }
0x6b: {  	_ =	shalt  }
0x6c: {  	_ =	shalt  }
0x6d: {  	_ =	shalt  }
0x6e: {  	_ =	shalt  }
0x6f: {  	_ =	shalt  }
0x70: {  	_ =	shalt  }
0x71: {  	_ =	shalt  }
0x72: {  	_ =	shalt  }
0x73: {  	_ =	shalt  }
0x74: {  	_ =	shalt  }
0x75: {  	_ =	shalt  }
0x76: {  	_ =	shalt  }
0x77: {  	_ =	shalt  }
0x78: {  	_ =	shalt  }
0x79: {  	_ =	shalt  }
0x7a: {  	_ =	shalt  }
0x7b: {  	_ =	shalt  }
0x7c: {  	_ =	shalt  }
0x7d: {  	_ =	shalt  }
0x7e: {  	_ =	shalt  }
0x7f: {  	_ =	shalt  }
0x80: {  	_ =	shalt  }
0x81: {  	_ =	shalt  }
0x82: {  	_ =	shalt  }
0x83: {  	_ =	shalt  }
0x84: {  	_ =	shalt  }
0x85: {  	_ =	shalt  }
0x86: {  	_ =	shalt  }
0x87: {  	_ =	shalt  }
.Lfunc_end0:
.L_simem_size_0:
called_computation_lowered:
.L_overlay_start_0:
0x88: {  	s2 =	sld [smem:$0x3FD9]  }
0x89: {  	s3 =	sld [smem:$0x3FFE];
	_ =	sdelay $0x1  }
0x8a: {  	s1 =	srdreg.scid  }
0x8b: {  	s0 =	sand.u32 $0x1, s1  }
0x8c: {  	s17 =	sshll.u32 s0, $0xA;
	s2 =	sadd.s32 s3, s2  }
0x8d: {  	s2 =	sadd.s32 s2, s17  }
0x8e: {  	[smem:$0x3FAC] =	sst s2  }
0x8f: {  	_ = 	snop  }
0x90: {  	s18 =	sld [smem:$0x3FD0];
	(tm) =	ssettm $0x1  }
0x91: {  	s19 =	sld [smem:$0x3FFB];
	_ =	sdelay $0x3  }
0x92: {  	_ =	strace s19  }
0x93: {  	s2 =	sld [smem:$0x3FFC];
	_ =	sdelay $0x3  }
0x94: {  	_ =	strace s2  }
0x95: {  	s2 =	sld [smem:$0x3FFD];
	_ =	sdelay $0x3  }
0x96: {  	_ =	strace s2  }
0x97: {  	_ =	strace $0x8FFFFFFF  }
0x98: {  	s20 =	sld [smem:$0x3FDB];
	_ =	sdelay $0x1  }
0x99: {  	s4 =	simm.s32 $_scs_section_size  }
0x9a: {  	s5 =	simm.s32 $_size__tile_overlayer_lowered;
	s6 =	simm.s32 $_tile_overlayer_lowered  }
0x9b: {  	s7 =	simm.s32 $0x1BFF;
	s21 =	sshll.u32 s6, $0x1;
	s4 =	sadd.s32 s4, s20  }
0x9c: {  	s22 =	simm.s32 $0x0;
	s5 =	sshll.u32 s5, $0x1;
	s6 =	sadd.s32 s21, s4  }
0x9d: {  	[timem:s22], [sflag:s7] =	dma.local [hbm:s6], s5  }
0x9e: {  	_ =	swait.ge [sflag:s7], s5  }
0x9f: {  	s5 =	ssub.s32 $0x0, s5;
	[sflag:s7] =	ssyncset.done $0x0  }
0xa0: {  	[sflag:s7] =	ssyncadd.s32 s5;
	_ =	sdelay $0x1  }
0xa1: {  	s23 =	simm.s32 $0x1B8B  }
0xa2: {  	_ =	swait.ge [sflag:s23], $0x1  }
0xa3: {  	[sflag:s23] =	ssyncset.done $0x0  }
0xa4: {  	[sflag:s23] =	ssyncadd.s32 $0xFFFFFFFF  }
0xa5: {  	s5 =	sld [smem:$0x0]  }
0xa6: {  	s6 =	sand.u32 $0xFFFFFFFE, s1  }
0xa7: {  	p0 =	sne.s32 s1, s6  }
0xa8: {  	s6 =	sshll.u32 @p0 s6, $0xE  }
0xa9: {  	s6 =	sadd.s32 @p0 $0x11B8D, s6;
	s7 =	sshll.u32 @p0 s5, $0x11  }
0xaa: {  	s6 =	sor.u32 @p0 s7, s6  }
0xab: {  	[sflag:s6] =	ssyncadd.remote.s32 @p0 $0x1;
	_ =	sdelay $0x1  }
0xac: {  	s6 =	simm.s32 @p0 $0x1B8D  }
0xad: {  	_ =	swait.eq @p0 [sflag:s6], $0x1  }
0xae: {  	[sflag:s6] =	ssyncadd.s32 @p0 $0xFFFFFFFF  }
0xaf: {  	s7 =	sshll.u32 @!p0 s1, $0xE  }
0xb0: {  	s7 =	sor.u32 @!p0 $0x4000, s7;
	s6 =	simm.s32 @!p0 $0x1B8D  }
0xb1: {  	s5 =	sshll.u32 @!p0 s5, $0x11;
	s7 =	sadd.s32 @!p0 $0x11B8D, s7;
	_ =	swait.eq @!p0 [sflag:s6], $0x1  }
0xb2: {  	s5 =	sor.u32 @!p0 s5, s7;
	[sflag:s6] =	ssyncadd.s32 @!p0 $0xFFFFFFFF  }
0xb3: {  	s25 =	simm.s32 $0x1B8E;
	s24 =	sld [smem:$0x3FFE];
	[sflag:s5] =	ssyncadd.remote.s32 @!p0 $0x1  }
0xb4: {  	s26 =	simm.s32 $execute0_lowered;
	[smem:$0x3FD2] =	sst s25  }
0xb5: {  	s6 =	sshll.u32 s26, $0x1;
	_ =	strace $0x80000049;
	[dreg:$0x1] =	wrdreg $0xFFFFFFFF  }
0xb6: {  	s28 =	simm.s32 $_size_execute0_lowered;
	s4 =	sadd.s32 s4, s6;
	[dreg:$0x0] =	wrdreg $0x0  }
0xb7: {  	s6 =	sshll.u32 s28, $0x1;
	[dreg:$0x2] =	wrdreg s4  }
0xb8: {  	[dreg:$0x3] =	wrdreg s6  }
0xb9: {  	[dreg:$0x4] =	wrdreg $0xC0  }
0xba: {  	_ =	task [dreg:s22], $0x5FFFF  }
0xbb: {  	[dreg:$0x1] =	wrdreg $0xFFFFFFFF  }
0xbc: {  	[dreg:$0x0] =	wrdreg $0x60  }
0xbd: {  	[dreg:$0x2] =	wrdreg s24  }
0xbe: {  	[dreg:$0x3] =	wrdreg s18  }
0xbf: {  	[dreg:$0x4] =	wrdreg $0xA8800  }
0xc0: {  	[dreg:$0x5] =	wrdreg $0x1E8800  }
0xc1: {  	[dreg:$0x6] =	wrdreg $0x9  }
0xc2: {  	_ =	task.clear_ibuf [dreg:s22], $0x7FFFF;
	_ =	strace $0x90000049  }
0xc3: {  	s29 =	simm.s32 $0x9;
	_ =	strace $0x8000004B  }
0xc4: {  	_ =	swait.ge [sflag:s29], $0x1  }
0xc5: {  	[sflag:s29] =	ssyncadd.s32 $0xFFFFFFFF  }
0xc6: {  	_ =	strace $0x9000004B  }
0xc7: {  	_ =	sfence  }
0xc8: {  	s30 =	sld [smem:$0x0];
	_ =	sdelay $0x2  }
0xc9: {  	s31 =	sshll.u32 s1, $0xD;
	s1 =	sshrl.u32 s1, $0x2  }
0xca: {  	s4 =	sand.u32 $0x4000, s31;
	s1 =	sadd.s32 s1, s30  }
0xcb: {  	s0 =	sor.u32 s4, s0;
	s1 =	sshll.u32 s1, $0x11  }
0xcc: {  	s0 =	sor.u32 s1, s0  }
0xcd: {  	s0 =	sadd.s32 $0x8F2B, s0  }
0xce: {  	[sflag:s0] =	ssyncadd.remote.s32 $0x1  }
0xcf: {  	_ =	sfence.sel $0xFFFF  }
0xd0: {  	[dreg:$0x0] =	wrdreg $0xFFFFFFFF;
	(pc) =	sbr.abs _section_cstart, $3  }
0xd1: {  	[dreg:$0x1] =	wrdreg $0xFFFFFFFF  }
0xd2: {  	_ =	task.clear_ibuf [dreg:s22], $0x2FFFF;
	_ =	strace $0x9FFFFFFF  }
0xd3: {  	(tm) =	ssettm $0x7FFFFFFF  }
tec
execute0_lowered:
.L_overlay_start_1:
0x0: {  	(tag) =	ssettag $0x1  }
0x1: {  	s0 =	rddreg [dreg:$0x0]  }
0x2: {  	s2 =	rddreg [dreg:$0x2]  }
0x3: {  	s3 =	rddreg [dreg:$0x3]  }
0x4: {  	s4 =	simm.s32 $0x0;
	s1 =	srdreg.scid;
	s9 =	stileid.u32  }
0x5: {  	s18 =	simm.s32 $0x1400;
	s19 =	simm.s32 $0x80;
	s20 =	simm.s32 $0x2880  }
0x6: {  	s21 =	simm.s32 $0x6880;
	s23 =	simm.s32 $0x1;
	s28 =	simm.s32 $0x2700  }
0x7: {  	s29 =	simm.s32 $0x2780;
	[smem:$0x7FF] =	sst s4;
	s12 =	smul.u32 $0x50000, s9  }
0x8: {  	s1 =	sand.u32 $0x1, s1;
	s5 =	sadd.s32 $0x93C00, s0;
	s13 =	smul.u32 $0xA00, s9  }
0x9: {  	s6 =	sadd.s32 $0xC4E00, s0;
	s8 =	sadd.s32 $0xBAE00, s0;
	s31 =	smul.u32 $0x28, s9  }
0xa: {  	s7 =	sadd.s32 $0x40800, s0;
	s10 =	sadd.s32 $0x43000, s0;
	s16 =	smul.u32 $0x78, s9  }
0xb: {  	s15 =	sshll.u32 s9, $0x6;
	s22 =	smul.u32 $0x2800, s9;
	_ =	strace $0x8000004A  }
0xc: {  	s24 =	smul.u32 $0x28000, s1;
	[dreg:$0x5] =	wrdreg s7;
	s11 =	ssub.s32 $0x2, s1  }
0xd: {  	s25 =	sshll.u32 s1, $0x4;
	p0 =	seq.s32 s1, $0x0;
	s26 =	sshrl.u32 s11, $0x1  }
0xe: {  	s30 =	sshrl.u32 s12, $0x2;
	s13 =	sshrl.u32 s13, $0x2;
	s12 =	sor.u32 $0x1C03, s15  }
0xf: {  	s15 =	simm.s32 $0x3;
	s4 =	sadd.s32 s24, s0;
	s0 =	sadd.s32 s25, s0  }
0x10: {  	s7 =	ssub.s32 s11, s26;
	s14 =	sadd.s32 s30, s2;
	s11 =	sadd.s32 $0x780, s31  }
0x11: {  	s17 =	sadd.s32 s13, s3;
	s24 =	smul.u32 $0xA0, s9;
	s25 =	simm.s32 $0x2  }
0x12: {  	s26 =	simm.s32 $0x1380;
	s11 =	smov.u32 @p0 s16;
	s4 =	sadd.s32 $0xCF800, s4  }
0x13: {  	s0 =	sadd.s32 $0xCEE00, s0;
	s13 =	smax.u32 s7, $0x1;
	s14 =	sshrl.u32 s14, $0x3  }
0x14: {  	s16 =	sshrl.u32 s17, $0x3;
	s17 =	simm.s32 $0x2800;
	p0 =	sne.s32 s1, $0x0  }
0x15: {  	s22 =	sadd.s32 s22, s4;
	s24 =	sadd.s32 s24, s0;
	s0 =	simm.s32 $0x0  }
.LBB2_1:
0x16: {  	s1 =	rddreg [dreg:$0x5]  }
0x17: {  	[spmem:s14], [sflag:s12] =	dma.local [hbm:s1], $0x2800  }
0x18: {  	_ =	swait.ge [sflag:s15], $0x2800  }
0x19: {  	[sflag:s15] =	ssyncset.done $0x0  }
0x1a: {  	[sflag:s15] =	ssyncadd.s32 $0xFFFFD800  }
0x1b: {  	s30 =	rddreg [dreg:$0x1]  }
0x1c: {  	[spmem:s16], [sflag:s12] =	dma.local [hbm:s30], $0x50  }
0x1d: {  	_ =	swait.ge [sflag:s15], $0x50  }
0x1e: {  	[sflag:s15] =	ssyncset.done $0x0  }
0x1f: {  	s31 =	simm.s32 $0x0;
	[sflag:s15] =	ssyncadd.s32 $0xFFFFFFB0  }
0x20: {  	[tilespmem:s17], [sflag:$0x3] =	stream.linear.gather [hbm4b:s10+s31], $0x80, $0x38;
	[tilespmem:$0x1EB00] =	vst v63  }
0x21: {  	_ =	swait.ge [sflag:s15], $0x80  }
0x22: {  	[sflag:s15] =	ssyncset.done $0x0  }
0x23: {  	[sflag:s15] =	ssyncadd.s32 $0xFFFFFF80  }
0x24: {  	s7 =	simm.s32 $0x0;
	[bflag:$0x0] =	sbarrier.arrive $0xFFFF  }
.LBB2_2:
0x25: {  	s1 =	smul.u32 $0x28, s7;
	_ =	sdelay $0x1  }
0x26: {  	s1 =	sadd.s32 s11, s1  }
0x27: {  	s1 =	sshll.u32 s1, $0x4  }
0x28: {  	s30 =	simm.s32 $0x0;
	s4 =	sadd.s32 s6, s1  }
0x29: {  	[tilespmem:s30], [sflag:$0x3] =	stream.linear.gather [hbm4b:s4+s30], $0x1400, $0x38;
	[tilespmem:$0x1EB00] =	vst v63  }
0x2a: {  	_ =	swait.ge [sflag:s15], $0x1400  }
0x2b: {  	[sflag:s15] =	ssyncset.done $0x0  }
0x2c: {  	s1 =	sadd.s32 s8, s1;
	[sflag:s15] =	ssyncadd.s32 $0xFFFFEC00  }
0x2d: {  	[tilespmem:s18], [sflag:$0x3] =	stream.linear.gather [hbm4b:s1+s30], $0x1400, $0x38;
	[tilespmem:$0x1EB00] =	vst v63  }
0x2e: {  	_ =	swait.ge [sflag:s15], $0x1400  }
0x2f: {  	[sflag:s15] =	ssyncset.done $0x0  }
0x30: {  	[sflag:s15] =	ssyncadd.s32 $0xFFFFEC00  }
0x31: {  	[tilespmem:s20], [sflag:$0x1] =	stream.indirect.gather [hbm4b:s5+s19], $0x80, s30, s19, $0xb8;
	[tilespmem:$0x1EB00] =	vst v63  }
0x32: {  	s4 =	simm.s32 $0x80  }
0x33: {  	[tilespmem:s21], [sflag:$0x2] =	stream.indirect.gather [hbm4b:s5+s19], $0x80, s4, s19, $0xb8;
	[tilespmem:$0x1EB00] =	vst v63  }
0x34: {  	_ =	swait.ge [sflag:s23], $0x4000  }
0x35: {  	[sflag:s23] =	ssyncset.done $0x0  }
0x36: {  	s9 =	simm.s32 $0x1400;
	[sflag:s23] =	ssyncadd.s32 $0xFFFFC000  }
0x37: {  	[spmem:s2] =	stream.indirect.scatter.add.f32 [tilespmem:s20], [sflag:$0x3], $0x80, s9, s19, $0xb8;
	[tilespmem:$0x1EB00] =	vst v63  }
0x38: {  	_ =	swait.ge [sflag:s15], $0x4000  }
0x39: {  	[sflag:s15] =	ssyncset.done $0x0  }
0x3a: {  	[sflag:s15] =	ssyncadd.s32 $0xFFFFC000  }
0x3b: {  	[spmem:s3] =	stream.indirect.scatter.add.f32 [tilespmem:s17], [sflag:$0x3], $0x1, s9, s19, $0xb8;
	[tilespmem:$0x1EB00] =	vst v63  }
0x3c: {  	_ =	swait.ge [sflag:s15], $0x80  }
0x3d: {  	[sflag:s15] =	ssyncset.done $0x0  }
0x3e: {  	s30 =	simm.s32 $0x100;
	[sflag:s15] =	ssyncadd.s32 $0xFFFFFF80  }
0x3f: {  	[tilespmem:s20], [sflag:$0x1] =	stream.indirect.gather [hbm4b:s5+s19], $0x80, s30, s19, $0xb8;
	[tilespmem:$0x1EB00] =	vst v63  }
0x40: {  	_ =	swait.ge [sflag:s25], $0x4000  }
0x41: {  	[sflag:s25] =	ssyncset.done $0x0  }
0x42: {  	s31 =	simm.s32 $0x1480;
	[sflag:s25] =	ssyncadd.s32 $0xFFFFC000  }
0x43: {  	[spmem:s2] =	stream.indirect.scatter.add.f32 [tilespmem:s21], [sflag:$0x3], $0x80, s31, s19, $0xb8;
	[tilespmem:$0x1EB00] =	vst v63  }
0x44: {  	_ =	swait.ge [sflag:s15], $0x4000  }
0x45: {  	[sflag:s15] =	ssyncset.done $0x0  }
0x46: {  	[sflag:s15] =	ssyncadd.s32 $0xFFFFC000  }
0x47: {  	[spmem:s3] =	stream.indirect.scatter.add.f32 [tilespmem:s17], [sflag:$0x3], $0x1, s31, s19, $0xb8;
	[tilespmem:$0x1EB00] =	vst v63  }
0x48: {  	_ =	swait.ge [sflag:s15], $0x80  }
0x49: {  	s1 =	simm.s32 $0x100;
	s4 =	simm.s32 $0x800;
	[sflag:s15] =	ssyncset.done $0x0  }
.LBB2_3:
0x4a: {  	s30 =	sadd.s32 $0x80, s1  }
0x4b: {  	[sflag:s15] =	ssyncadd.s32 $0xFFFFFF80;
	s31 =	smov.u32 s4;
	s9 =	sadd.s32 $0x400, s4  }
0x4c: {  	[tilespmem:s21], [sflag:$0x2] =	stream.indirect.gather [hbm4b:s5+s19], $0x80, s30, s19, $0xb8;
	[tilespmem:$0x1EB00] =	vst v63  }
0x4d: {  	p1 =	sne.s32 s4, $0x4800;
	_ =	swait.ge [sflag:s23], $0x4000  }
0x4e: {  	[sflag:s23] =	ssyncset.done $0x0  }
0x4f: {  	s4 =	sadd.s32 $0x1400, s1;
	[sflag:s23] =	ssyncadd.s32 $0xFFFFC000  }
0x50: {  	[spmem:s2] =	stream.indirect.scatter.add.f32 [tilespmem:s20], [sflag:$0x3], $0x80, s4, s19, $0xb8;
	[tilespmem:$0x1EB00] =	vst v63  }
0x51: {  	_ =	swait.ge [sflag:s15], $0x4000  }
0x52: {  	[sflag:s15] =	ssyncset.done $0x0  }
0x53: {  	[sflag:s15] =	ssyncadd.s32 $0xFFFFC000  }
0x54: {  	[spmem:s3] =	stream.indirect.scatter.add.f32 [tilespmem:s17], [sflag:$0x3], $0x1, s4, s19, $0xb8;
	[tilespmem:$0x1EB00] =	vst v63  }
0x55: {  	_ =	swait.ge [sflag:s15], $0x80  }
0x56: {  	[sflag:s15] =	ssyncset.done $0x0  }
0x57: {  	s4 =	sadd.s32 $0x100, s1;
	[sflag:s15] =	ssyncadd.s32 $0xFFFFFF80  }
0x58: {  	[tilespmem:s20], [sflag:$0x1] =	stream.indirect.gather [hbm4b:s5+s19], $0x80, s4, s19, $0xb8;
	[tilespmem:$0x1EB00] =	vst v63  }
0x59: {  	_ =	swait.ge [sflag:s25], $0x4000  }
0x5a: {  	[sflag:s25] =	ssyncset.done $0x0  }
0x5b: {  	s1 =	sadd.s32 $0x1480, s1;
	[sflag:s25] =	ssyncadd.s32 $0xFFFFC000  }
0x5c: {  	[spmem:s2] =	stream.indirect.scatter.add.f32 [tilespmem:s21], [sflag:$0x3], $0x80, s1, s19, $0xb8;
	[tilespmem:$0x1EB00] =	vst v63  }
0x5d: {  	_ =	swait.ge [sflag:s15], $0x4000  }
.Ltmp0:
0x5e: {  	[sflag:s15] =	ssyncset.done $0x0;
	(pc) =	sbr.rel @p1 .LBB2_3-.Ltmp0, $4  }
0x5f: {  	[sflag:s15] =	ssyncadd.s32 $0xFFFFC000  }
0x60: {  	[spmem:s3] =	stream.indirect.scatter.add.f32 [tilespmem:s17], [sflag:$0x3], $0x1, s1, s19, $0xb8;
	[tilespmem:$0x1EB00] =	vst v63  }
0x61: {  	_ =	swait.ge [sflag:s15], $0x80  }
0x62: {  	s4 =	smov.u32 s9;
	s1 =	sshra.s32 s31, $0x2;
	[sflag:s15] =	ssyncset.done $0x0  }
0x63: {  	s4 =	sadd.s32 $0x80, s1;
	[sflag:s15] =	ssyncadd.s32 $0xFFFFFF80  }
0x64: {  	[tilespmem:s21], [sflag:$0x2] =	stream.indirect.gather [hbm4b:s5+s19], $0x80, s4, s19, $0xb8;
	[tilespmem:$0x1EB00] =	vst v63  }
0x65: {  	_ =	swait.ge [sflag:s23], $0x4000  }
0x66: {  	[sflag:s23] =	ssyncset.done $0x0  }
0x67: {  	s9 =	sadd.s32 $0x1400, s1;
	[sflag:s23] =	ssyncadd.s32 $0xFFFFC000  }
0x68: {  	[spmem:s2] =	stream.indirect.scatter.add.f32 [tilespmem:s20], [sflag:$0x3], $0x80, s9, s19, $0xb8;
	[tilespmem:$0x1EB00] =	vst v63  }
0x69: {  	_ =	swait.ge [sflag:s15], $0x4000  }
0x6a: {  	[sflag:s15] =	ssyncset.done $0x0  }
0x6b: {  	[sflag:s15] =	ssyncadd.s32 $0xFFFFC000  }
0x6c: {  	[spmem:s3] =	stream.indirect.scatter.add.f32 [tilespmem:s17], [sflag:$0x3], $0x1, s9, s19, $0xb8;
	[tilespmem:$0x1EB00] =	vst v63  }
0x6d: {  	_ =	swait.ge [sflag:s15], $0x80  }
0x6e: {  	[sflag:s15] =	ssyncset.done $0x0  }
0x6f: {  	s30 =	sadd.s32 $0x100, s1;
	[sflag:s15] =	ssyncadd.s32 $0xFFFFFF80  }
0x70: {  	[tilespmem:s20], [sflag:$0x1] =	stream.indirect.gather [hbm4b:s5+s19], $0x80, s30, s19, $0xb8;
	[tilespmem:$0x1EB00] =	vst v63  }
0x71: {  	_ =	swait.ge [sflag:s25], $0x4000  }
0x72: {  	[sflag:s25] =	ssyncset.done $0x0  }
0x73: {  	s31 =	sadd.s32 $0x1480, s1;
	[sflag:s25] =	ssyncadd.s32 $0xFFFFC000  }
0x74: {  	[spmem:s2] =	stream.indirect.scatter.add.f32 [tilespmem:s21], [sflag:$0x3], $0x80, s31, s19, $0xb8;
	[tilespmem:$0x1EB00] =	vst v63  }
0x75: {  	_ =	swait.ge [sflag:s15], $0x4000  }
0x76: {  	[sflag:s15] =	ssyncset.done $0x0  }
0x77: {  	[sflag:s15] =	ssyncadd.s32 $0xFFFFC000  }
0x78: {  	[spmem:s3] =	stream.indirect.scatter.add.f32 [tilespmem:s17], [sflag:$0x3], $0x1, s31, s19, $0xb8;
	[tilespmem:$0x1EB00] =	vst v63  }
0x79: {  	_ =	swait.ge [sflag:s15], $0x80  }
0x7a: {  	[sflag:s15] =	ssyncset.done $0x0  }
0x7b: {  	[sflag:s15] =	ssyncadd.s32 $0xFFFFFF80  }
0x7c: {  	[tilespmem:s21], [sflag:$0x2] =	stream.indirect.gather [hbm4b:s5+s19], $0x80, s26, s19, $0xb8;
	[tilespmem:$0x1EB00] =	vst v63  }
0x7d: {  	_ =	swait.ge [sflag:s23], $0x4000  }
0x7e: {  	[sflag:s23] =	ssyncset.done $0x0  }
0x7f: {  	[sflag:s23] =	ssyncadd.s32 $0xFFFFC000  }
0x80: {  	[spmem:s2] =	stream.indirect.scatter.add.f32 [tilespmem:s20], [sflag:$0x3], $0x80, s28, s19, $0xb8;
	[tilespmem:$0x1EB00] =	vst v63  }
0x81: {  	_ =	swait.ge [sflag:s15], $0x4000  }
0x82: {  	[sflag:s15] =	ssyncset.done $0x0  }
0x83: {  	[sflag:s15] =	ssyncadd.s32 $0xFFFFC000  }
0x84: {  	[spmem:s3] =	stream.indirect.scatter.add.f32 [tilespmem:s17], [sflag:$0x3], $0x1, s28, s19, $0xb8;
	[tilespmem:$0x1EB00] =	vst v63  }
0x85: {  	_ =	swait.ge [sflag:s15], $0x80  }
0x86: {  	[sflag:s15] =	ssyncset.done $0x0  }
0x87: {  	[sflag:s15] =	ssyncadd.s32 $0xFFFFFF80  }
0x88: {  	_ =	swait.ge [sflag:s25], $0x4000  }
0x89: {  	[sflag:s25] =	ssyncset.done $0x0  }
0x8a: {  	[sflag:s25] =	ssyncadd.s32 $0xFFFFC000  }
0x8b: {  	[spmem:s2] =	stream.indirect.scatter.add.f32 [tilespmem:s21], [sflag:$0x3], $0x80, s29, s19, $0xb8;
	[tilespmem:$0x1EB00] =	vst v63  }
0x8c: {  	p1 =	slt.u32 @!p0 s7, $0x2;
	_ =	swait.ge [sflag:s15], $0x4000  }
0x8d: {  	p1 =	por p0, !p1;
	[sflag:s15] =	ssyncset.done $0x0  }
.Ltmp1:
0x8e: {  	[sflag:s15] =	ssyncadd.s32 $0xFFFFC000;
	(pc) =	sbr.rel @!p1 .LBB2_2-.Ltmp1, $4  }
0x8f: {  	[spmem:s3] =	stream.indirect.scatter.add.f32 [tilespmem:s17], [sflag:$0x3], $0x1, s29, s19, $0xb8;
	[tilespmem:$0x1EB00] =	vst v63  }
0x90: {  	_ =	swait.ge [sflag:s15], $0x80  }
0x91: {  	[sflag:s15] =	ssyncset.done $0x0  }
0x92: {  	s7 =	sadd.s32 $0x1, s7;
	[sflag:s15] =	ssyncadd.s32 $0xFFFFFF80  }
0x93: {  	[bflag:$0x0] =	sbarrier.arrive $0xFFFF  }
0x94: {  	[hbm:s22], [sflag:s12] =	dma.local [spmem:s14], $0x2800  }
0x95: {  	s0 =	sadd.s32 $0x1, s0;
	_ =	swait.ge [sflag:s15], $0x2800  }
0x96: {  	s1 =	simm.s32 $0x20;
	p1 =	sne.s32 s0, s13;
	[sflag:s15] =	ssyncset.done $0x0  }
.Ltmp2:
0x97: {  	s4 =	simm.s32 $0x10;
	[sflag:s15] =	ssyncadd.s32 $0xFFFFD800;
	(pc) =	sbr.rel @p1 .LBB2_1-.Ltmp2, $4  }
0x98: {  	[hbm:s24@s1], [sflag:s12] =	dma.strided [spmem:s16@s4], $0x50, s23, $0x10   }
0x99: {  	_ =	swait.ge [sflag:s15], $0x50  }
0x9a: {  	[sflag:s15] =	ssyncset.done $0x0  }
0x9b: {  	[sflag:s15] =	ssyncadd.s32 $0xFFFFFFB0  }
0x9c: {  	_ =	sfence.sel $0x180000  }
0x9d: {  	[bflag:$0x0] =	sbarrier.arrive $0xFFFF  }
0x9e: {  	_ =	strace $0x9000004A  }
0x9f: {  	s0 =	stileid.u32;
	[bflag:$0x2] =	sbarrier.arrive $0xFFFF  }
0xa0: {  	p0 =	sne.s32 s0, $0x0;
	s0 =	rddreg [dreg:$0x4]  }
0xa1: {  	s0 =	sadd.s32 @!p0 $0x100000, s0  }
0xa2: {  	[sflag:s0] =	ssyncadd.tile.s32 @!p0 $0x1;
	_ =	shalt  }
.Lfunc_end2:
_tile_overlayer_lowered:
.L_overlay_start_2:
0xa3: {  	(tag) =	ssettag $0x2  }
0xa4: {  	s0 =	rddreg [dreg:$0x0];
	s2 =	stileid.u32  }
0xa5: {  	s1 =	rddreg [dreg:$0x1];
	p0 =	sne.s32 s2, $0x0  }
0xa6: {  	s3 =	rddreg [dreg:$0x2];
	[bflag:$0x3] =	sbarrier.arrive $0xFFFF;
	s2 =	simm.s32 @!p0 $0x1C03  }
0xa7: {  	[timem:s3], [sflag:s2] =	dma.local @!p0 [hbm:s0], s1  }
0xa8: {  	s0 =	simm.s32 @!p0 $0x3  }
0xa9: {  	_ =	swait.ge @!p0 [sflag:s0], s1  }
0xaa: {  	s1 =	ssub.s32 @!p0 $0x0, s1;
	[sflag:s0] =	ssyncset.done @!p0 $0x0  }
0xab: {  	[sflag:s0] =	ssyncadd.s32 @!p0 s1  }
0xac: {  	[bflag:$0x3] =	sbarrier.arrive $0xFFFF  }
0xad: {  	_ =	shalt  }

// kernel: kernel.13.cloned.1.call-start
scs
__scs_entry_jumppad:
0x0: {  	(pc) =	sbr.rel $0x88, $3  }
0x1: {  	(tag) =	ssettag $0x0;
	lr =	simm.s32 $0x1  }
0x2: {  	[smem:$0x3F85] =	sst lr;
	_ =	strace $0xD0000000  }
0x3: {  	_ = 	snop  }
0x4: {  	_ = 	snop  }
0x5: {  	_ = 	snop  }
0x6: {  	_ = 	snop  }
0x7: {  	_ = 	snop  }
__scs_overlays_trampoline_lowered:
0x8: {  	[smem:$0x3F94] =	sst s0  }
0x9: {  	[smem:$0x3F95] =	sst s1  }
0xa: {  	[smem:$0x3F96] =	sst s2  }
0xb: {  	[smem:$0x3F97] =	sst s3  }
0xc: {  	[smem:$0x3F98] =	sst s4  }
0xd: {  	[smem:$0x3F99] =	sst s5  }
0xe: {  	[smem:$0x3F9A] =	sst s6  }
0xf: {  	[smem:$0x3F9B] =	sst s7  }
0x10: {  	[smem:$0x3F9C] =	sst s8  }
0x11: {  	[smem:$0x3F9D] =	sst s9;
	s0 =	simm.s32 @!p0 $0x0  }
0x12: {  	s1 =	sld [smem:$0x3F83];
	s0 =	simm.s32 @p0 $0x1  }
0x13: {  	[smem:$0x3F9E] =	sst s0;
	s0 =	simm.s32 @!p1 $0x0  }
0x14: {  	s2 =	sld [smem:$0x3F82];
	s0 =	simm.s32 @p1 $0x1  }
0x15: {  	[smem:$0x3F9F] =	sst s0;
	s0 =	simm.s32 @!p2 $0x0  }
0x16: {  	s3 =	sld [smem:$0x3FDB];
	s0 =	simm.s32 @p2 $0x1  }
0x17: {  	s4 =	simm.s32 $0x1BF5;
	[smem:$0x3FA1] =	sst s0  }
0x18: {  	s0 =	sld [smem:$0x3F84];
	_ =	swait.ge [sflag:s4], $0x0  }
0x19: {  	s7 =	sld [smem:$0x3F85]  }
0x1a: {  	s8 =	sadd.s32 $0xFFFFE003, lr  }
0x1b: {  	s9 =	sadd.s32 $0xFFFFFEF7, lr;
	s5 =	simm.s32 $0xFFFFFFFF;
	p2 =	slt.u32 s8, $0xFFFFF086  }
0x1c: {  	p1 =	slt.u32 s9, $0xF7A;
	s5 =	simm.s32 @!p2 $0x0  }
0x1d: {  	s5 =	simm.s32 @p1 $0x1;
	p0 =	seq.s32 s7, s2  }
0x1e: {  	s7 =	smul.u32 @!p0 $0xF7A, s2;
	p2 =	seq.s32 @!p0 s5, $0x0  }
0x1f: {  	s9 =	smul.u32 $0xF7A, s1;
	s8 =	simm.s32 @!p0 $0x1BF5;
	p2 =	por !p2, p0  }
0x20: {  	[sflag:s8] =	ssyncset.s32 @!p0 $0xFFFFF086;
	s6 =	sadd.s32 @!p0 s3, s7;
	s7 =	simm.s32 @!p0 $0x108  }
0x21: {  	s3 =	sadd.s32 s3, s9;
	s6 =	sadd.s32 @!p0 $0x88, s6;
	s7 =	simm.s32 @p2 $0x1082  }
0x22: {  	[simem:s7], [sflag:s8] =	dma.local @!p0 [hbm:s6], $0xF7A  }
0x23: {  	s9 =	sor.u32 $0xD0000000, s2;
	s6 =	simm.s32 $0x108;
	_ =	swait.ge @!p0 [sflag:s8], $0x0  }
0x24: {  	s3 =	sadd.s32 $0x88, s3;
	s6 =	simm.s32 @!p1 $0x1082;
	[sflag:s4] =	ssyncset.s32 $0xFFFFF086  }
0x25: {  	[simem:s6], [sflag:s4] =	dma.local [hbm:s3], $0xF7A  }
0x26: {  	[smem:$0x3F85] =	sst s1;
	(tag) =	ssettag s2;
	_ =	strace s9  }
0x27: {  	s1 =	sld [smem:$0x3F95]  }
0x28: {  	s2 =	sld [smem:$0x3F96]  }
0x29: {  	s4 =	sld [smem:$0x3F98]  }
0x2a: {  	p0 =	seq.s32 s5, $0x0;
	s5 =	sld [smem:$0x3F99]  }
0x2b: {  	s6 =	sld [smem:$0x3F9A]  }
0x2c: {  	s7 =	sld [smem:$0x3F9B]  }
0x2d: {  	s3 =	simm.s32 $0x108;
	s8 =	sld [smem:$0x3F9C]  }
0x2e: {  	s3 =	simm.s32 @!p0 $0x1082;
	s9 =	sld [smem:$0x3F9D]  }
0x2f: {  	lr =	sadd.s32 s0, s3;
	s0 =	sld [smem:$0x3F94]  }
0x30: {  	s3 =	sld [smem:$0x3F97]  }
0x31: {  	[smem:$0x3FA0] =	sst s10  }
0x32: {  	s10 =	sld [smem:$0x3F9E];
	_ =	sdelay $0x3  }
0x33: {  	p0 =	seq.s32 s10, $0x1;
	s10 =	sld [smem:$0x3FA0];
	_ =	sdelay $0x3  }
0x34: {  	[smem:$0x3FA0] =	sst s10  }
0x35: {  	s10 =	sld [smem:$0x3F9F];
	_ =	sdelay $0x3  }
0x36: {  	p1 =	seq.s32 s10, $0x1;
	s10 =	sld [smem:$0x3FA0];
	_ =	sdelay $0x3  }
0x37: {  	[smem:$0x3FA0] =	sst s10  }
0x38: {  	s10 =	sld [smem:$0x3FA1]  }
0x39: {  	_ = 	snop;
	(pc) =	sbr.ind lr, $3  }
0x3a: {  	_ = 	snop  }
0x3b: {  	_ = 	snop  }
0x3c: {  	p2 =	seq.s32 s10, $0x1;
	s10 =	sld [smem:$0x3FA0]  }
0x3d: {  	_ =	shalt  }
0x3e: {  	_ =	shalt  }
0x3f: {  	_ =	shalt  }
0x40: {  	_ =	shalt  }
0x41: {  	_ =	shalt  }
0x42: {  	_ =	shalt  }
0x43: {  	_ =	shalt  }
0x44: {  	_ =	shalt  }
0x45: {  	_ =	shalt  }
0x46: {  	_ =	shalt  }
0x47: {  	_ =	shalt  }
0x48: {  	_ =	shalt  }
0x49: {  	_ =	shalt  }
0x4a: {  	_ =	shalt  }
0x4b: {  	_ =	shalt  }
0x4c: {  	_ =	shalt  }
0x4d: {  	_ =	shalt  }
0x4e: {  	_ =	shalt  }
0x4f: {  	_ =	shalt  }
0x50: {  	_ =	shalt  }
0x51: {  	_ =	shalt  }
0x52: {  	_ =	shalt  }
0x53: {  	_ =	shalt  }
0x54: {  	_ =	shalt  }
0x55: {  	_ =	shalt  }
0x56: {  	_ =	shalt  }
0x57: {  	_ =	shalt  }
0x58: {  	_ =	shalt  }
0x59: {  	_ =	shalt  }
0x5a: {  	_ =	shalt  }
0x5b: {  	_ =	shalt  }
0x5c: {  	_ =	shalt  }
0x5d: {  	_ =	shalt  }
0x5e: {  	_ =	shalt  }
0x5f: {  	_ =	shalt  }
0x60: {  	_ =	shalt  }
0x61: {  	_ =	shalt  }
0x62: {  	_ =	shalt  }
0x63: {  	_ =	shalt  }
0x64: {  	_ =	shalt  }
0x65: {  	_ =	shalt  }
0x66: {  	_ =	shalt  }
0x67: {  	_ =	shalt  }
0x68: {  	_ =	shalt  }
0x69: {  	_ =	shalt  }
0x6a: {  	_ =	shalt  }
0x6b: {  	_ =	shalt  }
0x6c: {  	_ =	shalt  }
0x6d: {  	_ =	shalt  }
0x6e: {  	_ =	shalt  }
0x6f: {  	_ =	shalt  }
0x70: {  	_ =	shalt  }
0x71: {  	_ =	shalt  }
0x72: {  	_ =	shalt  }
0x73: {  	_ =	shalt  }
0x74: {  	_ =	shalt  }
0x75: {  	_ =	shalt  }
0x76: {  	_ =	shalt  }
0x77: {  	_ =	shalt  }
0x78: {  	_ =	shalt  }
0x79: {  	_ =	shalt  }
0x7a: {  	_ =	shalt  }
0x7b: {  	_ =	shalt  }
0x7c: {  	_ =	shalt  }
0x7d: {  	_ =	shalt  }
0x7e: {  	_ =	shalt  }
0x7f: {  	_ =	shalt  }
0x80: {  	_ =	shalt  }
0x81: {  	_ =	shalt  }
0x82: {  	_ =	shalt  }
0x83: {  	_ =	shalt  }
0x84: {  	_ =	shalt  }
0x85: {  	_ =	shalt  }
0x86: {  	_ =	shalt  }
0x87: {  	_ =	shalt  }
.Lfunc_end0:
.L_simem_size_0:
called_computation.1_lowered:
.L_overlay_start_0:
0x88: {  	s2 =	sld [smem:$0x3FD9]  }
0x89: {  	s3 =	sld [smem:$0x3FFE];
	_ =	sdelay $0x1  }
0x8a: {  	s1 =	srdreg.scid  }
0x8b: {  	s0 =	sand.u32 $0x1, s1  }
0x8c: {  	s17 =	sshll.u32 s0, $0xA;
	s2 =	sadd.s32 s3, s2  }
0x8d: {  	s2 =	sadd.s32 s2, s17  }
0x8e: {  	[smem:$0x3FAC] =	sst s2  }
0x8f: {  	_ = 	snop  }
0x90: {  	s2 =	sld [smem:$0x3FD0];
	(tm) =	ssettm $0x1  }
0x91: {  	s18 =	sld [smem:$0x3FFB];
	_ =	sdelay $0x3  }
0x92: {  	_ =	strace s18  }
0x93: {  	s3 =	sld [smem:$0x3FFC];
	_ =	sdelay $0x3  }
0x94: {  	_ =	strace s3  }
0x95: {  	s3 =	sld [smem:$0x3FFD];
	_ =	sdelay $0x3  }
0x96: {  	_ =	strace s3  }
0x97: {  	_ =	strace $0x8FFFFFFF  }
0x98: {  	s19 =	sld [smem:$0x3FDB];
	_ =	sdelay $0x1  }
0x99: {  	s4 =	simm.s32 $_scs_section_size  }
0x9a: {  	s5 =	simm.s32 $_size__tile_overlayer_lowered;
	s6 =	simm.s32 $_tile_overlayer_lowered  }
0x9b: {  	s22 =	simm.s32 $0x1BFF;
	s21 =	sshll.u32 s6, $0x1;
	s3 =	sadd.s32 s4, s19  }
0x9c: {  	s7 =	simm.s32 $0x0;
	s20 =	sshll.u32 s5, $0x1;
	s5 =	sadd.s32 s21, s3  }
0x9d: {  	[timem:s7], [sflag:s22] =	dma.local [hbm:s5], s20  }
0x9e: {  	_ =	swait.ge [sflag:s22], s20  }
0x9f: {  	s4 =	ssub.s32 $0x0, s20;
	[sflag:s22] =	ssyncset.done $0x0  }
0xa0: {  	[sflag:s22] =	ssyncadd.s32 s4;
	_ =	sdelay $0x1  }
0xa1: {  	s23 =	simm.s32 $0x1B8B  }
0xa2: {  	_ =	swait.ge [sflag:s23], $0x1  }
0xa3: {  	[sflag:s23] =	ssyncset.done $0x0  }
0xa4: {  	s25 =	simm.s32 $0x1B8E;
	s24 =	sld [smem:$0x3FFE];
	[sflag:s23] =	ssyncadd.s32 $0xFFFFFFFF  }
0xa5: {  	s26 =	simm.s32 $execute0_lowered;
	[smem:$0x3FD2] =	sst s25  }
0xa6: {  	s5 =	sshll.u32 s26, $0x1;
	_ =	strace $0x80000046;
	[dreg:$0x1] =	wrdreg $0xFFFFFFFF  }
0xa7: {  	s28 =	simm.s32 $_size_execute0_lowered;
	s3 =	sadd.s32 s3, s5;
	[dreg:$0x0] =	wrdreg $0x0  }
0xa8: {  	s5 =	sshll.u32 s28, $0x1;
	[dreg:$0x2] =	wrdreg s3  }
0xa9: {  	[dreg:$0x3] =	wrdreg s5  }
0xaa: {  	[dreg:$0x4] =	wrdreg $0xC0  }
0xab: {  	_ =	task [dreg:s7], $0x5FFFF  }
0xac: {  	[dreg:$0x1] =	wrdreg $0xFFFFFFFF  }
0xad: {  	[dreg:$0x0] =	wrdreg $0x60  }
0xae: {  	[dreg:$0x2] =	wrdreg s24  }
0xaf: {  	[dreg:$0x3] =	wrdreg s2  }
0xb0: {  	[dreg:$0x4] =	wrdreg $0xA8800  }
0xb1: {  	[dreg:$0x5] =	wrdreg $0x1E8800  }
0xb2: {  	[dreg:$0x6] =	wrdreg $0xA  }
0xb3: {  	_ =	task.clear_ibuf [dreg:s7], $0x7FFFF;
	_ =	strace $0x90000046  }
0xb4: {  	s29 =	simm.s32 $0xA;
	_ =	strace $0x80000048  }
0xb5: {  	_ =	swait.ge [sflag:s29], $0x1  }
0xb6: {  	[sflag:s29] =	ssyncadd.s32 $0xFFFFFFFF  }
0xb7: {  	_ =	strace $0x90000048  }
0xb8: {  	_ =	sfence  }
0xb9: {  	s30 =	sld [smem:$0x0];
	_ =	sdelay $0x2  }
0xba: {  	s31 =	sshll.u32 s1, $0xD;
	s1 =	sshrl.u32 s1, $0x2  }
0xbb: {  	s3 =	sand.u32 $0x4000, s31;
	s1 =	sadd.s32 s1, s30  }
0xbc: {  	s0 =	sor.u32 s3, s0;
	s1 =	sshll.u32 s1, $0x11  }
0xbd: {  	s0 =	sor.u32 s1, s0  }
0xbe: {  	s0 =	sadd.s32 $0x8F2B, s0  }
0xbf: {  	[sflag:s0] =	ssyncadd.remote.s32 $0x1  }
0xc0: {  	_ =	sfence.sel $0xFFFF  }
0xc1: {  	[dreg:$0x0] =	wrdreg $0xFFFFFFFF;
	(pc) =	sbr.abs _section_cstart, $3  }
0xc2: {  	[dreg:$0x1] =	wrdreg $0xFFFFFFFF  }
0xc3: {  	_ =	task.clear_ibuf [dreg:s7], $0x2FFFF;
	_ =	strace $0x9FFFFFFF  }
0xc4: {  	(tm) =	ssettm $0x7FFFFFFF  }
0xc5: {  	_ =	shalt  }
tec
execute0_lowered:
.L_overlay_start_1:
0x0: {  	(tag) =	ssettag $0x1  }
0x1: {  	s0 =	rddreg [dreg:$0x0]  }
0x2: {  	s2 =	rddreg [dreg:$0x2]  }
0x3: {  	s3 =	rddreg [dreg:$0x3]  }
0x4: {  	s4 =	simm.s32 $0x0;
	s1 =	srdreg.scid;
	s9 =	stileid.u32  }
0x5: {  	s18 =	simm.s32 $0x1400;
	s19 =	simm.s32 $0x80;
	s20 =	simm.s32 $0x2880  }
0x6: {  	s21 =	simm.s32 $0x6880;
	s23 =	simm.s32 $0x1;
	s28 =	simm.s32 $0x2700  }
0x7: {  	s29 =	simm.s32 $0x2780;
	[smem:$0x7FF] =	sst s4;
	s12 =	smul.u32 $0x50000, s9  }
0x8: {  	s1 =	sand.u32 $0x1, s1;
	s5 =	sadd.s32 $0x5600, s0;
	s13 =	smul.u32 $0xA00, s9  }
0x9: {  	s6 =	sadd.s32 $0x36800, s0;
	s8 =	sadd.s32 $0x2C800, s0;
	s31 =	smul.u32 $0x28, s9  }
0xa: {  	s7 =	sadd.s32 $0x40800, s0;
	s10 =	sadd.s32 $0x43000, s0;
	s16 =	smul.u32 $0x78, s9  }
0xb: {  	s15 =	sshll.u32 s9, $0x6;
	s22 =	smul.u32 $0x2800, s9;
	_ =	strace $0x80000047  }
0xc: {  	s24 =	smul.u32 $0x28000, s1;
	[dreg:$0x5] =	wrdreg s7;
	s11 =	ssub.s32 $0x2, s1  }
0xd: {  	s25 =	sshll.u32 s1, $0x4;
	p0 =	seq.s32 s1, $0x0;
	s26 =	sshrl.u32 s11, $0x1  }
0xe: {  	s30 =	sshrl.u32 s12, $0x2;
	s13 =	sshrl.u32 s13, $0x2;
	s12 =	sor.u32 $0x1C03, s15  }
0xf: {  	s15 =	simm.s32 $0x3;
	s4 =	sadd.s32 s24, s0;
	s0 =	sadd.s32 s25, s0  }
0x10: {  	s7 =	ssub.s32 s11, s26;
	s14 =	sadd.s32 s30, s2;
	s11 =	sadd.s32 $0x780, s31  }
0x11: {  	s17 =	sadd.s32 s13, s3;
	s24 =	smul.u32 $0xA0, s9;
	s25 =	simm.s32 $0x2  }
0x12: {  	s26 =	simm.s32 $0x1380;
	s11 =	smov.u32 @p0 s16;
	s4 =	sadd.s32 $0x43C00, s4  }
0x13: {  	s0 =	sadd.s32 $0x43200, s0;
	s13 =	smax.u32 s7, $0x1;
	s14 =	sshrl.u32 s14, $0x3  }
0x14: {  	s16 =	sshrl.u32 s17, $0x3;
	s17 =	simm.s32 $0x2800;
	p0 =	sne.s32 s1, $0x0  }
0x15: {  	s22 =	sadd.s32 s22, s4;
	s24 =	sadd.s32 s24, s0;
	s0 =	simm.s32 $0x0  }
.LBB2_1:
0x16: {  	s1 =	rddreg [dreg:$0x5]  }
0x17: {  	[spmem:s14], [sflag:s12] =	dma.local [hbm:s1], $0x2800  }
0x18: {  	_ =	swait.ge [sflag:s15], $0x2800  }
0x19: {  	[sflag:s15] =	ssyncset.done $0x0  }
0x1a: {  	[sflag:s15] =	ssyncadd.s32 $0xFFFFD800  }
0x1b: {  	s30 =	rddreg [dreg:$0x1]  }
0x1c: {  	[spmem:s16], [sflag:s12] =	dma.local [hbm:s30], $0x50  }
0x1d: {  	_ =	swait.ge [sflag:s15], $0x50  }
0x1e: {  	[sflag:s15] =	ssyncset.done $0x0  }
0x1f: {  	s31 =	simm.s32 $0x0;
	[sflag:s15] =	ssyncadd.s32 $0xFFFFFFB0  }
0x20: {  	[tilespmem:s17], [sflag:$0x3] =	stream.linear.gather [hbm4b:s10+s31], $0x80, $0x38;
	[tilespmem:$0x1EB00] =	vst v63  }
0x21: {  	_ =	swait.ge [sflag:s15], $0x80  }
0x22: {  	[sflag:s15] =	ssyncset.done $0x0  }
0x23: {  	[sflag:s15] =	ssyncadd.s32 $0xFFFFFF80  }
0x24: {  	s7 =	simm.s32 $0x0;
	[bflag:$0x0] =	sbarrier.arrive $0xFFFF  }
.LBB2_2:
0x25: {  	s1 =	smul.u32 $0x28, s7;
	_ =	sdelay $0x1  }
0x26: {  	s1 =	sadd.s32 s11, s1  }
0x27: {  	s1 =	sshll.u32 s1, $0x4  }
0x28: {  	s30 =	simm.s32 $0x0;
	s4 =	sadd.s32 s6, s1  }
0x29: {  	[tilespmem:s30], [sflag:$0x3] =	stream.linear.gather [hbm4b:s4+s30], $0x1400, $0x38;
	[tilespmem:$0x1EB00] =	vst v63  }
0x2a: {  	_ =	swait.ge [sflag:s15], $0x1400  }
0x2b: {  	[sflag:s15] =	ssyncset.done $0x0  }
0x2c: {  	s1 =	sadd.s32 s8, s1;
	[sflag:s15] =	ssyncadd.s32 $0xFFFFEC00  }
0x2d: {  	[tilespmem:s18], [sflag:$0x3] =	stream.linear.gather [hbm4b:s1+s30], $0x1400, $0x38;
	[tilespmem:$0x1EB00] =	vst v63  }
0x2e: {  	_ =	swait.ge [sflag:s15], $0x1400  }
0x2f: {  	[sflag:s15] =	ssyncset.done $0x0  }
0x30: {  	[sflag:s15] =	ssyncadd.s32 $0xFFFFEC00  }
0x31: {  	[tilespmem:s20], [sflag:$0x1] =	stream.indirect.gather [hbm4b:s5+s19], $0x80, s30, s19, $0xb8;
	[tilespmem:$0x1EB00] =	vst v63  }
0x32: {  	s4 =	simm.s32 $0x80  }
0x33: {  	[tilespmem:s21], [sflag:$0x2] =	stream.indirect.gather [hbm4b:s5+s19], $0x80, s4, s19, $0xb8;
	[tilespmem:$0x1EB00] =	vst v63  }
0x34: {  	_ =	swait.ge [sflag:s23], $0x4000  }
0x35: {  	[sflag:s23] =	ssyncset.done $0x0  }
0x36: {  	s9 =	simm.s32 $0x1400;
	[sflag:s23] =	ssyncadd.s32 $0xFFFFC000  }
0x37: {  	[spmem:s2] =	stream.indirect.scatter.add.f32 [tilespmem:s20], [sflag:$0x3], $0x80, s9, s19, $0xb8;
	[tilespmem:$0x1EB00] =	vst v63  }
0x38: {  	_ =	swait.ge [sflag:s15], $0x4000  }
0x39: {  	[sflag:s15] =	ssyncset.done $0x0  }
0x3a: {  	[sflag:s15] =	ssyncadd.s32 $0xFFFFC000  }
0x3b: {  	[spmem:s3] =	stream.indirect.scatter.add.f32 [tilespmem:s17], [sflag:$0x3], $0x1, s9, s19, $0xb8;
	[tilespmem:$0x1EB00] =	vst v63  }
0x3c: {  	_ =	swait.ge [sflag:s15], $0x80  }
0x3d: {  	[sflag:s15] =	ssyncset.done $0x0  }
0x3e: {  	s30 =	simm.s32 $0x100;
	[sflag:s15] =	ssyncadd.s32 $0xFFFFFF80  }
0x3f: {  	[tilespmem:s20], [sflag:$0x1] =	stream.indirect.gather [hbm4b:s5+s19], $0x80, s30, s19, $0xb8;
	[tilespmem:$0x1EB00] =	vst v63  }
0x40: {  	_ =	swait.ge [sflag:s25], $0x4000  }
0x41: {  	[sflag:s25] =	ssyncset.done $0x0  }
0x42: {  	s31 =	simm.s32 $0x1480;
	[sflag:s25] =	ssyncadd.s32 $0xFFFFC000  }
0x43: {  	[spmem:s2] =	stream.indirect.scatter.add.f32 [tilespmem:s21], [sflag:$0x3], $0x80, s31, s19, $0xb8;
	[tilespmem:$0x1EB00] =	vst v63  }
0x44: {  	_ =	swait.ge [sflag:s15], $0x4000  }
0x45: {  	[sflag:s15] =	ssyncset.done $0x0  }
0x46: {  	[sflag:s15] =	ssyncadd.s32 $0xFFFFC000  }
0x47: {  	[spmem:s3] =	stream.indirect.scatter.add.f32 [tilespmem:s17], [sflag:$0x3], $0x1, s31, s19, $0xb8;
	[tilespmem:$0x1EB00] =	vst v63  }
0x48: {  	_ =	swait.ge [sflag:s15], $0x80  }
0x49: {  	s1 =	simm.s32 $0x100;
	s4 =	simm.s32 $0x800;
	[sflag:s15] =	ssyncset.done $0x0  }
.LBB2_3:
0x4a: {  	s30 =	sadd.s32 $0x80, s1  }
0x4b: {  	[sflag:s15] =	ssyncadd.s32 $0xFFFFFF80;
	s31 =	smov.u32 s4;
	s9 =	sadd.s32 $0x400, s4  }
0x4c: {  	[tilespmem:s21], [sflag:$0x2] =	stream.indirect.gather [hbm4b:s5+s19], $0x80, s30, s19, $0xb8;
	[tilespmem:$0x1EB00] =	vst v63  }
0x4d: {  	p1 =	sne.s32 s4, $0x4800;
	_ =	swait.ge [sflag:s23], $0x4000  }
0x4e: {  	[sflag:s23] =	ssyncset.done $0x0  }
0x4f: {  	s4 =	sadd.s32 $0x1400, s1;
	[sflag:s23] =	ssyncadd.s32 $0xFFFFC000  }
0x50: {  	[spmem:s2] =	stream.indirect.scatter.add.f32 [tilespmem:s20], [sflag:$0x3], $0x80, s4, s19, $0xb8;
	[tilespmem:$0x1EB00] =	vst v63  }
0x51: {  	_ =	swait.ge [sflag:s15], $0x4000  }
0x52: {  	[sflag:s15] =	ssyncset.done $0x0  }
0x53: {  	[sflag:s15] =	ssyncadd.s32 $0xFFFFC000  }
0x54: {  	[spmem:s3] =	stream.indirect.scatter.add.f32 [tilespmem:s17], [sflag:$0x3], $0x1, s4, s19, $0xb8;
	[tilespmem:$0x1EB00] =	vst v63  }
0x55: {  	_ =	swait.ge [sflag:s15], $0x80  }
0x56: {  	[sflag:s15] =	ssyncset.done $0x0  }
0x57: {  	s4 =	sadd.s32 $0x100, s1;
	[sflag:s15] =	ssyncadd.s32 $0xFFFFFF80  }
0x58: {  	[tilespmem:s20], [sflag:$0x1] =	stream.indirect.gather [hbm4b:s5+s19], $0x80, s4, s19, $0xb8;
	[tilespmem:$0x1EB00] =	vst v63  }
0x59: {  	_ =	swait.ge [sflag:s25], $0x4000  }
0x5a: {  	[sflag:s25] =	ssyncset.done $0x0  }
0x5b: {  	s1 =	sadd.s32 $0x1480, s1;
	[sflag:s25] =	ssyncadd.s32 $0xFFFFC000  }
0x5c: {  	[spmem:s2] =	stream.indirect.scatter.add.f32 [tilespmem:s21], [sflag:$0x3], $0x80, s1, s19, $0xb8;
	[tilespmem:$0x1EB00] =	vst v63  }
0x5d: {  	_ =	swait.ge [sflag:s15], $0x4000  }
.Ltmp0:
0x5e: {  	[sflag:s15] =	ssyncset.done $0x0;
	(pc) =	sbr.rel @p1 .LBB2_3-.Ltmp0, $4  }
0x5f: {  	[sflag:s15] =	ssyncadd.s32 $0xFFFFC000  }
0x60: {  	[spmem:s3] =	stream.indirect.scatter.add.f32 [tilespmem:s17], [sflag:$0x3], $0x1, s1, s19, $0xb8;
	[tilespmem:$0x1EB00] =	vst v63  }
0x61: {  	_ =	swait.ge [sflag:s15], $0x80  }
0x62: {  	s4 =	smov.u32 s9;
	s1 =	sshra.s32 s31, $0x2;
	[sflag:s15] =	ssyncset.done $0x0  }
0x63: {  	s4 =	sadd.s32 $0x80, s1;
	[sflag:s15] =	ssyncadd.s32 $0xFFFFFF80  }
0x64: {  	[tilespmem:s21], [sflag:$0x2] =	stream.indirect.gather [hbm4b:s5+s19], $0x80, s4, s19, $0xb8;
	[tilespmem:$0x1EB00] =	vst v63  }
0x65: {  	_ =	swait.ge [sflag:s23], $0x4000  }
0x66: {  	[sflag:s23] =	ssyncset.done $0x0  }
0x67: {  	s9 =	sadd.s32 $0x1400, s1;
	[sflag:s23] =	ssyncadd.s32 $0xFFFFC000  }
0x68: {  	[spmem:s2] =	stream.indirect.scatter.add.f32 [tilespmem:s20], [sflag:$0x3], $0x80, s9, s19, $0xb8;
	[tilespmem:$0x1EB00] =	vst v63  }
0x69: {  	_ =	swait.ge [sflag:s15], $0x4000  }
0x6a: {  	[sflag:s15] =	ssyncset.done $0x0  }
0x6b: {  	[sflag:s15] =	ssyncadd.s32 $0xFFFFC000  }
0x6c: {  	[spmem:s3] =	stream.indirect.scatter.add.f32 [tilespmem:s17], [sflag:$0x3], $0x1, s9, s19, $0xb8;
	[tilespmem:$0x1EB00] =	vst v63  }
0x6d: {  	_ =	swait.ge [sflag:s15], $0x80  }
0x6e: {  	[sflag:s15] =	ssyncset.done $0x0  }
0x6f: {  	s30 =	sadd.s32 $0x100, s1;
	[sflag:s15] =	ssyncadd.s32 $0xFFFFFF80  }
0x70: {  	[tilespmem:s20], [sflag:$0x1] =	stream.indirect.gather [hbm4b:s5+s19], $0x80, s30, s19, $0xb8;
	[tilespmem:$0x1EB00] =	vst v63  }
0x71: {  	_ =	swait.ge [sflag:s25], $0x4000  }
0x72: {  	[sflag:s25] =	ssyncset.done $0x0  }
0x73: {  	s31 =	sadd.s32 $0x1480, s1;
	[sflag:s25] =	ssyncadd.s32 $0xFFFFC000  }
0x74: {  	[spmem:s2] =	stream.indirect.scatter.add.f32 [tilespmem:s21], [sflag:$0x3], $0x80, s31, s19, $0xb8;
	[tilespmem:$0x1EB00] =	vst v63  }
0x75: {  	_ =	swait.ge [sflag:s15], $0x4000  }
0x76: {  	[sflag:s15] =	ssyncset.done $0x0  }
0x77: {  	[sflag:s15] =	ssyncadd.s32 $0xFFFFC000  }
0x78: {  	[spmem:s3] =	stream.indirect.scatter.add.f32 [tilespmem:s17], [sflag:$0x3], $0x1, s31, s19, $0xb8;
	[tilespmem:$0x1EB00] =	vst v63  }
0x79: {  	_ =	swait.ge [sflag:s15], $0x80  }
0x7a: {  	[sflag:s15] =	ssyncset.done $0x0  }
0x7b: {  	[sflag:s15] =	ssyncadd.s32 $0xFFFFFF80  }
0x7c: {  	[tilespmem:s21], [sflag:$0x2] =	stream.indirect.gather [hbm4b:s5+s19], $0x80, s26, s19, $0xb8;
	[tilespmem:$0x1EB00] =	vst v63  }
0x7d: {  	_ =	swait.ge [sflag:s23], $0x4000  }
0x7e: {  	[sflag:s23] =	ssyncset.done $0x0  }
0x7f: {  	[sflag:s23] =	ssyncadd.s32 $0xFFFFC000  }
0x80: {  	[spmem:s2] =	stream.indirect.scatter.add.f32 [tilespmem:s20], [sflag:$0x3], $0x80, s28, s19, $0xb8;
	[tilespmem:$0x1EB00] =	vst v63  }
0x81: {  	_ =	swait.ge [sflag:s15], $0x4000  }
0x82: {  	[sflag:s15] =	ssyncset.done $0x0  }
0x83: {  	[sflag:s15] =	ssyncadd.s32 $0xFFFFC000  }
0x84: {  	[spmem:s3] =	stream.indirect.scatter.add.f32 [tilespmem:s17], [sflag:$0x3], $0x1, s28, s19, $0xb8;
	[tilespmem:$0x1EB00] =	vst v63  }
0x85: {  	_ =	swait.ge [sflag:s15], $0x80  }
0x86: {  	[sflag:s15] =	ssyncset.done $0x0  }
0x87: {  	[sflag:s15] =	ssyncadd.s32 $0xFFFFFF80  }
0x88: {  	_ =	swait.ge [sflag:s25], $0x4000  }
0x89: {  	[sflag:s25] =	ssyncset.done $0x0  }
0x8a: {  	[sflag:s25] =	ssyncadd.s32 $0xFFFFC000  }
0x8b: {  	[spmem:s2] =	stream.indirect.scatter.add.f32 [tilespmem:s21], [sflag:$0x3], $0x80, s29, s19, $0xb8;
	[tilespmem:$0x1EB00] =	vst v63  }
0x8c: {  	p1 =	slt.u32 @!p0 s7, $0x2;
	_ =	swait.ge [sflag:s15], $0x4000  }
0x8d: {  	p1 =	por p0, !p1;
	[sflag:s15] =	ssyncset.done $0x0  }
.Ltmp1:
0x8e: {  	[sflag:s15] =	ssyncadd.s32 $0xFFFFC000;
	(pc) =	sbr.rel @!p1 .LBB2_2-.Ltmp1, $4  }
0x8f: {  	[spmem:s3] =	stream.indirect.scatter.add.f32 [tilespmem:s17], [sflag:$0x3], $0x1, s29, s19, $0xb8;
	[tilespmem:$0x1EB00] =	vst v63  }
0x90: {  	_ =	swait.ge [sflag:s15], $0x80  }
0x91: {  	[sflag:s15] =	ssyncset.done $0x0  }
0x92: {  	s7 =	sadd.s32 $0x1, s7;
	[sflag:s15] =	ssyncadd.s32 $0xFFFFFF80  }
0x93: {  	[bflag:$0x0] =	sbarrier.arrive $0xFFFF  }
0x94: {  	[hbm:s22], [sflag:s12] =	dma.local [spmem:s14], $0x2800  }
0x95: {  	s0 =	sadd.s32 $0x1, s0;
	_ =	swait.ge [sflag:s15], $0x2800  }
0x96: {  	s1 =	simm.s32 $0x20;
	p1 =	sne.s32 s0, s13;
	[sflag:s15] =	ssyncset.done $0x0  }
.Ltmp2:
0x97: {  	s4 =	simm.s32 $0x10;
	[sflag:s15] =	ssyncadd.s32 $0xFFFFD800;
	(pc) =	sbr.rel @p1 .LBB2_1-.Ltmp2, $4  }
0x98: {  	[hbm:s24@s1], [sflag:s12] =	dma.strided [spmem:s16@s4], $0x50, s23, $0x10   }
0x99: {  	_ =	swait.ge [sflag:s15], $0x50  }
0x9a: {  	[sflag:s15] =	ssyncset.done $0x0  }
0x9b: {  	[sflag:s15] =	ssyncadd.s32 $0xFFFFFFB0  }
0x9c: {  	_ =	sfence.sel $0x180000  }
0x9d: {  	[bflag:$0x0] =	sbarrier.arrive $0xFFFF  }
0x9e: {  	_ =	strace $0x90000047  }
0x9f: {  	s0 =	stileid.u32;
	[bflag:$0x2] =	sbarrier.arrive $0xFFFF  }
0xa0: {  	p0 =	sne.s32 s0, $0x0;
	s0 =	rddreg [dreg:$0x4]  }
0xa1: {  	s0 =	sadd.s32 @!p0 $0x100000, s0  }
0xa2: {  	[sflag:s0] =	ssyncadd.tile.s32 @!p0 $0x1;
	_ =	shalt  }
.Lfunc_end2:
_tile_overlayer_lowered:
.L_overlay_start_2:
0xa3: {  	(tag) =	ssettag $0x2  }
0xa4: {  	s0 =	rddreg [dreg:$0x0];
	s2 =	stileid.u32  }
0xa5: {  	s1 =	rddreg [dreg:$0x1];
	p0 =	sne.s32 s2, $0x0  }
0xa6: {  	s3 =	rddreg [dreg:$0x2];
	[bflag:$0x3] =	sbarrier.arrive $0xFFFF;
	s2 =	simm.s32 @!p0 $0x1C03  }
0xa7: {  	[timem:s3], [sflag:s2] =	dma.local @!p0 [hbm:s0], s1  }
0xa8: {  	s0 =	simm.s32 @!p0 $0x3  }
0xa9: {  	_ =	swait.ge @!p0 [sflag:s0], s1  }
0xaa: {  	s1 =	ssub.s32 @!p0 $0x0, s1;
	[sflag:s0] =	ssyncset.done @!p0 $0x0  }
0xab: {  	[sflag:s0] =	ssyncadd.s32 @!p0 s1  }
0xac: {  	[bflag:$0x3] =	sbarrier.arrive $0xFFFF  }
0xad: {  	_ =	shalt  }

// kernel: kernel.16.cloned.1.call-start
scs
__scs_entry_jumppad:
0x0: {  	(pc) =	sbr.rel $0x88, $3  }
0x1: {  	(tag) =	ssettag $0x0;
	lr =	simm.s32 $0x1  }
0x2: {  	[smem:$0x3F85] =	sst lr;
	_ =	strace $0xD0000000  }
0x3: {  	_ = 	snop  }
0x4: {  	_ = 	snop  }
0x5: {  	_ = 	snop  }
0x6: {  	_ = 	snop  }
0x7: {  	_ = 	snop  }
__scs_overlays_trampoline_lowered:
0x8: {  	[smem:$0x3F94] =	sst s0  }
0x9: {  	[smem:$0x3F95] =	sst s1  }
0xa: {  	[smem:$0x3F96] =	sst s2  }
0xb: {  	[smem:$0x3F97] =	sst s3  }
0xc: {  	[smem:$0x3F98] =	sst s4  }
0xd: {  	[smem:$0x3F99] =	sst s5  }
0xe: {  	[smem:$0x3F9A] =	sst s6  }
0xf: {  	[smem:$0x3F9B] =	sst s7  }
0x10: {  	[smem:$0x3F9C] =	sst s8  }
0x11: {  	[smem:$0x3F9D] =	sst s9;
	s0 =	simm.s32 @!p0 $0x0  }
0x12: {  	s1 =	sld [smem:$0x3F83];
	s0 =	simm.s32 @p0 $0x1  }
0x13: {  	[smem:$0x3F9E] =	sst s0;
	s0 =	simm.s32 @!p1 $0x0  }
0x14: {  	s2 =	sld [smem:$0x3F82];
	s0 =	simm.s32 @p1 $0x1  }
0x15: {  	[smem:$0x3F9F] =	sst s0;
	s0 =	simm.s32 @!p2 $0x0  }
0x16: {  	s3 =	sld [smem:$0x3FDB];
	s0 =	simm.s32 @p2 $0x1  }
0x17: {  	s4 =	simm.s32 $0x1BF5;
	[smem:$0x3FA1] =	sst s0  }
0x18: {  	s0 =	sld [smem:$0x3F84];
	_ =	swait.ge [sflag:s4], $0x0  }
0x19: {  	s7 =	sld [smem:$0x3F85]  }
0x1a: {  	s8 =	sadd.s32 $0xFFFFE003, lr  }
0x1b: {  	s9 =	sadd.s32 $0xFFFFFEF7, lr;
	s5 =	simm.s32 $0xFFFFFFFF;
	p2 =	slt.u32 s8, $0xFFFFF086  }
0x1c: {  	p1 =	slt.u32 s9, $0xF7A;
	s5 =	simm.s32 @!p2 $0x0  }
0x1d: {  	s5 =	simm.s32 @p1 $0x1;
	p0 =	seq.s32 s7, s2  }
0x1e: {  	s7 =	smul.u32 @!p0 $0xF7A, s2;
	p2 =	seq.s32 @!p0 s5, $0x0  }
0x1f: {  	s9 =	smul.u32 $0xF7A, s1;
	s8 =	simm.s32 @!p0 $0x1BF5;
	p2 =	por !p2, p0  }
0x20: {  	[sflag:s8] =	ssyncset.s32 @!p0 $0xFFFFF086;
	s6 =	sadd.s32 @!p0 s3, s7;
	s7 =	simm.s32 @!p0 $0x108  }
0x21: {  	s3 =	sadd.s32 s3, s9;
	s6 =	sadd.s32 @!p0 $0x88, s6;
	s7 =	simm.s32 @p2 $0x1082  }
0x22: {  	[simem:s7], [sflag:s8] =	dma.local @!p0 [hbm:s6], $0xF7A  }
0x23: {  	s9 =	sor.u32 $0xD0000000, s2;
	s6 =	simm.s32 $0x108;
	_ =	swait.ge @!p0 [sflag:s8], $0x0  }
0x24: {  	s3 =	sadd.s32 $0x88, s3;
	s6 =	simm.s32 @!p1 $0x1082;
	[sflag:s4] =	ssyncset.s32 $0xFFFFF086  }
0x25: {  	[simem:s6], [sflag:s4] =	dma.local [hbm:s3], $0xF7A  }
0x26: {  	[smem:$0x3F85] =	sst s1;
	(tag) =	ssettag s2;
	_ =	strace s9  }
0x27: {  	s1 =	sld [smem:$0x3F95]  }
0x28: {  	s2 =	sld [smem:$0x3F96]  }
0x29: {  	s4 =	sld [smem:$0x3F98]  }
0x2a: {  	p0 =	seq.s32 s5, $0x0;
	s5 =	sld [smem:$0x3F99]  }
0x2b: {  	s6 =	sld [smem:$0x3F9A]  }
0x2c: {  	s7 =	sld [smem:$0x3F9B]  }
0x2d: {  	s3 =	simm.s32 $0x108;
	s8 =	sld [smem:$0x3F9C]  }
0x2e: {  	s3 =	simm.s32 @!p0 $0x1082;
	s9 =	sld [smem:$0x3F9D]  }
0x2f: {  	lr =	sadd.s32 s0, s3;
	s0 =	sld [smem:$0x3F94]  }
0x30: {  	s3 =	sld [smem:$0x3F97]  }
0x31: {  	[smem:$0x3FA0] =	sst s10  }
0x32: {  	s10 =	sld [smem:$0x3F9E];
	_ =	sdelay $0x3  }
0x33: {  	p0 =	seq.s32 s10, $0x1;
	s10 =	sld [smem:$0x3FA0];
	_ =	sdelay $0x3  }
0x34: {  	[smem:$0x3FA0] =	sst s10  }
0x35: {  	s10 =	sld [smem:$0x3F9F];
	_ =	sdelay $0x3  }
0x36: {  	p1 =	seq.s32 s10, $0x1;
	s10 =	sld [smem:$0x3FA0];
	_ =	sdelay $0x3  }
0x37: {  	[smem:$0x3FA0] =	sst s10  }
0x38: {  	s10 =	sld [smem:$0x3FA1]  }
0x39: {  	_ = 	snop;
	(pc) =	sbr.ind lr, $3  }
0x3a: {  	_ = 	snop  }
0x3b: {  	_ = 	snop  }
0x3c: {  	p2 =	seq.s32 s10, $0x1;
	s10 =	sld [smem:$0x3FA0]  }
0x3d: {  	_ =	shalt  }
0x3e: {  	_ =	shalt  }
0x3f: {  	_ =	shalt  }
0x40: {  	_ =	shalt  }
0x41: {  	_ =	shalt  }
0x42: {  	_ =	shalt  }
0x43: {  	_ =	shalt  }
0x44: {  	_ =	shalt  }
0x45: {  	_ =	shalt  }
0x46: {  	_ =	shalt  }
0x47: {  	_ =	shalt  }
0x48: {  	_ =	shalt  }
0x49: {  	_ =	shalt  }
0x4a: {  	_ =	shalt  }
0x4b: {  	_ =	shalt  }
0x4c: {  	_ =	shalt  }
0x4d: {  	_ =	shalt  }
0x4e: {  	_ =	shalt  }
0x4f: {  	_ =	shalt  }
0x50: {  	_ =	shalt  }
0x51: {  	_ =	shalt  }
0x52: {  	_ =	shalt  }
0x53: {  	_ =	shalt  }
0x54: {  	_ =	shalt  }
0x55: {  	_ =	shalt  }
0x56: {  	_ =	shalt  }
0x57: {  	_ =	shalt  }
0x58: {  	_ =	shalt  }
0x59: {  	_ =	shalt  }
0x5a: {  	_ =	shalt  }
0x5b: {  	_ =	shalt  }
0x5c: {  	_ =	shalt  }
0x5d: {  	_ =	shalt  }
0x5e: {  	_ =	shalt  }
0x5f: {  	_ =	shalt  }
0x60: {  	_ =	shalt  }
0x61: {  	_ =	shalt  }
0x62: {  	_ =	shalt  }
0x63: {  	_ =	shalt  }
0x64: {  	_ =	shalt  }
0x65: {  	_ =	shalt  }
0x66: {  	_ =	shalt  }
0x67: {  	_ =	shalt  }
0x68: {  	_ =	shalt  }
0x69: {  	_ =	shalt  }
0x6a: {  	_ =	shalt  }
0x6b: {  	_ =	shalt  }
0x6c: {  	_ =	shalt  }
0x6d: {  	_ =	shalt  }
0x6e: {  	_ =	shalt  }
0x6f: {  	_ =	shalt  }
0x70: {  	_ =	shalt  }
0x71: {  	_ =	shalt  }
0x72: {  	_ =	shalt  }
0x73: {  	_ =	shalt  }
0x74: {  	_ =	shalt  }
0x75: {  	_ =	shalt  }
0x76: {  	_ =	shalt  }
0x77: {  	_ =	shalt  }
0x78: {  	_ =	shalt  }
0x79: {  	_ =	shalt  }
0x7a: {  	_ =	shalt  }
0x7b: {  	_ =	shalt  }
0x7c: {  	_ =	shalt  }
0x7d: {  	_ =	shalt  }
0x7e: {  	_ =	shalt  }
0x7f: {  	_ =	shalt  }
0x80: {  	_ =	shalt  }
0x81: {  	_ =	shalt  }
0x82: {  	_ =	shalt  }
0x83: {  	_ =	shalt  }
0x84: {  	_ =	shalt  }
0x85: {  	_ =	shalt  }
0x86: {  	_ =	shalt  }
0x87: {  	_ =	shalt  }
.Lfunc_end0:
.L_simem_size_0:
called_computation.2_lowered:
.L_overlay_start_0:
0x88: {  	s2 =	sld [smem:$0x3FD9]  }
0x89: {  	s3 =	sld [smem:$0x3FFE];
	_ =	sdelay $0x1  }
0x8a: {  	s1 =	srdreg.scid  }
0x8b: {  	s0 =	sand.u32 $0x1, s1  }
0x8c: {  	s17 =	sshll.u32 s0, $0xA;
	s2 =	sadd.s32 s3, s2  }
0x8d: {  	s2 =	sadd.s32 s2, s17  }
0x8e: {  	[smem:$0x3FAC] =	sst s2  }
0x8f: {  	_ = 	snop  }
0x90: {  	s18 =	sld [smem:$0x3FD0];
	(tm) =	ssettm $0x1  }
0x91: {  	s19 =	sld [smem:$0x3FFB];
	_ =	sdelay $0x3  }
0x92: {  	_ =	strace s19  }
0x93: {  	s2 =	sld [smem:$0x3FFC];
	_ =	sdelay $0x3  }
0x94: {  	_ =	strace s2  }
0x95: {  	s2 =	sld [smem:$0x3FFD];
	_ =	sdelay $0x3  }
0x96: {  	_ =	strace s2  }
0x97: {  	_ =	strace $0x8FFFFFFF  }
0x98: {  	s20 =	sld [smem:$0x3FDB];
	_ =	sdelay $0x1  }
0x99: {  	s4 =	simm.s32 $_scs_section_size  }
0x9a: {  	s5 =	simm.s32 $_size__tile_overlayer_lowered;
	s6 =	simm.s32 $_tile_overlayer_lowered  }
0x9b: {  	s7 =	simm.s32 $0x1BFF;
	s21 =	sshll.u32 s6, $0x1;
	s4 =	sadd.s32 s4, s20  }
0x9c: {  	s22 =	simm.s32 $0x0;
	s5 =	sshll.u32 s5, $0x1;
	s6 =	sadd.s32 s21, s4  }
0x9d: {  	[timem:s22], [sflag:s7] =	dma.local [hbm:s6], s5  }
0x9e: {  	_ =	swait.ge [sflag:s7], s5  }
0x9f: {  	s5 =	ssub.s32 $0x0, s5;
	[sflag:s7] =	ssyncset.done $0x0  }
0xa0: {  	[sflag:s7] =	ssyncadd.s32 s5;
	_ =	sdelay $0x1  }
0xa1: {  	s23 =	simm.s32 $0x1B8B  }
0xa2: {  	_ =	swait.ge [sflag:s23], $0x1  }
0xa3: {  	[sflag:s23] =	ssyncset.done $0x0  }
0xa4: {  	[sflag:s23] =	ssyncadd.s32 $0xFFFFFFFF  }
0xa5: {  	s5 =	sld [smem:$0x0]  }
0xa6: {  	s6 =	sand.u32 $0xFFFFFFFE, s1  }
0xa7: {  	p0 =	sne.s32 s1, s6  }
0xa8: {  	s6 =	sshll.u32 @p0 s6, $0xE  }
0xa9: {  	s6 =	sadd.s32 @p0 $0x11B8D, s6;
	s7 =	sshll.u32 @p0 s5, $0x11  }
0xaa: {  	s6 =	sor.u32 @p0 s7, s6  }
0xab: {  	[sflag:s6] =	ssyncadd.remote.s32 @p0 $0x1;
	_ =	sdelay $0x1  }
0xac: {  	s6 =	simm.s32 @p0 $0x1B8D  }
0xad: {  	_ =	swait.eq @p0 [sflag:s6], $0x1  }
0xae: {  	[sflag:s6] =	ssyncadd.s32 @p0 $0xFFFFFFFF  }
0xaf: {  	s7 =	sshll.u32 @!p0 s1, $0xE  }
0xb0: {  	s7 =	sor.u32 @!p0 $0x4000, s7;
	s6 =	simm.s32 @!p0 $0x1B8D  }
0xb1: {  	s5 =	sshll.u32 @!p0 s5, $0x11;
	s7 =	sadd.s32 @!p0 $0x11B8D, s7;
	_ =	swait.eq @!p0 [sflag:s6], $0x1  }
0xb2: {  	s5 =	sor.u32 @!p0 s5, s7;
	[sflag:s6] =	ssyncadd.s32 @!p0 $0xFFFFFFFF  }
0xb3: {  	s25 =	simm.s32 $0x1B8E;
	s24 =	sld [smem:$0x3FFE];
	[sflag:s5] =	ssyncadd.remote.s32 @!p0 $0x1  }
0xb4: {  	s26 =	simm.s32 $execute0_lowered;
	[smem:$0x3FD2] =	sst s25  }
0xb5: {  	s6 =	sshll.u32 s26, $0x1;
	_ =	strace $0x8000004C;
	[dreg:$0x1] =	wrdreg $0xFFFFFFFF  }
0xb6: {  	s28 =	simm.s32 $_size_execute0_lowered;
	s4 =	sadd.s32 s4, s6;
	[dreg:$0x0] =	wrdreg $0x0  }
0xb7: {  	s6 =	sshll.u32 s28, $0x1;
	[dreg:$0x2] =	wrdreg s4  }
0xb8: {  	[dreg:$0x3] =	wrdreg s6  }
0xb9: {  	[dreg:$0x4] =	wrdreg $0xC0  }
0xba: {  	_ =	task [dreg:s22], $0x5FFFF  }
0xbb: {  	[dreg:$0x1] =	wrdreg $0xFFFFFFFF  }
0xbc: {  	[dreg:$0x0] =	wrdreg $0x60  }
0xbd: {  	[dreg:$0x2] =	wrdreg s24  }
0xbe: {  	[dreg:$0x3] =	wrdreg s18  }
0xbf: {  	[dreg:$0x4] =	wrdreg $0xA8800  }
0xc0: {  	[dreg:$0x5] =	wrdreg $0x1E8800  }
0xc1: {  	[dreg:$0x6] =	wrdreg $0xA  }
0xc2: {  	_ =	task.clear_ibuf [dreg:s22], $0x7FFFF;
	_ =	strace $0x9000004C  }
0xc3: {  	s29 =	simm.s32 $0xA;
	_ =	strace $0x8000004E  }
0xc4: {  	_ =	swait.ge [sflag:s29], $0x1  }
0xc5: {  	[sflag:s29] =	ssyncadd.s32 $0xFFFFFFFF  }
0xc6: {  	_ =	strace $0x9000004E  }
0xc7: {  	_ =	sfence  }
0xc8: {  	s30 =	sld [smem:$0x0];
	_ =	sdelay $0x2  }
0xc9: {  	s31 =	sshll.u32 s1, $0xD;
	s1 =	sshrl.u32 s1, $0x2  }
0xca: {  	s4 =	sand.u32 $0x4000, s31;
	s1 =	sadd.s32 s1, s30  }
0xcb: {  	s0 =	sor.u32 s4, s0;
	s1 =	sshll.u32 s1, $0x11  }
0xcc: {  	s0 =	sor.u32 s1, s0  }
0xcd: {  	s0 =	sadd.s32 $0x8F2B, s0  }
0xce: {  	[sflag:s0] =	ssyncadd.remote.s32 $0x1  }
0xcf: {  	_ =	sfence.sel $0xFFFF  }
0xd0: {  	[dreg:$0x0] =	wrdreg $0xFFFFFFFF;
	(pc) =	sbr.abs _section_cstart, $3  }
0xd1: {  	[dreg:$0x1] =	wrdreg $0xFFFFFFFF  }
0xd2: {  	_ =	task.clear_ibuf [dreg:s22], $0x2FFFF;
	_ =	strace $0x9FFFFFFF  }
0xd3: {  	(tm) =	ssettm $0x7FFFFFFF  }
tec
execute0_lowered:
.L_overlay_start_1:
0x0: {  	(tag) =	ssettag $0x1  }
0x1: {  	s0 =	rddreg [dreg:$0x0]  }
0x2: {  	s2 =	rddreg [dreg:$0x2]  }
0x3: {  	s3 =	rddreg [dreg:$0x3]  }
0x4: {  	s4 =	simm.s32 $0x0;
	s1 =	srdreg.scid;
	s9 =	stileid.u32  }
0x5: {  	s18 =	simm.s32 $0x1400;
	s19 =	simm.s32 $0x80;
	s20 =	simm.s32 $0x2880  }
0x6: {  	s21 =	simm.s32 $0x6880;
	s23 =	simm.s32 $0x1;
	s28 =	simm.s32 $0x2700  }
0x7: {  	s29 =	simm.s32 $0x2780;
	[smem:$0x7FF] =	sst s4;
	s12 =	smul.u32 $0x50000, s9  }
0x8: {  	s1 =	sand.u32 $0x1, s1;
	s5 =	sadd.s32 $0x5600, s0;
	s13 =	smul.u32 $0xA00, s9  }
0x9: {  	s6 =	sadd.s32 $0xC4E00, s0;
	s8 =	sadd.s32 $0xBAE00, s0;
	s31 =	smul.u32 $0x28, s9  }
0xa: {  	s7 =	sadd.s32 $0x40800, s0;
	s10 =	sadd.s32 $0x43000, s0;
	s16 =	smul.u32 $0x78, s9  }
0xb: {  	s15 =	sshll.u32 s9, $0x6;
	s22 =	smul.u32 $0x2800, s9;
	_ =	strace $0x8000004D  }
0xc: {  	s24 =	smul.u32 $0x28000, s1;
	[dreg:$0x5] =	wrdreg s7;
	s11 =	ssub.s32 $0x2, s1  }
0xd: {  	s25 =	sshll.u32 s1, $0x4;
	p0 =	seq.s32 s1, $0x0;
	s26 =	sshrl.u32 s11, $0x1  }
0xe: {  	s30 =	sshrl.u32 s12, $0x2;
	s13 =	sshrl.u32 s13, $0x2;
	s12 =	sor.u32 $0x1C03, s15  }
0xf: {  	s15 =	simm.s32 $0x3;
	s4 =	sadd.s32 s24, s0;
	s0 =	sadd.s32 s25, s0  }
0x10: {  	s7 =	ssub.s32 s11, s26;
	s14 =	sadd.s32 s30, s2;
	s11 =	sadd.s32 $0x780, s31  }
0x11: {  	s17 =	sadd.s32 s13, s3;
	s24 =	smul.u32 $0xA0, s9;
	s25 =	simm.s32 $0x2  }
0x12: {  	s26 =	simm.s32 $0x1380;
	s11 =	smov.u32 @p0 s16;
	s4 =	sadd.s32 $0x43200, s4  }
0x13: {  	s0 =	sadd.s32 $0x93200, s0;
	s13 =	smax.u32 s7, $0x1;
	s14 =	sshrl.u32 s14, $0x3  }
0x14: {  	s16 =	sshrl.u32 s17, $0x3;
	s17 =	simm.s32 $0x2800;
	p0 =	sne.s32 s1, $0x0  }
0x15: {  	s22 =	sadd.s32 s22, s4;
	s24 =	sadd.s32 s24, s0;
	s0 =	simm.s32 $0x0  }
.LBB2_1:
0x16: {  	s1 =	rddreg [dreg:$0x5]  }
0x17: {  	[spmem:s14], [sflag:s12] =	dma.local [hbm:s1], $0x2800  }
0x18: {  	_ =	swait.ge [sflag:s15], $0x2800  }
0x19: {  	[sflag:s15] =	ssyncset.done $0x0  }
0x1a: {  	[sflag:s15] =	ssyncadd.s32 $0xFFFFD800  }
0x1b: {  	s30 =	rddreg [dreg:$0x1]  }
0x1c: {  	[spmem:s16], [sflag:s12] =	dma.local [hbm:s30], $0x50  }
0x1d: {  	_ =	swait.ge [sflag:s15], $0x50  }
0x1e: {  	[sflag:s15] =	ssyncset.done $0x0  }
0x1f: {  	s31 =	simm.s32 $0x0;
	[sflag:s15] =	ssyncadd.s32 $0xFFFFFFB0  }
0x20: {  	[tilespmem:s17], [sflag:$0x3] =	stream.linear.gather [hbm4b:s10+s31], $0x80, $0x38;
	[tilespmem:$0x1EB00] =	vst v63  }
0x21: {  	_ =	swait.ge [sflag:s15], $0x80  }
0x22: {  	[sflag:s15] =	ssyncset.done $0x0  }
0x23: {  	[sflag:s15] =	ssyncadd.s32 $0xFFFFFF80  }
0x24: {  	s7 =	simm.s32 $0x0;
	[bflag:$0x0] =	sbarrier.arrive $0xFFFF  }
.LBB2_2:
0x25: {  	s1 =	smul.u32 $0x28, s7;
	_ =	sdelay $0x1  }
0x26: {  	s1 =	sadd.s32 s11, s1  }
0x27: {  	s1 =	sshll.u32 s1, $0x4  }
0x28: {  	s30 =	simm.s32 $0x0;
	s4 =	sadd.s32 s6, s1  }
0x29: {  	[tilespmem:s30], [sflag:$0x3] =	stream.linear.gather [hbm4b:s4+s30], $0x1400, $0x38;
	[tilespmem:$0x1EB00] =	vst v63  }
0x2a: {  	_ =	swait.ge [sflag:s15], $0x1400  }
0x2b: {  	[sflag:s15] =	ssyncset.done $0x0  }
0x2c: {  	s1 =	sadd.s32 s8, s1;
	[sflag:s15] =	ssyncadd.s32 $0xFFFFEC00  }
0x2d: {  	[tilespmem:s18], [sflag:$0x3] =	stream.linear.gather [hbm4b:s1+s30], $0x1400, $0x38;
	[tilespmem:$0x1EB00] =	vst v63  }
0x2e: {  	_ =	swait.ge [sflag:s15], $0x1400  }
0x2f: {  	[sflag:s15] =	ssyncset.done $0x0  }
0x30: {  	[sflag:s15] =	ssyncadd.s32 $0xFFFFEC00  }
0x31: {  	[tilespmem:s20], [sflag:$0x1] =	stream.indirect.gather [hbm4b:s5+s19], $0x80, s30, s19, $0xb8;
	[tilespmem:$0x1EB00] =	vst v63  }
0x32: {  	s4 =	simm.s32 $0x80  }
0x33: {  	[tilespmem:s21], [sflag:$0x2] =	stream.indirect.gather [hbm4b:s5+s19], $0x80, s4, s19, $0xb8;
	[tilespmem:$0x1EB00] =	vst v63  }
0x34: {  	_ =	swait.ge [sflag:s23], $0x4000  }
0x35: {  	[sflag:s23] =	ssyncset.done $0x0  }
0x36: {  	s9 =	simm.s32 $0x1400;
	[sflag:s23] =	ssyncadd.s32 $0xFFFFC000  }
0x37: {  	[spmem:s2] =	stream.indirect.scatter.add.f32 [tilespmem:s20], [sflag:$0x3], $0x80, s9, s19, $0xb8;
	[tilespmem:$0x1EB00] =	vst v63  }
0x38: {  	_ =	swait.ge [sflag:s15], $0x4000  }
0x39: {  	[sflag:s15] =	ssyncset.done $0x0  }
0x3a: {  	[sflag:s15] =	ssyncadd.s32 $0xFFFFC000  }
0x3b: {  	[spmem:s3] =	stream.indirect.scatter.add.f32 [tilespmem:s17], [sflag:$0x3], $0x1, s9, s19, $0xb8;
	[tilespmem:$0x1EB00] =	vst v63  }
0x3c: {  	_ =	swait.ge [sflag:s15], $0x80  }
0x3d: {  	[sflag:s15] =	ssyncset.done $0x0  }
0x3e: {  	s30 =	simm.s32 $0x100;
	[sflag:s15] =	ssyncadd.s32 $0xFFFFFF80  }
0x3f: {  	[tilespmem:s20], [sflag:$0x1] =	stream.indirect.gather [hbm4b:s5+s19], $0x80, s30, s19, $0xb8;
	[tilespmem:$0x1EB00] =	vst v63  }
0x40: {  	_ =	swait.ge [sflag:s25], $0x4000  }
0x41: {  	[sflag:s25] =	ssyncset.done $0x0  }
0x42: {  	s31 =	simm.s32 $0x1480;
	[sflag:s25] =	ssyncadd.s32 $0xFFFFC000  }
0x43: {  	[spmem:s2] =	stream.indirect.scatter.add.f32 [tilespmem:s21], [sflag:$0x3], $0x80, s31, s19, $0xb8;
	[tilespmem:$0x1EB00] =	vst v63  }
0x44: {  	_ =	swait.ge [sflag:s15], $0x4000  }
0x45: {  	[sflag:s15] =	ssyncset.done $0x0  }
0x46: {  	[sflag:s15] =	ssyncadd.s32 $0xFFFFC000  }
0x47: {  	[spmem:s3] =	stream.indirect.scatter.add.f32 [tilespmem:s17], [sflag:$0x3], $0x1, s31, s19, $0xb8;
	[tilespmem:$0x1EB00] =	vst v63  }
0x48: {  	_ =	swait.ge [sflag:s15], $0x80  }
0x49: {  	s1 =	simm.s32 $0x100;
	s4 =	simm.s32 $0x800;
	[sflag:s15] =	ssyncset.done $0x0  }
.LBB2_3:
0x4a: {  	s30 =	sadd.s32 $0x80, s1  }
0x4b: {  	[sflag:s15] =	ssyncadd.s32 $0xFFFFFF80;
	s31 =	smov.u32 s4;
	s9 =	sadd.s32 $0x400, s4  }
0x4c: {  	[tilespmem:s21], [sflag:$0x2] =	stream.indirect.gather [hbm4b:s5+s19], $0x80, s30, s19, $0xb8;
	[tilespmem:$0x1EB00] =	vst v63  }
0x4d: {  	p1 =	sne.s32 s4, $0x4800;
	_ =	swait.ge [sflag:s23], $0x4000  }
0x4e: {  	[sflag:s23] =	ssyncset.done $0x0  }
0x4f: {  	s4 =	sadd.s32 $0x1400, s1;
	[sflag:s23] =	ssyncadd.s32 $0xFFFFC000  }
0x50: {  	[spmem:s2] =	stream.indirect.scatter.add.f32 [tilespmem:s20], [sflag:$0x3], $0x80, s4, s19, $0xb8;
	[tilespmem:$0x1EB00] =	vst v63  }
0x51: {  	_ =	swait.ge [sflag:s15], $0x4000  }
0x52: {  	[sflag:s15] =	ssyncset.done $0x0  }
0x53: {  	[sflag:s15] =	ssyncadd.s32 $0xFFFFC000  }
0x54: {  	[spmem:s3] =	stream.indirect.scatter.add.f32 [tilespmem:s17], [sflag:$0x3], $0x1, s4, s19, $0xb8;
	[tilespmem:$0x1EB00] =	vst v63  }
0x55: {  	_ =	swait.ge [sflag:s15], $0x80  }
0x56: {  	[sflag:s15] =	ssyncset.done $0x0  }
0x57: {  	s4 =	sadd.s32 $0x100, s1;
	[sflag:s15] =	ssyncadd.s32 $0xFFFFFF80  }
0x58: {  	[tilespmem:s20], [sflag:$0x1] =	stream.indirect.gather [hbm4b:s5+s19], $0x80, s4, s19, $0xb8;
	[tilespmem:$0x1EB00] =	vst v63  }
0x59: {  	_ =	swait.ge [sflag:s25], $0x4000  }
0x5a: {  	[sflag:s25] =	ssyncset.done $0x0  }
0x5b: {  	s1 =	sadd.s32 $0x1480, s1;
	[sflag:s25] =	ssyncadd.s32 $0xFFFFC000  }
0x5c: {  	[spmem:s2] =	stream.indirect.scatter.add.f32 [tilespmem:s21], [sflag:$0x3], $0x80, s1, s19, $0xb8;
	[tilespmem:$0x1EB00] =	vst v63  }
0x5d: {  	_ =	swait.ge [sflag:s15], $0x4000  }
.Ltmp0:
0x5e: {  	[sflag:s15] =	ssyncset.done $0x0;
	(pc) =	sbr.rel @p1 .LBB2_3-.Ltmp0, $4  }
0x5f: {  	[sflag:s15] =	ssyncadd.s32 $0xFFFFC000  }
0x60: {  	[spmem:s3] =	stream.indirect.scatter.add.f32 [tilespmem:s17], [sflag:$0x3], $0x1, s1, s19, $0xb8;
	[tilespmem:$0x1EB00] =	vst v63  }
0x61: {  	_ =	swait.ge [sflag:s15], $0x80  }
0x62: {  	s4 =	smov.u32 s9;
	s1 =	sshra.s32 s31, $0x2;
	[sflag:s15] =	ssyncset.done $0x0  }
0x63: {  	s4 =	sadd.s32 $0x80, s1;
	[sflag:s15] =	ssyncadd.s32 $0xFFFFFF80  }
0x64: {  	[tilespmem:s21], [sflag:$0x2] =	stream.indirect.gather [hbm4b:s5+s19], $0x80, s4, s19, $0xb8;
	[tilespmem:$0x1EB00] =	vst v63  }
0x65: {  	_ =	swait.ge [sflag:s23], $0x4000  }
0x66: {  	[sflag:s23] =	ssyncset.done $0x0  }
0x67: {  	s9 =	sadd.s32 $0x1400, s1;
	[sflag:s23] =	ssyncadd.s32 $0xFFFFC000  }
0x68: {  	[spmem:s2] =	stream.indirect.scatter.add.f32 [tilespmem:s20], [sflag:$0x3], $0x80, s9, s19, $0xb8;
	[tilespmem:$0x1EB00] =	vst v63  }
0x69: {  	_ =	swait.ge [sflag:s15], $0x4000  }
0x6a: {  	[sflag:s15] =	ssyncset.done $0x0  }
0x6b: {  	[sflag:s15] =	ssyncadd.s32 $0xFFFFC000  }
0x6c: {  	[spmem:s3] =	stream.indirect.scatter.add.f32 [tilespmem:s17], [sflag:$0x3], $0x1, s9, s19, $0xb8;
	[tilespmem:$0x1EB00] =	vst v63  }
0x6d: {  	_ =	swait.ge [sflag:s15], $0x80  }
0x6e: {  	[sflag:s15] =	ssyncset.done $0x0  }
0x6f: {  	s30 =	sadd.s32 $0x100, s1;
	[sflag:s15] =	ssyncadd.s32 $0xFFFFFF80  }
0x70: {  	[tilespmem:s20], [sflag:$0x1] =	stream.indirect.gather [hbm4b:s5+s19], $0x80, s30, s19, $0xb8;
	[tilespmem:$0x1EB00] =	vst v63  }
0x71: {  	_ =	swait.ge [sflag:s25], $0x4000  }
0x72: {  	[sflag:s25] =	ssyncset.done $0x0  }
0x73: {  	s31 =	sadd.s32 $0x1480, s1;
	[sflag:s25] =	ssyncadd.s32 $0xFFFFC000  }
0x74: {  	[spmem:s2] =	stream.indirect.scatter.add.f32 [tilespmem:s21], [sflag:$0x3], $0x80, s31, s19, $0xb8;
	[tilespmem:$0x1EB00] =	vst v63  }
0x75: {  	_ =	swait.ge [sflag:s15], $0x4000  }
0x76: {  	[sflag:s15] =	ssyncset.done $0x0  }
0x77: {  	[sflag:s15] =	ssyncadd.s32 $0xFFFFC000  }
0x78: {  	[spmem:s3] =	stream.indirect.scatter.add.f32 [tilespmem:s17], [sflag:$0x3], $0x1, s31, s19, $0xb8;
	[tilespmem:$0x1EB00] =	vst v63  }
0x79: {  	_ =	swait.ge [sflag:s15], $0x80  }
0x7a: {  	[sflag:s15] =	ssyncset.done $0x0  }
0x7b: {  	[sflag:s15] =	ssyncadd.s32 $0xFFFFFF80  }
0x7c: {  	[tilespmem:s21], [sflag:$0x2] =	stream.indirect.gather [hbm4b:s5+s19], $0x80, s26, s19, $0xb8;
	[tilespmem:$0x1EB00] =	vst v63  }
0x7d: {  	_ =	swait.ge [sflag:s23], $0x4000  }
0x7e: {  	[sflag:s23] =	ssyncset.done $0x0  }
0x7f: {  	[sflag:s23] =	ssyncadd.s32 $0xFFFFC000  }
0x80: {  	[spmem:s2] =	stream.indirect.scatter.add.f32 [tilespmem:s20], [sflag:$0x3], $0x80, s28, s19, $0xb8;
	[tilespmem:$0x1EB00] =	vst v63  }
0x81: {  	_ =	swait.ge [sflag:s15], $0x4000  }
0x82: {  	[sflag:s15] =	ssyncset.done $0x0  }
0x83: {  	[sflag:s15] =	ssyncadd.s32 $0xFFFFC000  }
0x84: {  	[spmem:s3] =	stream.indirect.scatter.add.f32 [tilespmem:s17], [sflag:$0x3], $0x1, s28, s19, $0xb8;
	[tilespmem:$0x1EB00] =	vst v63  }
0x85: {  	_ =	swait.ge [sflag:s15], $0x80  }
0x86: {  	[sflag:s15] =	ssyncset.done $0x0  }
0x87: {  	[sflag:s15] =	ssyncadd.s32 $0xFFFFFF80  }
0x88: {  	_ =	swait.ge [sflag:s25], $0x4000  }
0x89: {  	[sflag:s25] =	ssyncset.done $0x0  }
0x8a: {  	[sflag:s25] =	ssyncadd.s32 $0xFFFFC000  }
0x8b: {  	[spmem:s2] =	stream.indirect.scatter.add.f32 [tilespmem:s21], [sflag:$0x3], $0x80, s29, s19, $0xb8;
	[tilespmem:$0x1EB00] =	vst v63  }
0x8c: {  	p1 =	slt.u32 @!p0 s7, $0x2;
	_ =	swait.ge [sflag:s15], $0x4000  }
0x8d: {  	p1 =	por p0, !p1;
	[sflag:s15] =	ssyncset.done $0x0  }
.Ltmp1:
0x8e: {  	[sflag:s15] =	ssyncadd.s32 $0xFFFFC000;
	(pc) =	sbr.rel @!p1 .LBB2_2-.Ltmp1, $4  }
0x8f: {  	[spmem:s3] =	stream.indirect.scatter.add.f32 [tilespmem:s17], [sflag:$0x3], $0x1, s29, s19, $0xb8;
	[tilespmem:$0x1EB00] =	vst v63  }
0x90: {  	_ =	swait.ge [sflag:s15], $0x80  }
0x91: {  	[sflag:s15] =	ssyncset.done $0x0  }
0x92: {  	s7 =	sadd.s32 $0x1, s7;
	[sflag:s15] =	ssyncadd.s32 $0xFFFFFF80  }
0x93: {  	[bflag:$0x0] =	sbarrier.arrive $0xFFFF  }
0x94: {  	[hbm:s22], [sflag:s12] =	dma.local [spmem:s14], $0x2800  }
0x95: {  	s0 =	sadd.s32 $0x1, s0;
	_ =	swait.ge [sflag:s15], $0x2800  }
0x96: {  	s1 =	simm.s32 $0x20;
	p1 =	sne.s32 s0, s13;
	[sflag:s15] =	ssyncset.done $0x0  }
.Ltmp2:
0x97: {  	s4 =	simm.s32 $0x10;
	[sflag:s15] =	ssyncadd.s32 $0xFFFFD800;
	(pc) =	sbr.rel @p1 .LBB2_1-.Ltmp2, $4  }
0x98: {  	[hbm:s24@s1], [sflag:s12] =	dma.strided [spmem:s16@s4], $0x50, s23, $0x10   }
0x99: {  	_ =	swait.ge [sflag:s15], $0x50  }
0x9a: {  	[sflag:s15] =	ssyncset.done $0x0  }
0x9b: {  	[sflag:s15] =	ssyncadd.s32 $0xFFFFFFB0  }
0x9c: {  	_ =	sfence.sel $0x180000  }
0x9d: {  	[bflag:$0x0] =	sbarrier.arrive $0xFFFF  }
0x9e: {  	_ =	strace $0x9000004D  }
0x9f: {  	s0 =	stileid.u32;
	[bflag:$0x2] =	sbarrier.arrive $0xFFFF  }
0xa0: {  	p0 =	sne.s32 s0, $0x0;
	s0 =	rddreg [dreg:$0x4]  }
0xa1: {  	s0 =	sadd.s32 @!p0 $0x100000, s0  }
0xa2: {  	[sflag:s0] =	ssyncadd.tile.s32 @!p0 $0x1;
	_ =	shalt  }
.Lfunc_end2:
_tile_overlayer_lowered:
.L_overlay_start_2:
0xa3: {  	(tag) =	ssettag $0x2  }
0xa4: {  	s0 =	rddreg [dreg:$0x0];
	s2 =	stileid.u32  }
0xa5: {  	s1 =	rddreg [dreg:$0x1];
	p0 =	sne.s32 s2, $0x0  }
0xa6: {  	s3 =	rddreg [dreg:$0x2];
	[bflag:$0x3] =	sbarrier.arrive $0xFFFF;
	s2 =	simm.s32 @!p0 $0x1C03  }
0xa7: {  	[timem:s3], [sflag:s2] =	dma.local @!p0 [hbm:s0], s1  }
0xa8: {  	s0 =	simm.s32 @!p0 $0x3  }
0xa9: {  	_ =	swait.ge @!p0 [sflag:s0], s1  }
0xaa: {  	s1 =	ssub.s32 @!p0 $0x0, s1;
	[sflag:s0] =	ssyncset.done @!p0 $0x0  }
0xab: {  	[sflag:s0] =	ssyncadd.s32 @!p0 s1  }
0xac: {  	[bflag:$0x3] =	sbarrier.arrive $0xFFFF  }
0xad: {  	_ =	shalt  }

</sc_bundles>
